<compile_context>
chip_gen: v7x
topology: tpu7x:2x2x1
jax: 0.10.2.dev20260603
libtpu: 0.0.44.dev20260713+nightly
codegen_flags: <defaults>
</compile_context>

<pallas_src>
import functools

import jax
import jax.numpy as jnp
from jax import lax
from jax.experimental import pallas as pl
from jax.experimental.pallas import tpu as pltpu
from jax.experimental.pallas import tpu_sc as plsc

R = 128
N = 32768
K = 64
NC = 2
NS = 16
L = 16
NW = NC * NS
RPW = R // NW
GV = 16
GE = GV * L
NG = N // GE
NGV = NG // L

_BIG = 2**31 - 1


def _build(xv, m2, lane0):
    def build_group(g, carry):
        acc = xv[pl.ds(g * GE, L)]
        for j in range(1, GV):
            acc = jnp.maximum(acc, xv[pl.ds(g * GE + j * L, L)])
        gm = jnp.max(acc)
        plsc.store_scatter(
            m2, [jnp.full((L,), g, jnp.int32)],
            jnp.full((L,), gm, jnp.float32), mask=lane0)
        return carry

    lax.fori_loop(0, NG, build_group, 0)


def _step(xv, m2, outv, outi, k, lanes, lane0):
    neg = jnp.float32(-jnp.inf)
    bv = m2[pl.ds(0, L)]
    bs = lanes
    for i in range(1, NGV):
        v = m2[pl.ds(i * L, L)]
        m = v > bv
        bv = jnp.maximum(bv, v)
        bs = jnp.where(m, lanes + (i * L), bs)
    gmax = jnp.max(bv)
    gstar = jnp.min(jnp.where(bv == gmax, bs, _BIG))
    base = gstar * GE
    iacc = jnp.full((L,), _BIG, jnp.int32)
    macc = jnp.full((L,), neg, jnp.float32)
    ccc = jnp.zeros((L,), jnp.int32)
    for j in range(GV):
        v = xv[pl.ds(base + j * L, L)]
        eq = v == gmax
        iacc = jnp.minimum(iacc, jnp.where(eq, lanes + (base + j * L), _BIG))
        macc = jnp.maximum(macc, jnp.where(eq, neg, v))
        ccc = ccc + jnp.where(eq, 1, 0)
    bi = jnp.min(iacc)
    newmax = jnp.where(jnp.sum(ccc) > 1, gmax, jnp.max(macc))
    kidx = jnp.full((L,), k, jnp.int32)
    plsc.store_scatter(outv, [kidx], jnp.full((L,), gmax, jnp.float32),
                       mask=lane0)
    plsc.store_scatter(outi, [kidx], jnp.full((L,), bi, jnp.int32),
                       mask=lane0)
    q = (bi >> 4) << 4
    lane = bi - q
    vq = xv[pl.ds(q, L)]
    xv[pl.ds(q, L)] = jnp.where(lanes == lane, neg, vq)
    plsc.store_scatter(
        m2, [jnp.full((L,), gstar, jnp.int32)],
        jnp.full((L,), newmax, jnp.float32), mask=lane0)


def _extract_pair(xva, m2a, outva, outia, xvb, m2b, outvb, outib,
                  lanes, lane0):
    def extract(k, carry):
        _step(xva, m2a, outva, outia, k, lanes, lane0)
        _step(xvb, m2b, outvb, outib, k, lanes, lane0)
        return carry

    lax.fori_loop(0, K, extract, 0)


@functools.partial(
    pl.kernel,
    out_type=(
        jax.ShapeDtypeStruct((R, K), jnp.float32),
        jax.ShapeDtypeStruct((R, K), jnp.int32),
    ),
    mesh=plsc.VectorSubcoreMesh(
        core_axis_name="c", subcore_axis_name="s",
        num_cores=NC, num_subcores=NS),
    compiler_params=pltpu.CompilerParams(needs_layout_passes=False),
    scratch_types=[
        pltpu.VMEM((N,), jnp.float32),
        pltpu.VMEM((N,), jnp.float32),
        pltpu.VMEM((N,), jnp.float32),
        pltpu.VMEM((NG,), jnp.float32),
        pltpu.VMEM((NG,), jnp.float32),
        pltpu.VMEM((K,), jnp.float32),
        pltpu.VMEM((K,), jnp.int32),
        pltpu.VMEM((K,), jnp.float32),
        pltpu.VMEM((K,), jnp.int32),
        pltpu.SemaphoreType.DMA,
        pltpu.SemaphoreType.DMA,
        pltpu.SemaphoreType.DMA,
    ],
)
def _topk_sc(x_hbm, vals_hbm, idx_hbm, bufa, bufb, bufc, m2a, m2b,
             outva, outia, outvb, outib, sema, semb, semc):
    wid = lax.axis_index("s") * NC + lax.axis_index("c")
    lanes = lax.iota(jnp.int32, L)
    lane0 = lanes == 0
    r0 = wid * RPW

    def flush(row_lo):
        pltpu.sync_copy(outva, vals_hbm.at[row_lo])
        pltpu.sync_copy(outia, idx_hbm.at[row_lo])
        pltpu.sync_copy(outvb, vals_hbm.at[row_lo + 1])
        pltpu.sync_copy(outib, idx_hbm.at[row_lo + 1])

    h0 = pltpu.async_copy(x_hbm.at[r0], bufa, sema)
    h1 = pltpu.async_copy(x_hbm.at[r0 + 1], bufb, semb)
    h0.wait()
    _build(bufa, m2a, lane0)
    h2 = pltpu.async_copy(x_hbm.at[r0 + 2], bufc, semc)
    h1.wait()
    _build(bufb, m2b, lane0)
    _extract_pair(bufa, m2a, outva, outia, bufb, m2b, outvb, outib,
                  lanes, lane0)
    flush(r0)
    h3 = pltpu.async_copy(x_hbm.at[r0 + 3], bufa, sema)
    h2.wait()
    _build(bufc, m2a, lane0)
    h3.wait()
    _build(bufa, m2b, lane0)
    _extract_pair(bufc, m2a, outva, outia, bufa, m2b, outvb, outib,
                  lanes, lane0)
    flush(r0 + 2)


def kernel(x):
    vals, idx = _topk_sc(x)
    return vals, idx.astype(jnp.int64)

# --- scband reference (transcript-rebuilt; emitter-appended) ---
"""Pipeline reference for scband-top-kmodel-with-out-47124381172285 (READ-ONLY COPY).

The authoritative reference and input builder live on the scoring server;
editing this copy changes nothing except your own understanding.
"""

import jax, jax.numpy as jnp
import numpy as np

K = 64

def setup_inputs(seed: int = 0) -> dict:
    key = jax.random.key(seed)
    x = jax.random.normal(key, (128, 32768), dtype=jnp.float32)
    return {"x": x}

def reference(x):
    # Faithful translation of torch.topk(x, k) along the last dim
    # (torch default: largest=True, sorted=True -> matches lax.top_k)
    values, indices = jax.lax.top_k(x, K)
    return (values.astype(jnp.float32), indices.astype(jnp.int64))

if __name__ == "__main__":
    import jax
    _d = setup_inputs()
    print(jax.jit(kernel)(*tuple(_d.values())))

</pallas_src>

<mosaic_0001>
#map = affine_map<(d0, d1) -> (0, 0)>
module attributes {stable_mosaic.version = 14 : i64} {
  func.func @_topk_sc(%arg0: i32, %arg1: i32, %arg2: memref<128x32768xf32, #tpu.memory_space<hbm>>, %arg3: memref<128x64xf32, #tpu.memory_space<hbm>>, %arg4: memref<128x64xi32, #tpu.memory_space<hbm>>, %arg5: memref<32768xf32, #tpu.memory_space<vmem>>, %arg6: memref<32768xf32, #tpu.memory_space<vmem>>, %arg7: memref<32768xf32, #tpu.memory_space<vmem>>, %arg8: memref<128xf32, #tpu.memory_space<vmem>>, %arg9: memref<128xf32, #tpu.memory_space<vmem>>, %arg10: memref<64xf32, #tpu.memory_space<vmem>>, %arg11: memref<64xi32, #tpu.memory_space<vmem>>, %arg12: memref<64xf32, #tpu.memory_space<vmem>>, %arg13: memref<64xi32, #tpu.memory_space<vmem>>, %arg14: memref<!tpu.dma_semaphore, #tpu.memory_space<semaphore_mem>>, %arg15: memref<!tpu.dma_semaphore, #tpu.memory_space<semaphore_mem>>, %arg16: memref<!tpu.dma_semaphore, #tpu.memory_space<semaphore_mem>>) attributes {dimension_semantics = [#tpu.dimension_semantics<core_parallel>, #tpu.dimension_semantics<subcore_parallel>], iteration_bounds = array<i64: 2, 16>, scalar_prefetch = 0 : i64, scratch_operands = 12 : i64, tpu.core_type = #tpu.core_type<sc_vector_subcore>, window_params = [{transform_indices = #map}, {transform_indices = #map}, {transform_indices = #map}]} {
    %mul3A = arith.constant 2 : i32
    %mul3A_0 = arith.muli %arg1, %mul3A : i32
    %add3A = arith.addi %mul3A_0, %arg0 : i32
    %iota3A = tpu.iota {dimensions = array<i32: 0>} : vector<16xi32>
    %eq3A = arith.constant 0 : i32
    %eq3A_1 = vector.broadcast %eq3A : i32 to vector<16xi32>
    %eq3A_2 = arith.cmpi eq, %iota3A, %eq3A_1 : vector<16xi32>
    %mul3A_3 = arith.constant 4 : i32
    %mul3A_4 = arith.muli %add3A, %mul3A_3 : i32
    %dma_start3A = arith.constant 0 : i32
    %dma_start3A_5 = tpu.memref_slice %arg2[%mul3A_4, %dma_start3A] : memref<128x32768xf32, #tpu.memory_space<hbm>> -> memref<1x32768xf32, #tpu.memory_space<hbm>>
    %dma_start3A_6 = tpu.memref_squeeze %dma_start3A_5 : memref<1x32768xf32, #tpu.memory_space<hbm>> -> memref<32768xf32, #tpu.memory_space<hbm>>
    %dma_start3A_7 = arith.constant 0 : i32
    %dma_start3A_8 = tpu.memref_slice %arg2[%mul3A_4, %dma_start3A_7] : memref<128x32768xf32, #tpu.memory_space<hbm>> -> memref<1x32768xf32, #tpu.memory_space<hbm>>
    %dma_start3A_9 = tpu.memref_squeeze %dma_start3A_8 : memref<1x32768xf32, #tpu.memory_space<hbm>> -> memref<32768xf32, #tpu.memory_space<hbm>>
    tpu.enqueue_dma source(%dma_start3A_9 : memref<32768xf32, #tpu.memory_space<hbm>>) target(%arg5 : memref<32768xf32, #tpu.memory_space<vmem>>) target_semaphore(%arg14 : memref<!tpu.dma_semaphore, #tpu.memory_space<semaphore_mem>>)
    %add3A_10 = arith.constant 1 : i32
    %add3A_11 = arith.addi %mul3A_4, %add3A_10 : i32
    %dma_start3A_12 = arith.constant 0 : i32
    %dma_start3A_13 = tpu.memref_slice %arg2[%add3A_11, %dma_start3A_12] : memref<128x32768xf32, #tpu.memory_space<hbm>> -> memref<1x32768xf32, #tpu.memory_space<hbm>>
    %dma_start3A_14 = tpu.memref_squeeze %dma_start3A_13 : memref<1x32768xf32, #tpu.memory_space<hbm>> -> memref<32768xf32, #tpu.memory_space<hbm>>
    %dma_start3A_15 = arith.constant 0 : i32
    %dma_start3A_16 = tpu.memref_slice %arg2[%add3A_11, %dma_start3A_15] : memref<128x32768xf32, #tpu.memory_space<hbm>> -> memref<1x32768xf32, #tpu.memory_space<hbm>>
    %dma_start3A_17 = tpu.memref_squeeze %dma_start3A_16 : memref<1x32768xf32, #tpu.memory_space<hbm>> -> memref<32768xf32, #tpu.memory_space<hbm>>
    tpu.enqueue_dma source(%dma_start3A_17 : memref<32768xf32, #tpu.memory_space<hbm>>) target(%arg6 : memref<32768xf32, #tpu.memory_space<vmem>>) target_semaphore(%arg15 : memref<!tpu.dma_semaphore, #tpu.memory_space<semaphore_mem>>)
    %dma_wait3A = arith.constant 0 : i32
    %dma_wait3A_18 = tpu.memref_slice %arg2[%mul3A_4, %dma_wait3A] : memref<128x32768xf32, #tpu.memory_space<hbm>> -> memref<1x32768xf32, #tpu.memory_space<hbm>>
    %dma_wait3A_19 = tpu.memref_squeeze %dma_wait3A_18 : memref<1x32768xf32, #tpu.memory_space<hbm>> -> memref<32768xf32, #tpu.memory_space<hbm>>
    %dma_wait3A_20 = arith.constant 0 : i32
    %dma_wait3A_21 = tpu.memref_slice %arg2[%mul3A_4, %dma_wait3A_20] : memref<128x32768xf32, #tpu.memory_space<hbm>> -> memref<1x32768xf32, #tpu.memory_space<hbm>>
    %dma_wait3A_22 = tpu.memref_squeeze %dma_wait3A_21 : memref<1x32768xf32, #tpu.memory_space<hbm>> -> memref<32768xf32, #tpu.memory_space<hbm>>
    tpu.wait_dma2 semaphore(%arg14 : memref<!tpu.dma_semaphore, #tpu.memory_space<semaphore_mem>>) src(%dma_wait3A_22 : memref<32768xf32, #tpu.memory_space<hbm>>) dst(%arg5 : memref<32768xf32, #tpu.memory_space<vmem>>)
    %scan3A = arith.constant 0 : i32
    %scan3A_23 = arith.constant 0 : i32
    %scan3A_24 = arith.constant 128 : i32
    %scan3A_25 = arith.addi %scan3A_23, %scan3A_24 : i32
    %scan3A_26 = arith.constant 1 : i32
    scf.for %scan3A_102 = %scan3A_23 to %scan3A_25 step %scan3A_26  : i32 {
      %mul3A_103 = arith.constant 256 : i32
      %mul3A_104 = arith.muli %scan3A_102, %mul3A_103 : i32
      %get3A = arith.index_cast %mul3A_104 : i32 to index
      %get3A_105 = tpu.vector_load %arg5[%get3A] {strides = array<i32>} : memref<32768xf32, #tpu.memory_space<vmem>>, vector<16xf32>,
      %mul3A_106 = arith.constant 256 : i32
      %mul3A_107 = arith.muli %scan3A_102, %mul3A_106 : i32
      %add3A_108 = arith.constant 16 : i32
      %add3A_109 = arith.addi %mul3A_107, %add3A_108 : i32
      %get3A_110 = arith.index_cast %add3A_109 : i32 to index
      %get3A_111 = tpu.vector_load %arg5[%get3A_110] {strides = array<i32>} : memref<32768xf32, #tpu.memory_space<vmem>>, vector<16xf32>,
      %max3A = arith.maximumf %get3A_105, %get3A_111 : vector<16xf32>
      %mul3A_112 = arith.constant 256 : i32
      %mul3A_113 = arith.muli %scan3A_102, %mul3A_112 : i32
      %add3A_114 = arith.constant 32 : i32
      %add3A_115 = arith.addi %mul3A_113, %add3A_114 : i32
      %get3A_116 = arith.index_cast %add3A_115 : i32 to index
      %get3A_117 = tpu.vector_load %arg5[%get3A_116] {strides = array<i32>} : memref<32768xf32, #tpu.memory_space<vmem>>, vector<16xf32>,
      %max3A_118 = arith.maximumf %max3A, %get3A_117 : vector<16xf32>
      %mul3A_119 = arith.constant 256 : i32
      %mul3A_120 = arith.muli %scan3A_102, %mul3A_119 : i32
      %add3A_121 = arith.constant 48 : i32
      %add3A_122 = arith.addi %mul3A_120, %add3A_121 : i32
      %get3A_123 = arith.index_cast %add3A_122 : i32 to index
      %get3A_124 = tpu.vector_load %arg5[%get3A_123] {strides = array<i32>} : memref<32768xf32, #tpu.memory_space<vmem>>, vector<16xf32>,
      %max3A_125 = arith.maximumf %max3A_118, %get3A_124 : vector<16xf32>
      %mul3A_126 = arith.constant 256 : i32
      %mul3A_127 = arith.muli %scan3A_102, %mul3A_126 : i32
      %add3A_128 = arith.constant 64 : i32
      %add3A_129 = arith.addi %mul3A_127, %add3A_128 : i32
      %get3A_130 = arith.index_cast %add3A_129 : i32 to index
      %get3A_131 = tpu.vector_load %arg5[%get3A_130] {strides = array<i32>} : memref<32768xf32, #tpu.memory_space<vmem>>, vector<16xf32>,
      %max3A_132 = arith.maximumf %max3A_125, %get3A_131 : vector<16xf32>
      %mul3A_133 = arith.constant 256 : i32
      %mul3A_134 = arith.muli %scan3A_102, %mul3A_133 : i32
      %add3A_135 = arith.constant 80 : i32
      %add3A_136 = arith.addi %mul3A_134, %add3A_135 : i32
      %get3A_137 = arith.index_cast %add3A_136 : i32 to index
      %get3A_138 = tpu.vector_load %arg5[%get3A_137] {strides = array<i32>} : memref<32768xf32, #tpu.memory_space<vmem>>, vector<16xf32>,
      %max3A_139 = arith.maximumf %max3A_132, %get3A_138 : vector<16xf32>
      %mul3A_140 = arith.constant 256 : i32
      %mul3A_141 = arith.muli %scan3A_102, %mul3A_140 : i32
      %add3A_142 = arith.constant 96 : i32
      %add3A_143 = arith.addi %mul3A_141, %add3A_142 : i32
      %get3A_144 = arith.index_cast %add3A_143 : i32 to index
      %get3A_145 = tpu.vector_load %arg5[%get3A_144] {strides = array<i32>} : memref<32768xf32, #tpu.memory_space<vmem>>, vector<16xf32>,
      %max3A_146 = arith.maximumf %max3A_139, %get3A_145 : vector<16xf32>
      %mul3A_147 = arith.constant 256 : i32
      %mul3A_148 = arith.muli %scan3A_102, %mul3A_147 : i32
      %add3A_149 = arith.constant 112 : i32
      %add3A_150 = arith.addi %mul3A_148, %add3A_149 : i32
      %get3A_151 = arith.index_cast %add3A_150 : i32 to index
      %get3A_152 = tpu.vector_load %arg5[%get3A_151] {strides = array<i32>} : memref<32768xf32, #tpu.memory_space<vmem>>, vector<16xf32>,
      %max3A_153 = arith.maximumf %max3A_146, %get3A_152 : vector<16xf32>
      %mul3A_154 = arith.constant 256 : i32
      %mul3A_155 = arith.muli %scan3A_102, %mul3A_154 : i32
      %add3A_156 = arith.constant 128 : i32
      %add3A_157 = arith.addi %mul3A_155, %add3A_156 : i32
      %get3A_158 = arith.index_cast %add3A_157 : i32 to index
      %get3A_159 = tpu.vector_load %arg5[%get3A_158] {strides = array<i32>} : memref<32768xf32, #tpu.memory_space<vmem>>, vector<16xf32>,
      %max3A_160 = arith.maximumf %max3A_153, %get3A_159 : vector<16xf32>
      %mul3A_161 = arith.constant 256 : i32
      %mul3A_162 = arith.muli %scan3A_102, %mul3A_161 : i32
      %add3A_163 = arith.constant 144 : i32
      %add3A_164 = arith.addi %mul3A_162, %add3A_163 : i32
      %get3A_165 = arith.index_cast %add3A_164 : i32 to index
      %get3A_166 = tpu.vector_load %arg5[%get3A_165] {strides = array<i32>} : memref<32768xf32, #tpu.memory_space<vmem>>, vector<16xf32>,
      %max3A_167 = arith.maximumf %max3A_160, %get3A_166 : vector<16xf32>
      %mul3A_168 = arith.constant 256 : i32
      %mul3A_169 = arith.muli %scan3A_102, %mul3A_168 : i32
      %add3A_170 = arith.constant 160 : i32
      %add3A_171 = arith.addi %mul3A_169, %add3A_170 : i32
      %get3A_172 = arith.index_cast %add3A_171 : i32 to index
      %get3A_173 = tpu.vector_load %arg5[%get3A_172] {strides = array<i32>} : memref<32768xf32, #tpu.memory_space<vmem>>, vector<16xf32>,
      %max3A_174 = arith.maximumf %max3A_167, %get3A_173 : vector<16xf32>
      %mul3A_175 = arith.constant 256 : i32
      %mul3A_176 = arith.muli %scan3A_102, %mul3A_175 : i32
      %add3A_177 = arith.constant 176 : i32
      %add3A_178 = arith.addi %mul3A_176, %add3A_177 : i32
      %get3A_179 = arith.index_cast %add3A_178 : i32 to index
      %get3A_180 = tpu.vector_load %arg5[%get3A_179] {strides = array<i32>} : memref<32768xf32, #tpu.memory_space<vmem>>, vector<16xf32>,
      %max3A_181 = arith.maximumf %max3A_174, %get3A_180 : vector<16xf32>
      %mul3A_182 = arith.constant 256 : i32
      %mul3A_183 = arith.muli %scan3A_102, %mul3A_182 : i32
      %add3A_184 = arith.constant 192 : i32
      %add3A_185 = arith.addi %mul3A_183, %add3A_184 : i32
      %get3A_186 = arith.index_cast %add3A_185 : i32 to index
      %get3A_187 = tpu.vector_load %arg5[%get3A_186] {strides = array<i32>} : memref<32768xf32, #tpu.memory_space<vmem>>, vector<16xf32>,
      %max3A_188 = arith.maximumf %max3A_181, %get3A_187 : vector<16xf32>
      %mul3A_189 = arith.constant 256 : i32
      %mul3A_190 = arith.muli %scan3A_102, %mul3A_189 : i32
      %add3A_191 = arith.constant 208 : i32
      %add3A_192 = arith.addi %mul3A_190, %add3A_191 : i32
      %get3A_193 = arith.index_cast %add3A_192 : i32 to index
      %get3A_194 = tpu.vector_load %arg5[%get3A_193] {strides = array<i32>} : memref<32768xf32, #tpu.memory_space<vmem>>, vector<16xf32>,
      %max3A_195 = arith.maximumf %max3A_188, %get3A_194 : vector<16xf32>
      %mul3A_196 = arith.constant 256 : i32
      %mul3A_197 = arith.muli %scan3A_102, %mul3A_196 : i32
      %add3A_198 = arith.constant 224 : i32
      %add3A_199 = arith.addi %mul3A_197, %add3A_198 : i32
      %get3A_200 = arith.index_cast %add3A_199 : i32 to index
      %get3A_201 = tpu.vector_load %arg5[%get3A_200] {strides = array<i32>} : memref<32768xf32, #tpu.memory_space<vmem>>, vector<16xf32>,
      %max3A_202 = arith.maximumf %max3A_195, %get3A_201 : vector<16xf32>
      %mul3A_203 = arith.constant 256 : i32
      %mul3A_204 = arith.muli %scan3A_102, %mul3A_203 : i32
      %add3A_205 = arith.constant 240 : i32
      %add3A_206 = arith.addi %mul3A_204, %add3A_205 : i32
      %get3A_207 = arith.index_cast %add3A_206 : i32 to index
      %get3A_208 = tpu.vector_load %arg5[%get3A_207] {strides = array<i32>} : memref<32768xf32, #tpu.memory_space<vmem>>, vector<16xf32>,
      %max3A_209 = arith.maximumf %max3A_202, %get3A_208 : vector<16xf32>
      %reduce_max3A = arith.constant true
      %reduce_max3A_210 = vector.broadcast %reduce_max3A : i1 to vector<16xi1>
      %reduce_max3A_211 = tpu.scan <max>, %max3A_209 masked %reduce_max3A_210 : vector<16xf32>, vector<16xi1> -> vector<16xf32>
      %reduce_max3A_212 = vector.extract %reduce_max3A_211[15] : f32 from vector<16xf32>
      %broadcast_in_dim3A = vector.broadcast %scan3A_102 : i32 to vector<16xi32>
      %broadcast_in_dim3A_213 = vector.broadcast %reduce_max3A_212 : f32 to vector<16xf32>
      tpu.vector_store_idx %arg8[%broadcast_in_dim3A], %broadcast_in_dim3A_213 masked %eq3A_2 : memref<128xf32, #tpu.memory_space<vmem>>[vector<16xi32>], vector<16xf32>, vector<16xi1>
    }
    %scan3A_27 = arith.constant 128 : i32
    %add3A_28 = arith.constant 2 : i32
    %add3A_29 = arith.addi %mul3A_4, %add3A_28 : i32
    %dma_start3A_30 = arith.constant 0 : i32
    %dma_start3A_31 = tpu.memref_slice %arg2[%add3A_29, %dma_start3A_30] : memref<128x32768xf32, #tpu.memory_space<hbm>> -> memref<1x32768xf32, #tpu.memory_space<hbm>>
    %dma_start3A_32 = tpu.memref_squeeze %dma_start3A_31 : memref<1x32768xf32, #tpu.memory_space<hbm>> -> memref<32768xf32, #tpu.memory_space<hbm>>
    %dma_start3A_33 = arith.constant 0 : i32
    %dma_start3A_34 = tpu.memref_slice %arg2[%add3A_29, %dma_start3A_33] : memref<128x32768xf32, #tpu.memory_space<hbm>> -> memref<1x32768xf32, #tpu.memory_space<hbm>>
    %dma_start3A_35 = tpu.memref_squeeze %dma_start3A_34 : memref<1x32768xf32, #tpu.memory_space<hbm>> -> memref<32768xf32, #tpu.memory_space<hbm>>
    tpu.enqueue_dma source(%dma_start3A_35 : memref<32768xf32, #tpu.memory_space<hbm>>) target(%arg7 : memref<32768xf32, #tpu.memory_space<vmem>>) target_semaphore(%arg16 : memref<!tpu.dma_semaphore, #tpu.memory_space<semaphore_mem>>)
    %dma_wait3A_36 = arith.constant 0 : i32
    %dma_wait3A_37 = tpu.memref_slice %arg2[%add3A_11, %dma_wait3A_36] : memref<128x32768xf32, #tpu.memory_space<hbm>> -> memref<1x32768xf32, #tpu.memory_space<hbm>>
    %dma_wait3A_38 = tpu.memref_squeeze %dma_wait3A_37 : memref<1x32768xf32, #tpu.memory_space<hbm>> -> memref<32768xf32, #tpu.memory_space<hbm>>
    %dma_wait3A_39 = arith.constant 0 : i32
    %dma_wait3A_40 = tpu.memref_slice %arg2[%add3A_11, %dma_wait3A_39] : memref<128x32768xf32, #tpu.memory_space<hbm>> -> memref<1x32768xf32, #tpu.memory_space<hbm>>
    %dma_wait3A_41 = tpu.memref_squeeze %dma_wait3A_40 : memref<1x32768xf32, #tpu.memory_space<hbm>> -> memref<32768xf32, #tpu.memory_space<hbm>>
    tpu.wait_dma2 semaphore(%arg15 : memref<!tpu.dma_semaphore, #tpu.memory_space<semaphore_mem>>) src(%dma_wait3A_41 : memref<32768xf32, #tpu.memory_space<hbm>>) dst(%arg6 : memref<32768xf32, #tpu.memory_space<vmem>>)
    %scan3A_42 = arith.constant 0 : i32
    %scan3A_43 = arith.constant 0 : i32
    %scan3A_44 = arith.constant 128 : i32
    %scan3A_45 = arith.addi %scan3A_43, %scan3A_44 : i32
    %scan3A_46 = arith.constant 1 : i32
    scf.for %scan3A_102 = %scan3A_43 to %scan3A_45 step %scan3A_46  : i32 {
      %mul3A_103 = arith.constant 256 : i32
      %mul3A_104 = arith.muli %scan3A_102, %mul3A_103 : i32
      %get3A = arith.index_cast %mul3A_104 : i32 to index
      %get3A_105 = tpu.vector_load %arg6[%get3A] {strides = array<i32>} : memref<32768xf32, #tpu.memory_space<vmem>>, vector<16xf32>,
      %mul3A_106 = arith.constant 256 : i32
      %mul3A_107 = arith.muli %scan3A_102, %mul3A_106 : i32
      %add3A_108 = arith.constant 16 : i32
      %add3A_109 = arith.addi %mul3A_107, %add3A_108 : i32
      %get3A_110 = arith.index_cast %add3A_109 : i32 to index
      %get3A_111 = tpu.vector_load %arg6[%get3A_110] {strides = array<i32>} : memref<32768xf32, #tpu.memory_space<vmem>>, vector<16xf32>,
      %max3A = arith.maximumf %get3A_105, %get3A_111 : vector<16xf32>
      %mul3A_112 = arith.constant 256 : i32
      %mul3A_113 = arith.muli %scan3A_102, %mul3A_112 : i32
      %add3A_114 = arith.constant 32 : i32
      %add3A_115 = arith.addi %mul3A_113, %add3A_114 : i32
      %get3A_116 = arith.index_cast %add3A_115 : i32 to index
      %get3A_117 = tpu.vector_load %arg6[%get3A_116] {strides = array<i32>} : memref<32768xf32, #tpu.memory_space<vmem>>, vector<16xf32>,
      %max3A_118 = arith.maximumf %max3A, %get3A_117 : vector<16xf32>
      %mul3A_119 = arith.constant 256 : i32
      %mul3A_120 = arith.muli %scan3A_102, %mul3A_119 : i32
      %add3A_121 = arith.constant 48 : i32
      %add3A_122 = arith.addi %mul3A_120, %add3A_121 : i32
      %get3A_123 = arith.index_cast %add3A_122 : i32 to index
      %get3A_124 = tpu.vector_load %arg6[%get3A_123] {strides = array<i32>} : memref<32768xf32, #tpu.memory_space<vmem>>, vector<16xf32>,
      %max3A_125 = arith.maximumf %max3A_118, %get3A_124 : vector<16xf32>
      %mul3A_126 = arith.constant 256 : i32
      %mul3A_127 = arith.muli %scan3A_102, %mul3A_126 : i32
      %add3A_128 = arith.constant 64 : i32
      %add3A_129 = arith.addi %mul3A_127, %add3A_128 : i32
      %get3A_130 = arith.index_cast %add3A_129 : i32 to index
      %get3A_131 = tpu.vector_load %arg6[%get3A_130] {strides = array<i32>} : memref<32768xf32, #tpu.memory_space<vmem>>, vector<16xf32>,
      %max3A_132 = arith.maximumf %max3A_125, %get3A_131 : vector<16xf32>
      %mul3A_133 = arith.constant 256 : i32
      %mul3A_134 = arith.muli %scan3A_102, %mul3A_133 : i32
      %add3A_135 = arith.constant 80 : i32
      %add3A_136 = arith.addi %mul3A_134, %add3A_135 : i32
      %get3A_137 = arith.index_cast %add3A_136 : i32 to index
      %get3A_138 = tpu.vector_load %arg6[%get3A_137] {strides = array<i32>} : memref<32768xf32, #tpu.memory_space<vmem>>, vector<16xf32>,
      %max3A_139 = arith.maximumf %max3A_132, %get3A_138 : vector<16xf32>
      %mul3A_140 = arith.constant 256 : i32
      %mul3A_141 = arith.muli %scan3A_102, %mul3A_140 : i32
      %add3A_142 = arith.constant 96 : i32
      %add3A_143 = arith.addi %mul3A_141, %add3A_142 : i32
      %get3A_144 = arith.index_cast %add3A_143 : i32 to index
      %get3A_145 = tpu.vector_load %arg6[%get3A_144] {strides = array<i32>} : memref<32768xf32, #tpu.memory_space<vmem>>, vector<16xf32>,
      %max3A_146 = arith.maximumf %max3A_139, %get3A_145 : vector<16xf32>
      %mul3A_147 = arith.constant 256 : i32
      %mul3A_148 = arith.muli %scan3A_102, %mul3A_147 : i32
      %add3A_149 = arith.constant 112 : i32
      %add3A_150 = arith.addi %mul3A_148, %add3A_149 : i32
      %get3A_151 = arith.index_cast %add3A_150 : i32 to index
      %get3A_152 = tpu.vector_load %arg6[%get3A_151] {strides = array<i32>} : memref<32768xf32, #tpu.memory_space<vmem>>, vector<16xf32>,
      %max3A_153 = arith.maximumf %max3A_146, %get3A_152 : vector<16xf32>
      %mul3A_154 = arith.constant 256 : i32
      %mul3A_155 = arith.muli %scan3A_102, %mul3A_154 : i32
      %add3A_156 = arith.constant 128 : i32
      %add3A_157 = arith.addi %mul3A_155, %add3A_156 : i32
      %get3A_158 = arith.index_cast %add3A_157 : i32 to index
      %get3A_159 = tpu.vector_load %arg6[%get3A_158] {strides = array<i32>} : memref<32768xf32, #tpu.memory_space<vmem>>, vector<16xf32>,
      %max3A_160 = arith.maximumf %max3A_153, %get3A_159 : vector<16xf32>
      %mul3A_161 = arith.constant 256 : i32
      %mul3A_162 = arith.muli %scan3A_102, %mul3A_161 : i32
      %add3A_163 = arith.constant 144 : i32
      %add3A_164 = arith.addi %mul3A_162, %add3A_163 : i32
      %get3A_165 = arith.index_cast %add3A_164 : i32 to index
      %get3A_166 = tpu.vector_load %arg6[%get3A_165] {strides = array<i32>} : memref<32768xf32, #tpu.memory_space<vmem>>, vector<16xf32>,
      %max3A_167 = arith.maximumf %max3A_160, %get3A_166 : vector<16xf32>
      %mul3A_168 = arith.constant 256 : i32
      %mul3A_169 = arith.muli %scan3A_102, %mul3A_168 : i32
      %add3A_170 = arith.constant 160 : i32
      %add3A_171 = arith.addi %mul3A_169, %add3A_170 : i32
      %get3A_172 = arith.index_cast %add3A_171 : i32 to index
      %get3A_173 = tpu.vector_load %arg6[%get3A_172] {strides = array<i32>} : memref<32768xf32, #tpu.memory_space<vmem>>, vector<16xf32>,
      %max3A_174 = arith.maximumf %max3A_167, %get3A_173 : vector<16xf32>
      %mul3A_175 = arith.constant 256 : i32
      %mul3A_176 = arith.muli %scan3A_102, %mul3A_175 : i32
      %add3A_177 = arith.constant 176 : i32
      %add3A_178 = arith.addi %mul3A_176, %add3A_177 : i32
      %get3A_179 = arith.index_cast %add3A_178 : i32 to index
      %get3A_180 = tpu.vector_load %arg6[%get3A_179] {strides = array<i32>} : memref<32768xf32, #tpu.memory_space<vmem>>, vector<16xf32>,
      %max3A_181 = arith.maximumf %max3A_174, %get3A_180 : vector<16xf32>
      %mul3A_182 = arith.constant 256 : i32
      %mul3A_183 = arith.muli %scan3A_102, %mul3A_182 : i32
      %add3A_184 = arith.constant 192 : i32
      %add3A_185 = arith.addi %mul3A_183, %add3A_184 : i32
      %get3A_186 = arith.index_cast %add3A_185 : i32 to index
      %get3A_187 = tpu.vector_load %arg6[%get3A_186] {strides = array<i32>} : memref<32768xf32, #tpu.memory_space<vmem>>, vector<16xf32>,
      %max3A_188 = arith.maximumf %max3A_181, %get3A_187 : vector<16xf32>
      %mul3A_189 = arith.constant 256 : i32
      %mul3A_190 = arith.muli %scan3A_102, %mul3A_189 : i32
      %add3A_191 = arith.constant 208 : i32
      %add3A_192 = arith.addi %mul3A_190, %add3A_191 : i32
      %get3A_193 = arith.index_cast %add3A_192 : i32 to index
      %get3A_194 = tpu.vector_load %arg6[%get3A_193] {strides = array<i32>} : memref<32768xf32, #tpu.memory_space<vmem>>, vector<16xf32>,
      %max3A_195 = arith.maximumf %max3A_188, %get3A_194 : vector<16xf32>
      %mul3A_196 = arith.constant 256 : i32
      %mul3A_197 = arith.muli %scan3A_102, %mul3A_196 : i32
      %add3A_198 = arith.constant 224 : i32
      %add3A_199 = arith.addi %mul3A_197, %add3A_198 : i32
      %get3A_200 = arith.index_cast %add3A_199 : i32 to index
      %get3A_201 = tpu.vector_load %arg6[%get3A_200] {strides = array<i32>} : memref<32768xf32, #tpu.memory_space<vmem>>, vector<16xf32>,
      %max3A_202 = arith.maximumf %max3A_195, %get3A_201 : vector<16xf32>
      %mul3A_203 = arith.constant 256 : i32
      %mul3A_204 = arith.muli %scan3A_102, %mul3A_203 : i32
      %add3A_205 = arith.constant 240 : i32
      %add3A_206 = arith.addi %mul3A_204, %add3A_205 : i32
      %get3A_207 = arith.index_cast %add3A_206 : i32 to index
      %get3A_208 = tpu.vector_load %arg6[%get3A_207] {strides = array<i32>} : memref<32768xf32, #tpu.memory_space<vmem>>, vector<16xf32>,
      %max3A_209 = arith.maximumf %max3A_202, %get3A_208 : vector<16xf32>
      %reduce_max3A = arith.constant true
      %reduce_max3A_210 = vector.broadcast %reduce_max3A : i1 to vector<16xi1>
      %reduce_max3A_211 = tpu.scan <max>, %max3A_209 masked %reduce_max3A_210 : vector<16xf32>, vector<16xi1> -> vector<16xf32>
      %reduce_max3A_212 = vector.extract %reduce_max3A_211[15] : f32 from vector<16xf32>
      %broadcast_in_dim3A = vector.broadcast %scan3A_102 : i32 to vector<16xi32>
      %broadcast_in_dim3A_213 = vector.broadcast %reduce_max3A_212 : f32 to vector<16xf32>
      tpu.vector_store_idx %arg9[%broadcast_in_dim3A], %broadcast_in_dim3A_213 masked %eq3A_2 : memref<128xf32, #tpu.memory_space<vmem>>[vector<16xi32>], vector<16xf32>, vector<16xi1>
    }
    %scan3A_47 = arith.constant 128 : i32
    %scan3A_48 = arith.constant 0 : i32
    %scan3A_49 = arith.constant 0 : i32
    %scan3A_50 = arith.constant 64 : i32
    %scan3A_51 = arith.addi %scan3A_49, %scan3A_50 : i32
    %scan3A_52 = arith.constant 1 : i32
    scf.for %scan3A_102 = %scan3A_49 to %scan3A_51 step %scan3A_52  : i32 {
      %get3A = arith.constant 0 : index
      %get3A_103 = tpu.vector_load %arg8[%get3A] {strides = array<i32>} : memref<128xf32, #tpu.memory_space<vmem>>, vector<16xf32>,
      %get3A_104 = arith.constant 16 : index
      %get3A_105 = tpu.vector_load %arg8[%get3A_104] {strides = array<i32>} : memref<128xf32, #tpu.memory_space<vmem>>, vector<16xf32>,
      %gt3A = arith.cmpf ogt, %get3A_105, %get3A_103 : vector<16xf32>
      %max3A = arith.maximumf %get3A_103, %get3A_105 : vector<16xf32>
      %add3A_106 = arith.constant 16 : i32
      %add3A_107 = vector.broadcast %add3A_106 : i32 to vector<16xi32>
      %add3A_108 = arith.addi %iota3A, %add3A_107 : vector<16xi32>
      %select_n3A = arith.select %gt3A, %add3A_108, %iota3A : vector<16xi1>, vector<16xi32>
      %get3A_109 = arith.constant 32 : index
      %get3A_110 = tpu.vector_load %arg8[%get3A_109] {strides = array<i32>} : memref<128xf32, #tpu.memory_space<vmem>>, vector<16xf32>,
      %gt3A_111 = arith.cmpf ogt, %get3A_110, %max3A : vector<16xf32>
      %max3A_112 = arith.maximumf %max3A, %get3A_110 : vector<16xf32>
      %add3A_113 = arith.constant 32 : i32
      %add3A_114 = vector.broadcast %add3A_113 : i32 to vector<16xi32>
      %add3A_115 = arith.addi %iota3A, %add3A_114 : vector<16xi32>
      %select_n3A_116 = arith.select %gt3A_111, %add3A_115, %select_n3A : vector<16xi1>, vector<16xi32>
      %get3A_117 = arith.constant 48 : index
      %get3A_118 = tpu.vector_load %arg8[%get3A_117] {strides = array<i32>} : memref<128xf32, #tpu.memory_space<vmem>>, vector<16xf32>,
      %gt3A_119 = arith.cmpf ogt, %get3A_118, %max3A_112 : vector<16xf32>
      %max3A_120 = arith.maximumf %max3A_112, %get3A_118 : vector<16xf32>
      %add3A_121 = arith.constant 48 : i32
      %add3A_122 = vector.broadcast %add3A_121 : i32 to vector<16xi32>
      %add3A_123 = arith.addi %iota3A, %add3A_122 : vector<16xi32>
      %select_n3A_124 = arith.select %gt3A_119, %add3A_123, %select_n3A_116 : vector<16xi1>, vector<16xi32>
      %get3A_125 = arith.constant 64 : index
      %get3A_126 = tpu.vector_load %arg8[%get3A_125] {strides = array<i32>} : memref<128xf32, #tpu.memory_space<vmem>>, vector<16xf32>,
      %gt3A_127 = arith.cmpf ogt, %get3A_126, %max3A_120 : vector<16xf32>
      %max3A_128 = arith.maximumf %max3A_120, %get3A_126 : vector<16xf32>
      %add3A_129 = arith.constant 64 : i32
      %add3A_130 = vector.broadcast %add3A_129 : i32 to vector<16xi32>
      %add3A_131 = arith.addi %iota3A, %add3A_130 : vector<16xi32>
      %select_n3A_132 = arith.select %gt3A_127, %add3A_131, %select_n3A_124 : vector<16xi1>, vector<16xi32>
      %get3A_133 = arith.constant 80 : index
      %get3A_134 = tpu.vector_load %arg8[%get3A_133] {strides = array<i32>} : memref<128xf32, #tpu.memory_space<vmem>>, vector<16xf32>,
      %gt3A_135 = arith.cmpf ogt, %get3A_134, %max3A_128 : vector<16xf32>
      %max3A_136 = arith.maximumf %max3A_128, %get3A_134 : vector<16xf32>
      %add3A_137 = arith.constant 80 : i32
      %add3A_138 = vector.broadcast %add3A_137 : i32 to vector<16xi32>
      %add3A_139 = arith.addi %iota3A, %add3A_138 : vector<16xi32>
      %select_n3A_140 = arith.select %gt3A_135, %add3A_139, %select_n3A_132 : vector<16xi1>, vector<16xi32>
      %get3A_141 = arith.constant 96 : index
      %get3A_142 = tpu.vector_load %arg8[%get3A_141] {strides = array<i32>} : memref<128xf32, #tpu.memory_space<vmem>>, vector<16xf32>,
      %gt3A_143 = arith.cmpf ogt, %get3A_142, %max3A_136 : vector<16xf32>
      %max3A_144 = arith.maximumf %max3A_136, %get3A_142 : vector<16xf32>
      %add3A_145 = arith.constant 96 : i32
      %add3A_146 = vector.broadcast %add3A_145 : i32 to vector<16xi32>
      %add3A_147 = arith.addi %iota3A, %add3A_146 : vector<16xi32>
      %select_n3A_148 = arith.select %gt3A_143, %add3A_147, %select_n3A_140 : vector<16xi1>, vector<16xi32>
      %get3A_149 = arith.constant 112 : index
      %get3A_150 = tpu.vector_load %arg8[%get3A_149] {strides = array<i32>} : memref<128xf32, #tpu.memory_space<vmem>>, vector<16xf32>,
      %gt3A_151 = arith.cmpf ogt, %get3A_150, %max3A_144 : vector<16xf32>
      %max3A_152 = arith.maximumf %max3A_144, %get3A_150 : vector<16xf32>
      %add3A_153 = arith.constant 112 : i32
      %add3A_154 = vector.broadcast %add3A_153 : i32 to vector<16xi32>
      %add3A_155 = arith.addi %iota3A, %add3A_154 : vector<16xi32>
      %select_n3A_156 = arith.select %gt3A_151, %add3A_155, %select_n3A_148 : vector<16xi1>, vector<16xi32>
      %reduce_max3A = arith.constant true
      %reduce_max3A_157 = vector.broadcast %reduce_max3A : i1 to vector<16xi1>
      %reduce_max3A_158 = tpu.scan <max>, %max3A_152 masked %reduce_max3A_157 : vector<16xf32>, vector<16xi1> -> vector<16xf32>
      %reduce_max3A_159 = vector.extract %reduce_max3A_158[15] : f32 from vector<16xf32>
      %eq3A_160 = vector.broadcast %reduce_max3A_159 : f32 to vector<16xf32>
      %eq3A_161 = arith.cmpf oeq, %max3A_152, %eq3A_160 : vector<16xf32>
      %jit3A = arith.constant 2147483647 : i32
      %broadcast_in_dim3A = vector.broadcast %jit3A : i32 to vector<16xi32>
      %select_n3A_162 = arith.select %eq3A_161, %select_n3A_156, %broadcast_in_dim3A : vector<16xi1>, vector<16xi32>
      %reduce_min3A = arith.constant true
      %reduce_min3A_163 = vector.broadcast %reduce_min3A : i1 to vector<16xi1>
      %reduce_min3A_164 = arith.constant -2147483648 : i32
      %reduce_min3A_165 = vector.broadcast %reduce_min3A_164 : i32 to vector<16xi32>
      %reduce_min3A_166 = arith.xori %select_n3A_162, %reduce_min3A_165 : vector<16xi32>
      %reduce_min3A_167 = tpu.scan <min>, %reduce_min3A_166 masked %reduce_min3A_163 : vector<16xi32>, vector<16xi1> -> vector<16xi32>
      %reduce_min3A_168 = arith.xori %reduce_min3A_167, %reduce_min3A_165 : vector<16xi32>
      %reduce_min3A_169 = vector.extract %reduce_min3A_168[15] : i32 from vector<16xi32>
      %mul3A_170 = arith.constant 256 : i32
      %mul3A_171 = arith.muli %reduce_min3A_169, %mul3A_170 : i32
      %broadcast_in_dim3A_172 = arith.constant 2147483647 : i32
      %broadcast_in_dim3A_173 = vector.broadcast %broadcast_in_dim3A_172 : i32 to vector<16xi32>
      %broadcast_in_dim3A_174 = arith.constant 0xFF800000 : f32
      %broadcast_in_dim3A_175 = vector.broadcast %broadcast_in_dim3A_174 : f32 to vector<16xf32>
      %broadcast_in_dim3A_176 = arith.constant 0 : i32
      %broadcast_in_dim3A_177 = vector.broadcast %broadcast_in_dim3A_176 : i32 to vector<16xi32>
      %add3A_178 = arith.constant 0 : i32
      %add3A_179 = arith.addi %mul3A_171, %add3A_178 : i32
      %get3A_180 = arith.index_cast %add3A_179 : i32 to index
      %get3A_181 = tpu.vector_load %arg5[%get3A_180] {strides = array<i32>} : memref<32768xf32, #tpu.memory_space<vmem>>, vector<16xf32>,
      %eq3A_182 = vector.broadcast %reduce_max3A_159 : f32 to vector<16xf32>
      %eq3A_183 = arith.cmpf oeq, %get3A_181, %eq3A_182 : vector<16xf32>
      %add3A_184 = arith.constant 0 : i32
      %add3A_185 = arith.addi %mul3A_171, %add3A_184 : i32
      %add3A_186 = vector.broadcast %add3A_185 : i32 to vector<16xi32>
      %add3A_187 = arith.addi %iota3A, %add3A_186 : vector<16xi32>
      %jit3A_188 = arith.constant 2147483647 : i32
      %broadcast_in_dim3A_189 = vector.broadcast %jit3A_188 : i32 to vector<16xi32>
      %select_n3A_190 = arith.select %eq3A_183, %add3A_187, %broadcast_in_dim3A_189 : vector<16xi1>, vector<16xi32>
      %min3A = arith.minsi %broadcast_in_dim3A_173, %select_n3A_190 : vector<16xi32>
      %jit3A_191 = arith.constant 0xFF800000 : f32
      %broadcast_in_dim3A_192 = vector.broadcast %jit3A_191 : f32 to vector<16xf32>
      %select_n3A_193 = arith.select %eq3A_183, %broadcast_in_dim3A_192, %get3A_181 : vector<16xi1>, vector<16xf32>
      %max3A_194 = arith.maximumf %broadcast_in_dim3A_175, %select_n3A_193 : vector<16xf32>
      %jit3A_195 = arith.constant 1 : i32
      %jit3A_196 = arith.constant 0 : i32
      %broadcast_in_dim3A_197 = vector.broadcast %jit3A_195 : i32 to vector<16xi32>
      %broadcast_in_dim3A_198 = vector.broadcast %jit3A_196 : i32 to vector<16xi32>
      %select_n3A_199 = arith.select %eq3A_183, %broadcast_in_dim3A_197, %broadcast_in_dim3A_198 : vector<16xi1>, vector<16xi32>
      %add3A_200 = arith.addi %broadcast_in_dim3A_177, %select_n3A_199 : vector<16xi32>
      %add3A_201 = arith.constant 16 : i32
      %add3A_202 = arith.addi %mul3A_171, %add3A_201 : i32
      %get3A_203 = arith.index_cast %add3A_202 : i32 to index
      %get3A_204 = tpu.vector_load %arg5[%get3A_203] {strides = array<i32>} : memref<32768xf32, #tpu.memory_space<vmem>>, vector<16xf32>,
      %eq3A_205 = vector.broadcast %reduce_max3A_159 : f32 to vector<16xf32>
      %eq3A_206 = arith.cmpf oeq, %get3A_204, %eq3A_205 : vector<16xf32>
      %add3A_207 = arith.constant 16 : i32
      %add3A_208 = arith.addi %mul3A_171, %add3A_207 : i32
      %add3A_209 = vector.broadcast %add3A_208 : i32 to vector<16xi32>
      %add3A_210 = arith.addi %iota3A, %add3A_209 : vector<16xi32>
      %jit3A_211 = arith.constant 2147483647 : i32
      %broadcast_in_dim3A_212 = vector.broadcast %jit3A_211 : i32 to vector<16xi32>
      %select_n3A_213 = arith.select %eq3A_206, %add3A_210, %broadcast_in_dim3A_212 : vector<16xi1>, vector<16xi32>
      %min3A_214 = arith.minsi %min3A, %select_n3A_213 : vector<16xi32>
      %jit3A_215 = arith.constant 0xFF800000 : f32
      %broadcast_in_dim3A_216 = vector.broadcast %jit3A_215 : f32 to vector<16xf32>
      %select_n3A_217 = arith.select %eq3A_206, %broadcast_in_dim3A_216, %get3A_204 : vector<16xi1>, vector<16xf32>
      %max3A_218 = arith.maximumf %max3A_194, %select_n3A_217 : vector<16xf32>
      %jit3A_219 = arith.constant 1 : i32
      %jit3A_220 = arith.constant 0 : i32
      %broadcast_in_dim3A_221 = vector.broadcast %jit3A_219 : i32 to vector<16xi32>
      %broadcast_in_dim3A_222 = vector.broadcast %jit3A_220 : i32 to vector<16xi32>
      %select_n3A_223 = arith.select %eq3A_206, %broadcast_in_dim3A_221, %broadcast_in_dim3A_222 : vector<16xi1>, vector<16xi32>
      %add3A_224 = arith.addi %add3A_200, %select_n3A_223 : vector<16xi32>
      %add3A_225 = arith.constant 32 : i32
      %add3A_226 = arith.addi %mul3A_171, %add3A_225 : i32
      %get3A_227 = arith.index_cast %add3A_226 : i32 to index
      %get3A_228 = tpu.vector_load %arg5[%get3A_227] {strides = array<i32>} : memref<32768xf32, #tpu.memory_space<vmem>>, vector<16xf32>,
      %eq3A_229 = vector.broadcast %reduce_max3A_159 : f32 to vector<16xf32>
      %eq3A_230 = arith.cmpf oeq, %get3A_228, %eq3A_229 : vector<16xf32>
      %add3A_231 = arith.constant 32 : i32
      %add3A_232 = arith.addi %mul3A_171, %add3A_231 : i32
      %add3A_233 = vector.broadcast %add3A_232 : i32 to vector<16xi32>
      %add3A_234 = arith.addi %iota3A, %add3A_233 : vector<16xi32>
      %jit3A_235 = arith.constant 2147483647 : i32
      %broadcast_in_dim3A_236 = vector.broadcast %jit3A_235 : i32 to vector<16xi32>
      %select_n3A_237 = arith.select %eq3A_230, %add3A_234, %broadcast_in_dim3A_236 : vector<16xi1>, vector<16xi32>
      %min3A_238 = arith.minsi %min3A_214, %select_n3A_237 : vector<16xi32>
      %jit3A_239 = arith.constant 0xFF800000 : f32
      %broadcast_in_dim3A_240 = vector.broadcast %jit3A_239 : f32 to vector<16xf32>
      %select_n3A_241 = arith.select %eq3A_230, %broadcast_in_dim3A_240, %get3A_228 : vector<16xi1>, vector<16xf32>
      %max3A_242 = arith.maximumf %max3A_218, %select_n3A_241 : vector<16xf32>
      %jit3A_243 = arith.constant 1 : i32
      %jit3A_244 = arith.constant 0 : i32
      %broadcast_in_dim3A_245 = vector.broadcast %jit3A_243 : i32 to vector<16xi32>
      %broadcast_in_dim3A_246 = vector.broadcast %jit3A_244 : i32 to vector<16xi32>
      %select_n3A_247 = arith.select %eq3A_230, %broadcast_in_dim3A_245, %broadcast_in_dim3A_246 : vector<16xi1>, vector<16xi32>
      %add3A_248 = arith.addi %add3A_224, %select_n3A_247 : vector<16xi32>
      %add3A_249 = arith.constant 48 : i32
      %add3A_250 = arith.addi %mul3A_171, %add3A_249 : i32
      %get3A_251 = arith.index_cast %add3A_250 : i32 to index
      %get3A_252 = tpu.vector_load %arg5[%get3A_251] {strides = array<i32>} : memref<32768xf32, #tpu.memory_space<vmem>>, vector<16xf32>,
      %eq3A_253 = vector.broadcast %reduce_max3A_159 : f32 to vector<16xf32>
      %eq3A_254 = arith.cmpf oeq, %get3A_252, %eq3A_253 : vector<16xf32>
      %add3A_255 = arith.constant 48 : i32
      %add3A_256 = arith.addi %mul3A_171, %add3A_255 : i32
      %add3A_257 = vector.broadcast %add3A_256 : i32 to vector<16xi32>
      %add3A_258 = arith.addi %iota3A, %add3A_257 : vector<16xi32>
      %jit3A_259 = arith.constant 2147483647 : i32
      %broadcast_in_dim3A_260 = vector.broadcast %jit3A_259 : i32 to vector<16xi32>
      %select_n3A_261 = arith.select %eq3A_254, %add3A_258, %broadcast_in_dim3A_260 : vector<16xi1>, vector<16xi32>
      %min3A_262 = arith.minsi %min3A_238, %select_n3A_261 : vector<16xi32>
      %jit3A_263 = arith.constant 0xFF800000 : f32
      %broadcast_in_dim3A_264 = vector.broadcast %jit3A_263 : f32 to vector<16xf32>
      %select_n3A_265 = arith.select %eq3A_254, %broadcast_in_dim3A_264, %get3A_252 : vector<16xi1>, vector<16xf32>
      %max3A_266 = arith.maximumf %max3A_242, %select_n3A_265 : vector<16xf32>
      %jit3A_267 = arith.constant 1 : i32
      %jit3A_268 = arith.constant 0 : i32
      %broadcast_in_dim3A_269 = vector.broadcast %jit3A_267 : i32 to vector<16xi32>
      %broadcast_in_dim3A_270 = vector.broadcast %jit3A_268 : i32 to vector<16xi32>
      %select_n3A_271 = arith.select %eq3A_254, %broadcast_in_dim3A_269, %broadcast_in_dim3A_270 : vector<16xi1>, vector<16xi32>
      %add3A_272 = arith.addi %add3A_248, %select_n3A_271 : vector<16xi32>
      %add3A_273 = arith.constant 64 : i32
      %add3A_274 = arith.addi %mul3A_171, %add3A_273 : i32
      %get3A_275 = arith.index_cast %add3A_274 : i32 to index
      %get3A_276 = tpu.vector_load %arg5[%get3A_275] {strides = array<i32>} : memref<32768xf32, #tpu.memory_space<vmem>>, vector<16xf32>,
      %eq3A_277 = vector.broadcast %reduce_max3A_159 : f32 to vector<16xf32>
      %eq3A_278 = arith.cmpf oeq, %get3A_276, %eq3A_277 : vector<16xf32>
      %add3A_279 = arith.constant 64 : i32
      %add3A_280 = arith.addi %mul3A_171, %add3A_279 : i32
      %add3A_281 = vector.broadcast %add3A_280 : i32 to vector<16xi32>
      %add3A_282 = arith.addi %iota3A, %add3A_281 : vector<16xi32>
      %jit3A_283 = arith.constant 2147483647 : i32
      %broadcast_in_dim3A_284 = vector.broadcast %jit3A_283 : i32 to vector<16xi32>
      %select_n3A_285 = arith.select %eq3A_278, %add3A_282, %broadcast_in_dim3A_284 : vector<16xi1>, vector<16xi32>
      %min3A_286 = arith.minsi %min3A_262, %select_n3A_285 : vector<16xi32>
      %jit3A_287 = arith.constant 0xFF800000 : f32
      %broadcast_in_dim3A_288 = vector.broadcast %jit3A_287 : f32 to vector<16xf32>
      %select_n3A_289 = arith.select %eq3A_278, %broadcast_in_dim3A_288, %get3A_276 : vector<16xi1>, vector<16xf32>
      %max3A_290 = arith.maximumf %max3A_266, %select_n3A_289 : vector<16xf32>
      %jit3A_291 = arith.constant 1 : i32
      %jit3A_292 = arith.constant 0 : i32
      %broadcast_in_dim3A_293 = vector.broadcast %jit3A_291 : i32 to vector<16xi32>
      %broadcast_in_dim3A_294 = vector.broadcast %jit3A_292 : i32 to vector<16xi32>
      %select_n3A_295 = arith.select %eq3A_278, %broadcast_in_dim3A_293, %broadcast_in_dim3A_294 : vector<16xi1>, vector<16xi32>
      %add3A_296 = arith.addi %add3A_272, %select_n3A_295 : vector<16xi32>
      %add3A_297 = arith.constant 80 : i32
      %add3A_298 = arith.addi %mul3A_171, %add3A_297 : i32
      %get3A_299 = arith.index_cast %add3A_298 : i32 to index
      %get3A_300 = tpu.vector_load %arg5[%get3A_299] {strides = array<i32>} : memref<32768xf32, #tpu.memory_space<vmem>>, vector<16xf32>,
      %eq3A_301 = vector.broadcast %reduce_max3A_159 : f32 to vector<16xf32>
      %eq3A_302 = arith.cmpf oeq, %get3A_300, %eq3A_301 : vector<16xf32>
      %add3A_303 = arith.constant 80 : i32
      %add3A_304 = arith.addi %mul3A_171, %add3A_303 : i32
      %add3A_305 = vector.broadcast %add3A_304 : i32 to vector<16xi32>
      %add3A_306 = arith.addi %iota3A, %add3A_305 : vector<16xi32>
      %jit3A_307 = arith.constant 2147483647 : i32
      %broadcast_in_dim3A_308 = vector.broadcast %jit3A_307 : i32 to vector<16xi32>
      %select_n3A_309 = arith.select %eq3A_302, %add3A_306, %broadcast_in_dim3A_308 : vector<16xi1>, vector<16xi32>
      %min3A_310 = arith.minsi %min3A_286, %select_n3A_309 : vector<16xi32>
      %jit3A_311 = arith.constant 0xFF800000 : f32
      %broadcast_in_dim3A_312 = vector.broadcast %jit3A_311 : f32 to vector<16xf32>
      %select_n3A_313 = arith.select %eq3A_302, %broadcast_in_dim3A_312, %get3A_300 : vector<16xi1>, vector<16xf32>
      %max3A_314 = arith.maximumf %max3A_290, %select_n3A_313 : vector<16xf32>
      %jit3A_315 = arith.constant 1 : i32
      %jit3A_316 = arith.constant 0 : i32
      %broadcast_in_dim3A_317 = vector.broadcast %jit3A_315 : i32 to vector<16xi32>
      %broadcast_in_dim3A_318 = vector.broadcast %jit3A_316 : i32 to vector<16xi32>
      %select_n3A_319 = arith.select %eq3A_302, %broadcast_in_dim3A_317, %broadcast_in_dim3A_318 : vector<16xi1>, vector<16xi32>
      %add3A_320 = arith.addi %add3A_296, %select_n3A_319 : vector<16xi32>
      %add3A_321 = arith.constant 96 : i32
      %add3A_322 = arith.addi %mul3A_171, %add3A_321 : i32
      %get3A_323 = arith.index_cast %add3A_322 : i32 to index
      %get3A_324 = tpu.vector_load %arg5[%get3A_323] {strides = array<i32>} : memref<32768xf32, #tpu.memory_space<vmem>>, vector<16xf32>,
      %eq3A_325 = vector.broadcast %reduce_max3A_159 : f32 to vector<16xf32>
      %eq3A_326 = arith.cmpf oeq, %get3A_324, %eq3A_325 : vector<16xf32>
      %add3A_327 = arith.constant 96 : i32
      %add3A_328 = arith.addi %mul3A_171, %add3A_327 : i32
      %add3A_329 = vector.broadcast %add3A_328 : i32 to vector<16xi32>
      %add3A_330 = arith.addi %iota3A, %add3A_329 : vector<16xi32>
      %jit3A_331 = arith.constant 2147483647 : i32
      %broadcast_in_dim3A_332 = vector.broadcast %jit3A_331 : i32 to vector<16xi32>
      %select_n3A_333 = arith.select %eq3A_326, %add3A_330, %broadcast_in_dim3A_332 : vector<16xi1>, vector<16xi32>
      %min3A_334 = arith.minsi %min3A_310, %select_n3A_333 : vector<16xi32>
      %jit3A_335 = arith.constant 0xFF800000 : f32
      %broadcast_in_dim3A_336 = vector.broadcast %jit3A_335 : f32 to vector<16xf32>
      %select_n3A_337 = arith.select %eq3A_326, %broadcast_in_dim3A_336, %get3A_324 : vector<16xi1>, vector<16xf32>
      %max3A_338 = arith.maximumf %max3A_314, %select_n3A_337 : vector<16xf32>
      %jit3A_339 = arith.constant 1 : i32
      %jit3A_340 = arith.constant 0 : i32
      %broadcast_in_dim3A_341 = vector.broadcast %jit3A_339 : i32 to vector<16xi32>
      %broadcast_in_dim3A_342 = vector.broadcast %jit3A_340 : i32 to vector<16xi32>
      %select_n3A_343 = arith.select %eq3A_326, %broadcast_in_dim3A_341, %broadcast_in_dim3A_342 : vector<16xi1>, vector<16xi32>
      %add3A_344 = arith.addi %add3A_320, %select_n3A_343 : vector<16xi32>
      %add3A_345 = arith.constant 112 : i32
      %add3A_346 = arith.addi %mul3A_171, %add3A_345 : i32
      %get3A_347 = arith.index_cast %add3A_346 : i32 to index
      %get3A_348 = tpu.vector_load %arg5[%get3A_347] {strides = array<i32>} : memref<32768xf32, #tpu.memory_space<vmem>>, vector<16xf32>,
      %eq3A_349 = vector.broadcast %reduce_max3A_159 : f32 to vector<16xf32>
      %eq3A_350 = arith.cmpf oeq, %get3A_348, %eq3A_349 : vector<16xf32>
      %add3A_351 = arith.constant 112 : i32
      %add3A_352 = arith.addi %mul3A_171, %add3A_351 : i32
      %add3A_353 = vector.broadcast %add3A_352 : i32 to vector<16xi32>
      %add3A_354 = arith.addi %iota3A, %add3A_353 : vector<16xi32>
      %jit3A_355 = arith.constant 2147483647 : i32
      %broadcast_in_dim3A_356 = vector.broadcast %jit3A_355 : i32 to vector<16xi32>
      %select_n3A_357 = arith.select %eq3A_350, %add3A_354, %broadcast_in_dim3A_356 : vector<16xi1>, vector<16xi32>
      %min3A_358 = arith.minsi %min3A_334, %select_n3A_357 : vector<16xi32>
      %jit3A_359 = arith.constant 0xFF800000 : f32
      %broadcast_in_dim3A_360 = vector.broadcast %jit3A_359 : f32 to vector<16xf32>
      %select_n3A_361 = arith.select %eq3A_350, %broadcast_in_dim3A_360, %get3A_348 : vector<16xi1>, vector<16xf32>
      %max3A_362 = arith.maximumf %max3A_338, %select_n3A_361 : vector<16xf32>
      %jit3A_363 = arith.constant 1 : i32
      %jit3A_364 = arith.constant 0 : i32
      %broadcast_in_dim3A_365 = vector.broadcast %jit3A_363 : i32 to vector<16xi32>
      %broadcast_in_dim3A_366 = vector.broadcast %jit3A_364 : i32 to vector<16xi32>
      %select_n3A_367 = arith.select %eq3A_350, %broadcast_in_dim3A_365, %broadcast_in_dim3A_366 : vector<16xi1>, vector<16xi32>
      %add3A_368 = arith.addi %add3A_344, %select_n3A_367 : vector<16xi32>
      %add3A_369 = arith.constant 128 : i32
      %add3A_370 = arith.addi %mul3A_171, %add3A_369 : i32
      %get3A_371 = arith.index_cast %add3A_370 : i32 to index
      %get3A_372 = tpu.vector_load %arg5[%get3A_371] {strides = array<i32>} : memref<32768xf32, #tpu.memory_space<vmem>>, vector<16xf32>,
      %eq3A_373 = vector.broadcast %reduce_max3A_159 : f32 to vector<16xf32>
      %eq3A_374 = arith.cmpf oeq, %get3A_372, %eq3A_373 : vector<16xf32>
      %add3A_375 = arith.constant 128 : i32
      %add3A_376 = arith.addi %mul3A_171, %add3A_375 : i32
      %add3A_377 = vector.broadcast %add3A_376 : i32 to vector<16xi32>
      %add3A_378 = arith.addi %iota3A, %add3A_377 : vector<16xi32>
      %jit3A_379 = arith.constant 2147483647 : i32
      %broadcast_in_dim3A_380 = vector.broadcast %jit3A_379 : i32 to vector<16xi32>
      %select_n3A_381 = arith.select %eq3A_374, %add3A_378, %broadcast_in_dim3A_380 : vector<16xi1>, vector<16xi32>
      %min3A_382 = arith.minsi %min3A_358, %select_n3A_381 : vector<16xi32>
      %jit3A_383 = arith.constant 0xFF800000 : f32
      %broadcast_in_dim3A_384 = vector.broadcast %jit3A_383 : f32 to vector<16xf32>
      %select_n3A_385 = arith.select %eq3A_374, %broadcast_in_dim3A_384, %get3A_372 : vector<16xi1>, vector<16xf32>
      %max3A_386 = arith.maximumf %max3A_362, %select_n3A_385 : vector<16xf32>
      %jit3A_387 = arith.constant 1 : i32
      %jit3A_388 = arith.constant 0 : i32
      %broadcast_in_dim3A_389 = vector.broadcast %jit3A_387 : i32 to vector<16xi32>
      %broadcast_in_dim3A_390 = vector.broadcast %jit3A_388 : i32 to vector<16xi32>
      %select_n3A_391 = arith.select %eq3A_374, %broadcast_in_dim3A_389, %broadcast_in_dim3A_390 : vector<16xi1>, vector<16xi32>
      %add3A_392 = arith.addi %add3A_368, %select_n3A_391 : vector<16xi32>
      %add3A_393 = arith.constant 144 : i32
      %add3A_394 = arith.addi %mul3A_171, %add3A_393 : i32
      %get3A_395 = arith.index_cast %add3A_394 : i32 to index
      %get3A_396 = tpu.vector_load %arg5[%get3A_395] {strides = array<i32>} : memref<32768xf32, #tpu.memory_space<vmem>>, vector<16xf32>,
      %eq3A_397 = vector.broadcast %reduce_max3A_159 : f32 to vector<16xf32>
      %eq3A_398 = arith.cmpf oeq, %get3A_396, %eq3A_397 : vector<16xf32>
      %add3A_399 = arith.constant 144 : i32
      %add3A_400 = arith.addi %mul3A_171, %add3A_399 : i32
      %add3A_401 = vector.broadcast %add3A_400 : i32 to vector<16xi32>
      %add3A_402 = arith.addi %iota3A, %add3A_401 : vector<16xi32>
      %jit3A_403 = arith.constant 2147483647 : i32
      %broadcast_in_dim3A_404 = vector.broadcast %jit3A_403 : i32 to vector<16xi32>
      %select_n3A_405 = arith.select %eq3A_398, %add3A_402, %broadcast_in_dim3A_404 : vector<16xi1>, vector<16xi32>
      %min3A_406 = arith.minsi %min3A_382, %select_n3A_405 : vector<16xi32>
      %jit3A_407 = arith.constant 0xFF800000 : f32
      %broadcast_in_dim3A_408 = vector.broadcast %jit3A_407 : f32 to vector<16xf32>
      %select_n3A_409 = arith.select %eq3A_398, %broadcast_in_dim3A_408, %get3A_396 : vector<16xi1>, vector<16xf32>
      %max3A_410 = arith.maximumf %max3A_386, %select_n3A_409 : vector<16xf32>
      %jit3A_411 = arith.constant 1 : i32
      %jit3A_412 = arith.constant 0 : i32
      %broadcast_in_dim3A_413 = vector.broadcast %jit3A_411 : i32 to vector<16xi32>
      %broadcast_in_dim3A_414 = vector.broadcast %jit3A_412 : i32 to vector<16xi32>
      %select_n3A_415 = arith.select %eq3A_398, %broadcast_in_dim3A_413, %broadcast_in_dim3A_414 : vector<16xi1>, vector<16xi32>
      %add3A_416 = arith.addi %add3A_392, %select_n3A_415 : vector<16xi32>
      %add3A_417 = arith.constant 160 : i32
      %add3A_418 = arith.addi %mul3A_171, %add3A_417 : i32
      %get3A_419 = arith.index_cast %add3A_418 : i32 to index
      %get3A_420 = tpu.vector_load %arg5[%get3A_419] {strides = array<i32>} : memref<32768xf32, #tpu.memory_space<vmem>>, vector<16xf32>,
      %eq3A_421 = vector.broadcast %reduce_max3A_159 : f32 to vector<16xf32>
      %eq3A_422 = arith.cmpf oeq, %get3A_420, %eq3A_421 : vector<16xf32>
      %add3A_423 = arith.constant 160 : i32
      %add3A_424 = arith.addi %mul3A_171, %add3A_423 : i32
      %add3A_425 = vector.broadcast %add3A_424 : i32 to vector<16xi32>
      %add3A_426 = arith.addi %iota3A, %add3A_425 : vector<16xi32>
      %jit3A_427 = arith.constant 2147483647 : i32
      %broadcast_in_dim3A_428 = vector.broadcast %jit3A_427 : i32 to vector<16xi32>
      %select_n3A_429 = arith.select %eq3A_422, %add3A_426, %broadcast_in_dim3A_428 : vector<16xi1>, vector<16xi32>
      %min3A_430 = arith.minsi %min3A_406, %select_n3A_429 : vector<16xi32>
      %jit3A_431 = arith.constant 0xFF800000 : f32
      %broadcast_in_dim3A_432 = vector.broadcast %jit3A_431 : f32 to vector<16xf32>
      %select_n3A_433 = arith.select %eq3A_422, %broadcast_in_dim3A_432, %get3A_420 : vector<16xi1>, vector<16xf32>
      %max3A_434 = arith.maximumf %max3A_410, %select_n3A_433 : vector<16xf32>
      %jit3A_435 = arith.constant 1 : i32
      %jit3A_436 = arith.constant 0 : i32
      %broadcast_in_dim3A_437 = vector.broadcast %jit3A_435 : i32 to vector<16xi32>
      %broadcast_in_dim3A_438 = vector.broadcast %jit3A_436 : i32 to vector<16xi32>
      %select_n3A_439 = arith.select %eq3A_422, %broadcast_in_dim3A_437, %broadcast_in_dim3A_438 : vector<16xi1>, vector<16xi32>
      %add3A_440 = arith.addi %add3A_416, %select_n3A_439 : vector<16xi32>
      %add3A_441 = arith.constant 176 : i32
      %add3A_442 = arith.addi %mul3A_171, %add3A_441 : i32
      %get3A_443 = arith.index_cast %add3A_442 : i32 to index
      %get3A_444 = tpu.vector_load %arg5[%get3A_443] {strides = array<i32>} : memref<32768xf32, #tpu.memory_space<vmem>>, vector<16xf32>,
      %eq3A_445 = vector.broadcast %reduce_max3A_159 : f32 to vector<16xf32>
      %eq3A_446 = arith.cmpf oeq, %get3A_444, %eq3A_445 : vector<16xf32>
      %add3A_447 = arith.constant 176 : i32
      %add3A_448 = arith.addi %mul3A_171, %add3A_447 : i32
      %add3A_449 = vector.broadcast %add3A_448 : i32 to vector<16xi32>
      %add3A_450 = arith.addi %iota3A, %add3A_449 : vector<16xi32>
      %jit3A_451 = arith.constant 2147483647 : i32
      %broadcast_in_dim3A_452 = vector.broadcast %jit3A_451 : i32 to vector<16xi32>
      %select_n3A_453 = arith.select %eq3A_446, %add3A_450, %broadcast_in_dim3A_452 : vector<16xi1>, vector<16xi32>
      %min3A_454 = arith.minsi %min3A_430, %select_n3A_453 : vector<16xi32>
      %jit3A_455 = arith.constant 0xFF800000 : f32
      %broadcast_in_dim3A_456 = vector.broadcast %jit3A_455 : f32 to vector<16xf32>
      %select_n3A_457 = arith.select %eq3A_446, %broadcast_in_dim3A_456, %get3A_444 : vector<16xi1>, vector<16xf32>
      %max3A_458 = arith.maximumf %max3A_434, %select_n3A_457 : vector<16xf32>
      %jit3A_459 = arith.constant 1 : i32
      %jit3A_460 = arith.constant 0 : i32
      %broadcast_in_dim3A_461 = vector.broadcast %jit3A_459 : i32 to vector<16xi32>
      %broadcast_in_dim3A_462 = vector.broadcast %jit3A_460 : i32 to vector<16xi32>
      %select_n3A_463 = arith.select %eq3A_446, %broadcast_in_dim3A_461, %broadcast_in_dim3A_462 : vector<16xi1>, vector<16xi32>
      %add3A_464 = arith.addi %add3A_440, %select_n3A_463 : vector<16xi32>
      %add3A_465 = arith.constant 192 : i32
      %add3A_466 = arith.addi %mul3A_171, %add3A_465 : i32
      %get3A_467 = arith.index_cast %add3A_466 : i32 to index
      %get3A_468 = tpu.vector_load %arg5[%get3A_467] {strides = array<i32>} : memref<32768xf32, #tpu.memory_space<vmem>>, vector<16xf32>,
      %eq3A_469 = vector.broadcast %reduce_max3A_159 : f32 to vector<16xf32>
      %eq3A_470 = arith.cmpf oeq, %get3A_468, %eq3A_469 : vector<16xf32>
      %add3A_471 = arith.constant 192 : i32
      %add3A_472 = arith.addi %mul3A_171, %add3A_471 : i32
      %add3A_473 = vector.broadcast %add3A_472 : i32 to vector<16xi32>
      %add3A_474 = arith.addi %iota3A, %add3A_473 : vector<16xi32>
      %jit3A_475 = arith.constant 2147483647 : i32
      %broadcast_in_dim3A_476 = vector.broadcast %jit3A_475 : i32 to vector<16xi32>
      %select_n3A_477 = arith.select %eq3A_470, %add3A_474, %broadcast_in_dim3A_476 : vector<16xi1>, vector<16xi32>
      %min3A_478 = arith.minsi %min3A_454, %select_n3A_477 : vector<16xi32>
      %jit3A_479 = arith.constant 0xFF800000 : f32
      %broadcast_in_dim3A_480 = vector.broadcast %jit3A_479 : f32 to vector<16xf32>
      %select_n3A_481 = arith.select %eq3A_470, %broadcast_in_dim3A_480, %get3A_468 : vector<16xi1>, vector<16xf32>
      %max3A_482 = arith.maximumf %max3A_458, %select_n3A_481 : vector<16xf32>
      %jit3A_483 = arith.constant 1 : i32
      %jit3A_484 = arith.constant 0 : i32
      %broadcast_in_dim3A_485 = vector.broadcast %jit3A_483 : i32 to vector<16xi32>
      %broadcast_in_dim3A_486 = vector.broadcast %jit3A_484 : i32 to vector<16xi32>
      %select_n3A_487 = arith.select %eq3A_470, %broadcast_in_dim3A_485, %broadcast_in_dim3A_486 : vector<16xi1>, vector<16xi32>
      %add3A_488 = arith.addi %add3A_464, %select_n3A_487 : vector<16xi32>
      %add3A_489 = arith.constant 208 : i32
      %add3A_490 = arith.addi %mul3A_171, %add3A_489 : i32
      %get3A_491 = arith.index_cast %add3A_490 : i32 to index
      %get3A_492 = tpu.vector_load %arg5[%get3A_491] {strides = array<i32>} : memref<32768xf32, #tpu.memory_space<vmem>>, vector<16xf32>,
      %eq3A_493 = vector.broadcast %reduce_max3A_159 : f32 to vector<16xf32>
      %eq3A_494 = arith.cmpf oeq, %get3A_492, %eq3A_493 : vector<16xf32>
      %add3A_495 = arith.constant 208 : i32
      %add3A_496 = arith.addi %mul3A_171, %add3A_495 : i32
      %add3A_497 = vector.broadcast %add3A_496 : i32 to vector<16xi32>
      %add3A_498 = arith.addi %iota3A, %add3A_497 : vector<16xi32>
      %jit3A_499 = arith.constant 2147483647 : i32
      %broadcast_in_dim3A_500 = vector.broadcast %jit3A_499 : i32 to vector<16xi32>
      %select_n3A_501 = arith.select %eq3A_494, %add3A_498, %broadcast_in_dim3A_500 : vector<16xi1>, vector<16xi32>
      %min3A_502 = arith.minsi %min3A_478, %select_n3A_501 : vector<16xi32>
      %jit3A_503 = arith.constant 0xFF800000 : f32
      %broadcast_in_dim3A_504 = vector.broadcast %jit3A_503 : f32 to vector<16xf32>
      %select_n3A_505 = arith.select %eq3A_494, %broadcast_in_dim3A_504, %get3A_492 : vector<16xi1>, vector<16xf32>
      %max3A_506 = arith.maximumf %max3A_482, %select_n3A_505 : vector<16xf32>
      %jit3A_507 = arith.constant 1 : i32
      %jit3A_508 = arith.constant 0 : i32
      %broadcast_in_dim3A_509 = vector.broadcast %jit3A_507 : i32 to vector<16xi32>
      %broadcast_in_dim3A_510 = vector.broadcast %jit3A_508 : i32 to vector<16xi32>
      %select_n3A_511 = arith.select %eq3A_494, %broadcast_in_dim3A_509, %broadcast_in_dim3A_510 : vector<16xi1>, vector<16xi32>
      %add3A_512 = arith.addi %add3A_488, %select_n3A_511 : vector<16xi32>
      %add3A_513 = arith.constant 224 : i32
      %add3A_514 = arith.addi %mul3A_171, %add3A_513 : i32
      %get3A_515 = arith.index_cast %add3A_514 : i32 to index
      %get3A_516 = tpu.vector_load %arg5[%get3A_515] {strides = array<i32>} : memref<32768xf32, #tpu.memory_space<vmem>>, vector<16xf32>,
      %eq3A_517 = vector.broadcast %reduce_max3A_159 : f32 to vector<16xf32>
      %eq3A_518 = arith.cmpf oeq, %get3A_516, %eq3A_517 : vector<16xf32>
      %add3A_519 = arith.constant 224 : i32
      %add3A_520 = arith.addi %mul3A_171, %add3A_519 : i32
      %add3A_521 = vector.broadcast %add3A_520 : i32 to vector<16xi32>
      %add3A_522 = arith.addi %iota3A, %add3A_521 : vector<16xi32>
      %jit3A_523 = arith.constant 2147483647 : i32
      %broadcast_in_dim3A_524 = vector.broadcast %jit3A_523 : i32 to vector<16xi32>
      %select_n3A_525 = arith.select %eq3A_518, %add3A_522, %broadcast_in_dim3A_524 : vector<16xi1>, vector<16xi32>
      %min3A_526 = arith.minsi %min3A_502, %select_n3A_525 : vector<16xi32>
      %jit3A_527 = arith.constant 0xFF800000 : f32
      %broadcast_in_dim3A_528 = vector.broadcast %jit3A_527 : f32 to vector<16xf32>
      %select_n3A_529 = arith.select %eq3A_518, %broadcast_in_dim3A_528, %get3A_516 : vector<16xi1>, vector<16xf32>
      %max3A_530 = arith.maximumf %max3A_506, %select_n3A_529 : vector<16xf32>
      %jit3A_531 = arith.constant 1 : i32
      %jit3A_532 = arith.constant 0 : i32
      %broadcast_in_dim3A_533 = vector.broadcast %jit3A_531 : i32 to vector<16xi32>
      %broadcast_in_dim3A_534 = vector.broadcast %jit3A_532 : i32 to vector<16xi32>
      %select_n3A_535 = arith.select %eq3A_518, %broadcast_in_dim3A_533, %broadcast_in_dim3A_534 : vector<16xi1>, vector<16xi32>
      %add3A_536 = arith.addi %add3A_512, %select_n3A_535 : vector<16xi32>
      %add3A_537 = arith.constant 240 : i32
      %add3A_538 = arith.addi %mul3A_171, %add3A_537 : i32
      %get3A_539 = arith.index_cast %add3A_538 : i32 to index
      %get3A_540 = tpu.vector_load %arg5[%get3A_539] {strides = array<i32>} : memref<32768xf32, #tpu.memory_space<vmem>>, vector<16xf32>,
      %eq3A_541 = vector.broadcast %reduce_max3A_159 : f32 to vector<16xf32>
      %eq3A_542 = arith.cmpf oeq, %get3A_540, %eq3A_541 : vector<16xf32>
      %add3A_543 = arith.constant 240 : i32
      %add3A_544 = arith.addi %mul3A_171, %add3A_543 : i32
      %add3A_545 = vector.broadcast %add3A_544 : i32 to vector<16xi32>
      %add3A_546 = arith.addi %iota3A, %add3A_545 : vector<16xi32>
      %jit3A_547 = arith.constant 2147483647 : i32
      %broadcast_in_dim3A_548 = vector.broadcast %jit3A_547 : i32 to vector<16xi32>
      %select_n3A_549 = arith.select %eq3A_542, %add3A_546, %broadcast_in_dim3A_548 : vector<16xi1>, vector<16xi32>
      %min3A_550 = arith.minsi %min3A_526, %select_n3A_549 : vector<16xi32>
      %jit3A_551 = arith.constant 0xFF800000 : f32
      %broadcast_in_dim3A_552 = vector.broadcast %jit3A_551 : f32 to vector<16xf32>
      %select_n3A_553 = arith.select %eq3A_542, %broadcast_in_dim3A_552, %get3A_540 : vector<16xi1>, vector<16xf32>
      %max3A_554 = arith.maximumf %max3A_530, %select_n3A_553 : vector<16xf32>
      %jit3A_555 = arith.constant 1 : i32
      %jit3A_556 = arith.constant 0 : i32
      %broadcast_in_dim3A_557 = vector.broadcast %jit3A_555 : i32 to vector<16xi32>
      %broadcast_in_dim3A_558 = vector.broadcast %jit3A_556 : i32 to vector<16xi32>
      %select_n3A_559 = arith.select %eq3A_542, %broadcast_in_dim3A_557, %broadcast_in_dim3A_558 : vector<16xi1>, vector<16xi32>
      %add3A_560 = arith.addi %add3A_536, %select_n3A_559 : vector<16xi32>
      %reduce_min3A_561 = arith.constant true
      %reduce_min3A_562 = vector.broadcast %reduce_min3A_561 : i1 to vector<16xi1>
      %reduce_min3A_563 = arith.constant -2147483648 : i32
      %reduce_min3A_564 = vector.broadcast %reduce_min3A_563 : i32 to vector<16xi32>
      %reduce_min3A_565 = arith.xori %min3A_550, %reduce_min3A_564 : vector<16xi32>
      %reduce_min3A_566 = tpu.scan <min>, %reduce_min3A_565 masked %reduce_min3A_562 : vector<16xi32>, vector<16xi1> -> vector<16xi32>
      %reduce_min3A_567 = arith.xori %reduce_min3A_566, %reduce_min3A_564 : vector<16xi32>
      %reduce_min3A_568 = vector.extract %reduce_min3A_567[15] : i32 from vector<16xi32>
      %reduce_sum3A = arith.constant true
      %reduce_sum3A_569 = vector.broadcast %reduce_sum3A : i1 to vector<16xi1>
      %reduce_sum3A_570 = tpu.scan <sum>, %add3A_560 masked %reduce_sum3A_569 : vector<16xi32>, vector<16xi1> -> vector<16xi32>
      %reduce_sum3A_571 = vector.extract %reduce_sum3A_570[15] : i32 from vector<16xi32>
      %gt3A_572 = arith.constant 1 : i32
      %gt3A_573 = arith.cmpi sgt, %reduce_sum3A_571, %gt3A_572 : i32
      %reduce_max3A_574 = arith.constant true
      %reduce_max3A_575 = vector.broadcast %reduce_max3A_574 : i1 to vector<16xi1>
      %reduce_max3A_576 = tpu.scan <max>, %max3A_554 masked %reduce_max3A_575 : vector<16xf32>, vector<16xi1> -> vector<16xf32>
      %reduce_max3A_577 = vector.extract %reduce_max3A_576[15] : f32 from vector<16xf32>
      %select_n3A_578 = arith.select %gt3A_573, %reduce_max3A_159, %reduce_max3A_577 : f32
      %broadcast_in_dim3A_579 = vector.broadcast %scan3A_102 : i32 to vector<16xi32>
      %broadcast_in_dim3A_580 = vector.broadcast %reduce_max3A_159 : f32 to vector<16xf32>
      tpu.vector_store_idx %arg10[%broadcast_in_dim3A_579], %broadcast_in_dim3A_580 masked %eq3A_2 : memref<64xf32, #tpu.memory_space<vmem>>[vector<16xi32>], vector<16xf32>, vector<16xi1>
      %broadcast_in_dim3A_581 = vector.broadcast %reduce_min3A_568 : i32 to vector<16xi32>
      tpu.vector_store_idx %arg11[%broadcast_in_dim3A_579], %broadcast_in_dim3A_581 masked %eq3A_2 : memref<64xi32, #tpu.memory_space<vmem>>[vector<16xi32>], vector<16xi32>, vector<16xi1>
      %shift_right_arithmetic3A = arith.constant 4 : i32
      %shift_right_arithmetic3A_582 = arith.shrsi %reduce_min3A_568, %shift_right_arithmetic3A : i32
      %shift_left3A = arith.constant 4 : i32
      %shift_left3A_583 = arith.shli %shift_right_arithmetic3A_582, %shift_left3A : i32
      %sub3A = arith.subi %reduce_min3A_568, %shift_left3A_583 : i32
      %get3A_584 = arith.index_cast %shift_left3A_583 : i32 to index
      %get3A_585 = tpu.vector_load %arg5[%get3A_584] {strides = array<i32>} : memref<32768xf32, #tpu.memory_space<vmem>>, vector<16xf32>,
      %eq3A_586 = vector.broadcast %sub3A : i32 to vector<16xi32>
      %eq3A_587 = arith.cmpi eq, %iota3A, %eq3A_586 : vector<16xi32>
      %jit3A_588 = arith.constant 0xFF800000 : f32
      %broadcast_in_dim3A_589 = vector.broadcast %jit3A_588 : f32 to vector<16xf32>
      %select_n3A_590 = arith.select %eq3A_587, %broadcast_in_dim3A_589, %get3A_585 : vector<16xi1>, vector<16xf32>
      %swap3A = arith.index_cast %shift_left3A_583 : i32 to index
      %swap3A_591 = tpu.vector_load %arg5[%swap3A] {strides = array<i32>} : memref<32768xf32, #tpu.memory_space<vmem>>, vector<16xf32>,
      tpu.vector_store %arg5[%swap3A], %select_n3A_590 {strides = array<i32>} : memref<32768xf32, #tpu.memory_space<vmem>>, vector<16xf32>,
      %broadcast_in_dim3A_592 = vector.broadcast %reduce_min3A_169 : i32 to vector<16xi32>
      %broadcast_in_dim3A_593 = vector.broadcast %select_n3A_578 : f32 to vector<16xf32>
      tpu.vector_store_idx %arg8[%broadcast_in_dim3A_592], %broadcast_in_dim3A_593 masked %eq3A_2 : memref<128xf32, #tpu.memory_space<vmem>>[vector<16xi32>], vector<16xf32>, vector<16xi1>
      %get3A_594 = arith.constant 0 : index
      %get3A_595 = tpu.vector_load %arg9[%get3A_594] {strides = array<i32>} : memref<128xf32, #tpu.memory_space<vmem>>, vector<16xf32>,
      %get3A_596 = arith.constant 16 : index
      %get3A_597 = tpu.vector_load %arg9[%get3A_596] {strides = array<i32>} : memref<128xf32, #tpu.memory_space<vmem>>, vector<16xf32>,
      %gt3A_598 = arith.cmpf ogt, %get3A_597, %get3A_595 : vector<16xf32>
      %max3A_599 = arith.maximumf %get3A_595, %get3A_597 : vector<16xf32>
      %add3A_600 = arith.constant 16 : i32
      %add3A_601 = vector.broadcast %add3A_600 : i32 to vector<16xi32>
      %add3A_602 = arith.addi %iota3A, %add3A_601 : vector<16xi32>
      %select_n3A_603 = arith.select %gt3A_598, %add3A_602, %iota3A : vector<16xi1>, vector<16xi32>
      %get3A_604 = arith.constant 32 : index
      %get3A_605 = tpu.vector_load %arg9[%get3A_604] {strides = array<i32>} : memref<128xf32, #tpu.memory_space<vmem>>, vector<16xf32>,
      %gt3A_606 = arith.cmpf ogt, %get3A_605, %max3A_599 : vector<16xf32>
      %max3A_607 = arith.maximumf %max3A_599, %get3A_605 : vector<16xf32>
      %add3A_608 = arith.constant 32 : i32
      %add3A_609 = vector.broadcast %add3A_608 : i32 to vector<16xi32>
      %add3A_610 = arith.addi %iota3A, %add3A_609 : vector<16xi32>
      %select_n3A_611 = arith.select %gt3A_606, %add3A_610, %select_n3A_603 : vector<16xi1>, vector<16xi32>
      %get3A_612 = arith.constant 48 : index
      %get3A_613 = tpu.vector_load %arg9[%get3A_612] {strides = array<i32>} : memref<128xf32, #tpu.memory_space<vmem>>, vector<16xf32>,
      %gt3A_614 = arith.cmpf ogt, %get3A_613, %max3A_607 : vector<16xf32>
      %max3A_615 = arith.maximumf %max3A_607, %get3A_613 : vector<16xf32>
      %add3A_616 = arith.constant 48 : i32
      %add3A_617 = vector.broadcast %add3A_616 : i32 to vector<16xi32>
      %add3A_618 = arith.addi %iota3A, %add3A_617 : vector<16xi32>
      %select_n3A_619 = arith.select %gt3A_614, %add3A_618, %select_n3A_611 : vector<16xi1>, vector<16xi32>
      %get3A_620 = arith.constant 64 : index
      %get3A_621 = tpu.vector_load %arg9[%get3A_620] {strides = array<i32>} : memref<128xf32, #tpu.memory_space<vmem>>, vector<16xf32>,
      %gt3A_622 = arith.cmpf ogt, %get3A_621, %max3A_615 : vector<16xf32>
      %max3A_623 = arith.maximumf %max3A_615, %get3A_621 : vector<16xf32>
      %add3A_624 = arith.constant 64 : i32
      %add3A_625 = vector.broadcast %add3A_624 : i32 to vector<16xi32>
      %add3A_626 = arith.addi %iota3A, %add3A_625 : vector<16xi32>
      %select_n3A_627 = arith.select %gt3A_622, %add3A_626, %select_n3A_619 : vector<16xi1>, vector<16xi32>
      %get3A_628 = arith.constant 80 : index
      %get3A_629 = tpu.vector_load %arg9[%get3A_628] {strides = array<i32>} : memref<128xf32, #tpu.memory_space<vmem>>, vector<16xf32>,
      %gt3A_630 = arith.cmpf ogt, %get3A_629, %max3A_623 : vector<16xf32>
      %max3A_631 = arith.maximumf %max3A_623, %get3A_629 : vector<16xf32>
      %add3A_632 = arith.constant 80 : i32
      %add3A_633 = vector.broadcast %add3A_632 : i32 to vector<16xi32>
      %add3A_634 = arith.addi %iota3A, %add3A_633 : vector<16xi32>
      %select_n3A_635 = arith.select %gt3A_630, %add3A_634, %select_n3A_627 : vector<16xi1>, vector<16xi32>
      %get3A_636 = arith.constant 96 : index
      %get3A_637 = tpu.vector_load %arg9[%get3A_636] {strides = array<i32>} : memref<128xf32, #tpu.memory_space<vmem>>, vector<16xf32>,
      %gt3A_638 = arith.cmpf ogt, %get3A_637, %max3A_631 : vector<16xf32>
      %max3A_639 = arith.maximumf %max3A_631, %get3A_637 : vector<16xf32>
      %add3A_640 = arith.constant 96 : i32
      %add3A_641 = vector.broadcast %add3A_640 : i32 to vector<16xi32>
      %add3A_642 = arith.addi %iota3A, %add3A_641 : vector<16xi32>
      %select_n3A_643 = arith.select %gt3A_638, %add3A_642, %select_n3A_635 : vector<16xi1>, vector<16xi32>
      %get3A_644 = arith.constant 112 : index
      %get3A_645 = tpu.vector_load %arg9[%get3A_644] {strides = array<i32>} : memref<128xf32, #tpu.memory_space<vmem>>, vector<16xf32>,
      %gt3A_646 = arith.cmpf ogt, %get3A_645, %max3A_639 : vector<16xf32>
      %max3A_647 = arith.maximumf %max3A_639, %get3A_645 : vector<16xf32>
      %add3A_648 = arith.constant 112 : i32
      %add3A_649 = vector.broadcast %add3A_648 : i32 to vector<16xi32>
      %add3A_650 = arith.addi %iota3A, %add3A_649 : vector<16xi32>
      %select_n3A_651 = arith.select %gt3A_646, %add3A_650, %select_n3A_643 : vector<16xi1>, vector<16xi32>
      %reduce_max3A_652 = arith.constant true
      %reduce_max3A_653 = vector.broadcast %reduce_max3A_652 : i1 to vector<16xi1>
      %reduce_max3A_654 = tpu.scan <max>, %max3A_647 masked %reduce_max3A_653 : vector<16xf32>, vector<16xi1> -> vector<16xf32>
      %reduce_max3A_655 = vector.extract %reduce_max3A_654[15] : f32 from vector<16xf32>
      %eq3A_656 = vector.broadcast %reduce_max3A_655 : f32 to vector<16xf32>
      %eq3A_657 = arith.cmpf oeq, %max3A_647, %eq3A_656 : vector<16xf32>
      %jit3A_658 = arith.constant 2147483647 : i32
      %broadcast_in_dim3A_659 = vector.broadcast %jit3A_658 : i32 to vector<16xi32>
      %select_n3A_660 = arith.select %eq3A_657, %select_n3A_651, %broadcast_in_dim3A_659 : vector<16xi1>, vector<16xi32>
      %reduce_min3A_661 = arith.constant true
      %reduce_min3A_662 = vector.broadcast %reduce_min3A_661 : i1 to vector<16xi1>
      %reduce_min3A_663 = arith.constant -2147483648 : i32
      %reduce_min3A_664 = vector.broadcast %reduce_min3A_663 : i32 to vector<16xi32>
      %reduce_min3A_665 = arith.xori %select_n3A_660, %reduce_min3A_664 : vector<16xi32>
      %reduce_min3A_666 = tpu.scan <min>, %reduce_min3A_665 masked %reduce_min3A_662 : vector<16xi32>, vector<16xi1> -> vector<16xi32>
      %reduce_min3A_667 = arith.xori %reduce_min3A_666, %reduce_min3A_664 : vector<16xi32>
      %reduce_min3A_668 = vector.extract %reduce_min3A_667[15] : i32 from vector<16xi32>
      %mul3A_669 = arith.constant 256 : i32
      %mul3A_670 = arith.muli %reduce_min3A_668, %mul3A_669 : i32
      %broadcast_in_dim3A_671 = arith.constant 2147483647 : i32
      %broadcast_in_dim3A_672 = vector.broadcast %broadcast_in_dim3A_671 : i32 to vector<16xi32>
      %broadcast_in_dim3A_673 = arith.constant 0xFF800000 : f32
      %broadcast_in_dim3A_674 = vector.broadcast %broadcast_in_dim3A_673 : f32 to vector<16xf32>
      %broadcast_in_dim3A_675 = arith.constant 0 : i32
      %broadcast_in_dim3A_676 = vector.broadcast %broadcast_in_dim3A_675 : i32 to vector<16xi32>
      %add3A_677 = arith.constant 0 : i32
      %add3A_678 = arith.addi %mul3A_670, %add3A_677 : i32
      %get3A_679 = arith.index_cast %add3A_678 : i32 to index
      %get3A_680 = tpu.vector_load %arg6[%get3A_679] {strides = array<i32>} : memref<32768xf32, #tpu.memory_space<vmem>>, vector<16xf32>,
      %eq3A_681 = vector.broadcast %reduce_max3A_655 : f32 to vector<16xf32>
      %eq3A_682 = arith.cmpf oeq, %get3A_680, %eq3A_681 : vector<16xf32>
      %add3A_683 = arith.constant 0 : i32
      %add3A_684 = arith.addi %mul3A_670, %add3A_683 : i32
      %add3A_685 = vector.broadcast %add3A_684 : i32 to vector<16xi32>
      %add3A_686 = arith.addi %iota3A, %add3A_685 : vector<16xi32>
      %jit3A_687 = arith.constant 2147483647 : i32
      %broadcast_in_dim3A_688 = vector.broadcast %jit3A_687 : i32 to vector<16xi32>
      %select_n3A_689 = arith.select %eq3A_682, %add3A_686, %broadcast_in_dim3A_688 : vector<16xi1>, vector<16xi32>
      %min3A_690 = arith.minsi %broadcast_in_dim3A_672, %select_n3A_689 : vector<16xi32>
      %jit3A_691 = arith.constant 0xFF800000 : f32
      %broadcast_in_dim3A_692 = vector.broadcast %jit3A_691 : f32 to vector<16xf32>
      %select_n3A_693 = arith.select %eq3A_682, %broadcast_in_dim3A_692, %get3A_680 : vector<16xi1>, vector<16xf32>
      %max3A_694 = arith.maximumf %broadcast_in_dim3A_674, %select_n3A_693 : vector<16xf32>
      %jit3A_695 = arith.constant 1 : i32
      %jit3A_696 = arith.constant 0 : i32
      %broadcast_in_dim3A_697 = vector.broadcast %jit3A_695 : i32 to vector<16xi32>
      %broadcast_in_dim3A_698 = vector.broadcast %jit3A_696 : i32 to vector<16xi32>
      %select_n3A_699 = arith.select %eq3A_682, %broadcast_in_dim3A_697, %broadcast_in_dim3A_698 : vector<16xi1>, vector<16xi32>
      %add3A_700 = arith.addi %broadcast_in_dim3A_676, %select_n3A_699 : vector<16xi32>
      %add3A_701 = arith.constant 16 : i32
      %add3A_702 = arith.addi %mul3A_670, %add3A_701 : i32
      %get3A_703 = arith.index_cast %add3A_702 : i32 to index
      %get3A_704 = tpu.vector_load %arg6[%get3A_703] {strides = array<i32>} : memref<32768xf32, #tpu.memory_space<vmem>>, vector<16xf32>,
      %eq3A_705 = vector.broadcast %reduce_max3A_655 : f32 to vector<16xf32>
      %eq3A_706 = arith.cmpf oeq, %get3A_704, %eq3A_705 : vector<16xf32>
      %add3A_707 = arith.constant 16 : i32
      %add3A_708 = arith.addi %mul3A_670, %add3A_707 : i32
      %add3A_709 = vector.broadcast %add3A_708 : i32 to vector<16xi32>
      %add3A_710 = arith.addi %iota3A, %add3A_709 : vector<16xi32>
      %jit3A_711 = arith.constant 2147483647 : i32
      %broadcast_in_dim3A_712 = vector.broadcast %jit3A_711 : i32 to vector<16xi32>
      %select_n3A_713 = arith.select %eq3A_706, %add3A_710, %broadcast_in_dim3A_712 : vector<16xi1>, vector<16xi32>
      %min3A_714 = arith.minsi %min3A_690, %select_n3A_713 : vector<16xi32>
      %jit3A_715 = arith.constant 0xFF800000 : f32
      %broadcast_in_dim3A_716 = vector.broadcast %jit3A_715 : f32 to vector<16xf32>
      %select_n3A_717 = arith.select %eq3A_706, %broadcast_in_dim3A_716, %get3A_704 : vector<16xi1>, vector<16xf32>
      %max3A_718 = arith.maximumf %max3A_694, %select_n3A_717 : vector<16xf32>
      %jit3A_719 = arith.constant 1 : i32
      %jit3A_720 = arith.constant 0 : i32
      %broadcast_in_dim3A_721 = vector.broadcast %jit3A_719 : i32 to vector<16xi32>
      %broadcast_in_dim3A_722 = vector.broadcast %jit3A_720 : i32 to vector<16xi32>
      %select_n3A_723 = arith.select %eq3A_706, %broadcast_in_dim3A_721, %broadcast_in_dim3A_722 : vector<16xi1>, vector<16xi32>
      %add3A_724 = arith.addi %add3A_700, %select_n3A_723 : vector<16xi32>
      %add3A_725 = arith.constant 32 : i32
      %add3A_726 = arith.addi %mul3A_670, %add3A_725 : i32
      %get3A_727 = arith.index_cast %add3A_726 : i32 to index
      %get3A_728 = tpu.vector_load %arg6[%get3A_727] {strides = array<i32>} : memref<32768xf32, #tpu.memory_space<vmem>>, vector<16xf32>,
      %eq3A_729 = vector.broadcast %reduce_max3A_655 : f32 to vector<16xf32>
      %eq3A_730 = arith.cmpf oeq, %get3A_728, %eq3A_729 : vector<16xf32>
      %add3A_731 = arith.constant 32 : i32
      %add3A_732 = arith.addi %mul3A_670, %add3A_731 : i32
      %add3A_733 = vector.broadcast %add3A_732 : i32 to vector<16xi32>
      %add3A_734 = arith.addi %iota3A, %add3A_733 : vector<16xi32>
      %jit3A_735 = arith.constant 2147483647 : i32
      %broadcast_in_dim3A_736 = vector.broadcast %jit3A_735 : i32 to vector<16xi32>
      %select_n3A_737 = arith.select %eq3A_730, %add3A_734, %broadcast_in_dim3A_736 : vector<16xi1>, vector<16xi32>
      %min3A_738 = arith.minsi %min3A_714, %select_n3A_737 : vector<16xi32>
      %jit3A_739 = arith.constant 0xFF800000 : f32
      %broadcast_in_dim3A_740 = vector.broadcast %jit3A_739 : f32 to vector<16xf32>
      %select_n3A_741 = arith.select %eq3A_730, %broadcast_in_dim3A_740, %get3A_728 : vector<16xi1>, vector<16xf32>
      %max3A_742 = arith.maximumf %max3A_718, %select_n3A_741 : vector<16xf32>
      %jit3A_743 = arith.constant 1 : i32
      %jit3A_744 = arith.constant 0 : i32
      %broadcast_in_dim3A_745 = vector.broadcast %jit3A_743 : i32 to vector<16xi32>
      %broadcast_in_dim3A_746 = vector.broadcast %jit3A_744 : i32 to vector<16xi32>
      %select_n3A_747 = arith.select %eq3A_730, %broadcast_in_dim3A_745, %broadcast_in_dim3A_746 : vector<16xi1>, vector<16xi32>
      %add3A_748 = arith.addi %add3A_724, %select_n3A_747 : vector<16xi32>
      %add3A_749 = arith.constant 48 : i32
      %add3A_750 = arith.addi %mul3A_670, %add3A_749 : i32
      %get3A_751 = arith.index_cast %add3A_750 : i32 to index
      %get3A_752 = tpu.vector_load %arg6[%get3A_751] {strides = array<i32>} : memref<32768xf32, #tpu.memory_space<vmem>>, vector<16xf32>,
      %eq3A_753 = vector.broadcast %reduce_max3A_655 : f32 to vector<16xf32>
      %eq3A_754 = arith.cmpf oeq, %get3A_752, %eq3A_753 : vector<16xf32>
      %add3A_755 = arith.constant 48 : i32
      %add3A_756 = arith.addi %mul3A_670, %add3A_755 : i32
      %add3A_757 = vector.broadcast %add3A_756 : i32 to vector<16xi32>
      %add3A_758 = arith.addi %iota3A, %add3A_757 : vector<16xi32>
      %jit3A_759 = arith.constant 2147483647 : i32
      %broadcast_in_dim3A_760 = vector.broadcast %jit3A_759 : i32 to vector<16xi32>
      %select_n3A_761 = arith.select %eq3A_754, %add3A_758, %broadcast_in_dim3A_760 : vector<16xi1>, vector<16xi32>
      %min3A_762 = arith.minsi %min3A_738, %select_n3A_761 : vector<16xi32>
      %jit3A_763 = arith.constant 0xFF800000 : f32
      %broadcast_in_dim3A_764 = vector.broadcast %jit3A_763 : f32 to vector<16xf32>
      %select_n3A_765 = arith.select %eq3A_754, %broadcast_in_dim3A_764, %get3A_752 : vector<16xi1>, vector<16xf32>
      %max3A_766 = arith.maximumf %max3A_742, %select_n3A_765 : vector<16xf32>
      %jit3A_767 = arith.constant 1 : i32
      %jit3A_768 = arith.constant 0 : i32
      %broadcast_in_dim3A_769 = vector.broadcast %jit3A_767 : i32 to vector<16xi32>
      %broadcast_in_dim3A_770 = vector.broadcast %jit3A_768 : i32 to vector<16xi32>
      %select_n3A_771 = arith.select %eq3A_754, %broadcast_in_dim3A_769, %broadcast_in_dim3A_770 : vector<16xi1>, vector<16xi32>
      %add3A_772 = arith.addi %add3A_748, %select_n3A_771 : vector<16xi32>
      %add3A_773 = arith.constant 64 : i32
      %add3A_774 = arith.addi %mul3A_670, %add3A_773 : i32
      %get3A_775 = arith.index_cast %add3A_774 : i32 to index
      %get3A_776 = tpu.vector_load %arg6[%get3A_775] {strides = array<i32>} : memref<32768xf32, #tpu.memory_space<vmem>>, vector<16xf32>,
      %eq3A_777 = vector.broadcast %reduce_max3A_655 : f32 to vector<16xf32>
      %eq3A_778 = arith.cmpf oeq, %get3A_776, %eq3A_777 : vector<16xf32>
      %add3A_779 = arith.constant 64 : i32
      %add3A_780 = arith.addi %mul3A_670, %add3A_779 : i32
      %add3A_781 = vector.broadcast %add3A_780 : i32 to vector<16xi32>
      %add3A_782 = arith.addi %iota3A, %add3A_781 : vector<16xi32>
      %jit3A_783 = arith.constant 2147483647 : i32
      %broadcast_in_dim3A_784 = vector.broadcast %jit3A_783 : i32 to vector<16xi32>
      %select_n3A_785 = arith.select %eq3A_778, %add3A_782, %broadcast_in_dim3A_784 : vector<16xi1>, vector<16xi32>
      %min3A_786 = arith.minsi %min3A_762, %select_n3A_785 : vector<16xi32>
      %jit3A_787 = arith.constant 0xFF800000 : f32
      %broadcast_in_dim3A_788 = vector.broadcast %jit3A_787 : f32 to vector<16xf32>
      %select_n3A_789 = arith.select %eq3A_778, %broadcast_in_dim3A_788, %get3A_776 : vector<16xi1>, vector<16xf32>
      %max3A_790 = arith.maximumf %max3A_766, %select_n3A_789 : vector<16xf32>
      %jit3A_791 = arith.constant 1 : i32
      %jit3A_792 = arith.constant 0 : i32
      %broadcast_in_dim3A_793 = vector.broadcast %jit3A_791 : i32 to vector<16xi32>
      %broadcast_in_dim3A_794 = vector.broadcast %jit3A_792 : i32 to vector<16xi32>
      %select_n3A_795 = arith.select %eq3A_778, %broadcast_in_dim3A_793, %broadcast_in_dim3A_794 : vector<16xi1>, vector<16xi32>
      %add3A_796 = arith.addi %add3A_772, %select_n3A_795 : vector<16xi32>
      %add3A_797 = arith.constant 80 : i32
      %add3A_798 = arith.addi %mul3A_670, %add3A_797 : i32
      %get3A_799 = arith.index_cast %add3A_798 : i32 to index
      %get3A_800 = tpu.vector_load %arg6[%get3A_799] {strides = array<i32>} : memref<32768xf32, #tpu.memory_space<vmem>>, vector<16xf32>,
      %eq3A_801 = vector.broadcast %reduce_max3A_655 : f32 to vector<16xf32>
      %eq3A_802 = arith.cmpf oeq, %get3A_800, %eq3A_801 : vector<16xf32>
      %add3A_803 = arith.constant 80 : i32
      %add3A_804 = arith.addi %mul3A_670, %add3A_803 : i32
      %add3A_805 = vector.broadcast %add3A_804 : i32 to vector<16xi32>
      %add3A_806 = arith.addi %iota3A, %add3A_805 : vector<16xi32>
      %jit3A_807 = arith.constant 2147483647 : i32
      %broadcast_in_dim3A_808 = vector.broadcast %jit3A_807 : i32 to vector<16xi32>
      %select_n3A_809 = arith.select %eq3A_802, %add3A_806, %broadcast_in_dim3A_808 : vector<16xi1>, vector<16xi32>
      %min3A_810 = arith.minsi %min3A_786, %select_n3A_809 : vector<16xi32>
      %jit3A_811 = arith.constant 0xFF800000 : f32
      %broadcast_in_dim3A_812 = vector.broadcast %jit3A_811 : f32 to vector<16xf32>
      %select_n3A_813 = arith.select %eq3A_802, %broadcast_in_dim3A_812, %get3A_800 : vector<16xi1>, vector<16xf32>
      %max3A_814 = arith.maximumf %max3A_790, %select_n3A_813 : vector<16xf32>
      %jit3A_815 = arith.constant 1 : i32
      %jit3A_816 = arith.constant 0 : i32
      %broadcast_in_dim3A_817 = vector.broadcast %jit3A_815 : i32 to vector<16xi32>
      %broadcast_in_dim3A_818 = vector.broadcast %jit3A_816 : i32 to vector<16xi32>
      %select_n3A_819 = arith.select %eq3A_802, %broadcast_in_dim3A_817, %broadcast_in_dim3A_818 : vector<16xi1>, vector<16xi32>
      %add3A_820 = arith.addi %add3A_796, %select_n3A_819 : vector<16xi32>
      %add3A_821 = arith.constant 96 : i32
      %add3A_822 = arith.addi %mul3A_670, %add3A_821 : i32
      %get3A_823 = arith.index_cast %add3A_822 : i32 to index
      %get3A_824 = tpu.vector_load %arg6[%get3A_823] {strides = array<i32>} : memref<32768xf32, #tpu.memory_space<vmem>>, vector<16xf32>,
      %eq3A_825 = vector.broadcast %reduce_max3A_655 : f32 to vector<16xf32>
      %eq3A_826 = arith.cmpf oeq, %get3A_824, %eq3A_825 : vector<16xf32>
      %add3A_827 = arith.constant 96 : i32
      %add3A_828 = arith.addi %mul3A_670, %add3A_827 : i32
      %add3A_829 = vector.broadcast %add3A_828 : i32 to vector<16xi32>
      %add3A_830 = arith.addi %iota3A, %add3A_829 : vector<16xi32>
      %jit3A_831 = arith.constant 2147483647 : i32
      %broadcast_in_dim3A_832 = vector.broadcast %jit3A_831 : i32 to vector<16xi32>
      %select_n3A_833 = arith.select %eq3A_826, %add3A_830, %broadcast_in_dim3A_832 : vector<16xi1>, vector<16xi32>
      %min3A_834 = arith.minsi %min3A_810, %select_n3A_833 : vector<16xi32>
      %jit3A_835 = arith.constant 0xFF800000 : f32
      %broadcast_in_dim3A_836 = vector.broadcast %jit3A_835 : f32 to vector<16xf32>
      %select_n3A_837 = arith.select %eq3A_826, %broadcast_in_dim3A_836, %get3A_824 : vector<16xi1>, vector<16xf32>
      %max3A_838 = arith.maximumf %max3A_814, %select_n3A_837 : vector<16xf32>
      %jit3A_839 = arith.constant 1 : i32
      %jit3A_840 = arith.constant 0 : i32
      %broadcast_in_dim3A_841 = vector.broadcast %jit3A_839 : i32 to vector<16xi32>
      %broadcast_in_dim3A_842 = vector.broadcast %jit3A_840 : i32 to vector<16xi32>
      %select_n3A_843 = arith.select %eq3A_826, %broadcast_in_dim3A_841, %broadcast_in_dim3A_842 : vector<16xi1>, vector<16xi32>
      %add3A_844 = arith.addi %add3A_820, %select_n3A_843 : vector<16xi32>
      %add3A_845 = arith.constant 112 : i32
      %add3A_846 = arith.addi %mul3A_670, %add3A_845 : i32
      %get3A_847 = arith.index_cast %add3A_846 : i32 to index
      %get3A_848 = tpu.vector_load %arg6[%get3A_847] {strides = array<i32>} : memref<32768xf32, #tpu.memory_space<vmem>>, vector<16xf32>,
      %eq3A_849 = vector.broadcast %reduce_max3A_655 : f32 to vector<16xf32>
      %eq3A_850 = arith.cmpf oeq, %get3A_848, %eq3A_849 : vector<16xf32>
      %add3A_851 = arith.constant 112 : i32
      %add3A_852 = arith.addi %mul3A_670, %add3A_851 : i32
      %add3A_853 = vector.broadcast %add3A_852 : i32 to vector<16xi32>
      %add3A_854 = arith.addi %iota3A, %add3A_853 : vector<16xi32>
      %jit3A_855 = arith.constant 2147483647 : i32
      %broadcast_in_dim3A_856 = vector.broadcast %jit3A_855 : i32 to vector<16xi32>
      %select_n3A_857 = arith.select %eq3A_850, %add3A_854, %broadcast_in_dim3A_856 : vector<16xi1>, vector<16xi32>
      %min3A_858 = arith.minsi %min3A_834, %select_n3A_857 : vector<16xi32>
      %jit3A_859 = arith.constant 0xFF800000 : f32
      %broadcast_in_dim3A_860 = vector.broadcast %jit3A_859 : f32 to vector<16xf32>
      %select_n3A_861 = arith.select %eq3A_850, %broadcast_in_dim3A_860, %get3A_848 : vector<16xi1>, vector<16xf32>
      %max3A_862 = arith.maximumf %max3A_838, %select_n3A_861 : vector<16xf32>
      %jit3A_863 = arith.constant 1 : i32
      %jit3A_864 = arith.constant 0 : i32
      %broadcast_in_dim3A_865 = vector.broadcast %jit3A_863 : i32 to vector<16xi32>
      %broadcast_in_dim3A_866 = vector.broadcast %jit3A_864 : i32 to vector<16xi32>
      %select_n3A_867 = arith.select %eq3A_850, %broadcast_in_dim3A_865, %broadcast_in_dim3A_866 : vector<16xi1>, vector<16xi32>
      %add3A_868 = arith.addi %add3A_844, %select_n3A_867 : vector<16xi32>
      %add3A_869 = arith.constant 128 : i32
      %add3A_870 = arith.addi %mul3A_670, %add3A_869 : i32
      %get3A_871 = arith.index_cast %add3A_870 : i32 to index
      %get3A_872 = tpu.vector_load %arg6[%get3A_871] {strides = array<i32>} : memref<32768xf32, #tpu.memory_space<vmem>>, vector<16xf32>,
      %eq3A_873 = vector.broadcast %reduce_max3A_655 : f32 to vector<16xf32>
      %eq3A_874 = arith.cmpf oeq, %get3A_872, %eq3A_873 : vector<16xf32>
      %add3A_875 = arith.constant 128 : i32
      %add3A_876 = arith.addi %mul3A_670, %add3A_875 : i32
      %add3A_877 = vector.broadcast %add3A_876 : i32 to vector<16xi32>
      %add3A_878 = arith.addi %iota3A, %add3A_877 : vector<16xi32>
      %jit3A_879 = arith.constant 2147483647 : i32
      %broadcast_in_dim3A_880 = vector.broadcast %jit3A_879 : i32 to vector<16xi32>
      %select_n3A_881 = arith.select %eq3A_874, %add3A_878, %broadcast_in_dim3A_880 : vector<16xi1>, vector<16xi32>
      %min3A_882 = arith.minsi %min3A_858, %select_n3A_881 : vector<16xi32>
      %jit3A_883 = arith.constant 0xFF800000 : f32
      %broadcast_in_dim3A_884 = vector.broadcast %jit3A_883 : f32 to vector<16xf32>
      %select_n3A_885 = arith.select %eq3A_874, %broadcast_in_dim3A_884, %get3A_872 : vector<16xi1>, vector<16xf32>
      %max3A_886 = arith.maximumf %max3A_862, %select_n3A_885 : vector<16xf32>
      %jit3A_887 = arith.constant 1 : i32
      %jit3A_888 = arith.constant 0 : i32
      %broadcast_in_dim3A_889 = vector.broadcast %jit3A_887 : i32 to vector<16xi32>
      %broadcast_in_dim3A_890 = vector.broadcast %jit3A_888 : i32 to vector<16xi32>
      %select_n3A_891 = arith.select %eq3A_874, %broadcast_in_dim3A_889, %broadcast_in_dim3A_890 : vector<16xi1>, vector<16xi32>
      %add3A_892 = arith.addi %add3A_868, %select_n3A_891 : vector<16xi32>
      %add3A_893 = arith.constant 144 : i32
      %add3A_894 = arith.addi %mul3A_670, %add3A_893 : i32
      %get3A_895 = arith.index_cast %add3A_894 : i32 to index
      %get3A_896 = tpu.vector_load %arg6[%get3A_895] {strides = array<i32>} : memref<32768xf32, #tpu.memory_space<vmem>>, vector<16xf32>,
      %eq3A_897 = vector.broadcast %reduce_max3A_655 : f32 to vector<16xf32>
      %eq3A_898 = arith.cmpf oeq, %get3A_896, %eq3A_897 : vector<16xf32>
      %add3A_899 = arith.constant 144 : i32
      %add3A_900 = arith.addi %mul3A_670, %add3A_899 : i32
      %add3A_901 = vector.broadcast %add3A_900 : i32 to vector<16xi32>
      %add3A_902 = arith.addi %iota3A, %add3A_901 : vector<16xi32>
      %jit3A_903 = arith.constant 2147483647 : i32
      %broadcast_in_dim3A_904 = vector.broadcast %jit3A_903 : i32 to vector<16xi32>
      %select_n3A_905 = arith.select %eq3A_898, %add3A_902, %broadcast_in_dim3A_904 : vector<16xi1>, vector<16xi32>
      %min3A_906 = arith.minsi %min3A_882, %select_n3A_905 : vector<16xi32>
      %jit3A_907 = arith.constant 0xFF800000 : f32
      %broadcast_in_dim3A_908 = vector.broadcast %jit3A_907 : f32 to vector<16xf32>
      %select_n3A_909 = arith.select %eq3A_898, %broadcast_in_dim3A_908, %get3A_896 : vector<16xi1>, vector<16xf32>
      %max3A_910 = arith.maximumf %max3A_886, %select_n3A_909 : vector<16xf32>
      %jit3A_911 = arith.constant 1 : i32
      %jit3A_912 = arith.constant 0 : i32
      %broadcast_in_dim3A_913 = vector.broadcast %jit3A_911 : i32 to vector<16xi32>
      %broadcast_in_dim3A_914 = vector.broadcast %jit3A_912 : i32 to vector<16xi32>
      %select_n3A_915 = arith.select %eq3A_898, %broadcast_in_dim3A_913, %broadcast_in_dim3A_914 : vector<16xi1>, vector<16xi32>
      %add3A_916 = arith.addi %add3A_892, %select_n3A_915 : vector<16xi32>
      %add3A_917 = arith.constant 160 : i32
      %add3A_918 = arith.addi %mul3A_670, %add3A_917 : i32
      %get3A_919 = arith.index_cast %add3A_918 : i32 to index
      %get3A_920 = tpu.vector_load %arg6[%get3A_919] {strides = array<i32>} : memref<32768xf32, #tpu.memory_space<vmem>>, vector<16xf32>,
      %eq3A_921 = vector.broadcast %reduce_max3A_655 : f32 to vector<16xf32>
      %eq3A_922 = arith.cmpf oeq, %get3A_920, %eq3A_921 : vector<16xf32>
      %add3A_923 = arith.constant 160 : i32
      %add3A_924 = arith.addi %mul3A_670, %add3A_923 : i32
      %add3A_925 = vector.broadcast %add3A_924 : i32 to vector<16xi32>
      %add3A_926 = arith.addi %iota3A, %add3A_925 : vector<16xi32>
      %jit3A_927 = arith.constant 2147483647 : i32
      %broadcast_in_dim3A_928 = vector.broadcast %jit3A_927 : i32 to vector<16xi32>
      %select_n3A_929 = arith.select %eq3A_922, %add3A_926, %broadcast_in_dim3A_928 : vector<16xi1>, vector<16xi32>
      %min3A_930 = arith.minsi %min3A_906, %select_n3A_929 : vector<16xi32>
      %jit3A_931 = arith.constant 0xFF800000 : f32
      %broadcast_in_dim3A_932 = vector.broadcast %jit3A_931 : f32 to vector<16xf32>
      %select_n3A_933 = arith.select %eq3A_922, %broadcast_in_dim3A_932, %get3A_920 : vector<16xi1>, vector<16xf32>
      %max3A_934 = arith.maximumf %max3A_910, %select_n3A_933 : vector<16xf32>
      %jit3A_935 = arith.constant 1 : i32
      %jit3A_936 = arith.constant 0 : i32
      %broadcast_in_dim3A_937 = vector.broadcast %jit3A_935 : i32 to vector<16xi32>
      %broadcast_in_dim3A_938 = vector.broadcast %jit3A_936 : i32 to vector<16xi32>
      %select_n3A_939 = arith.select %eq3A_922, %broadcast_in_dim3A_937, %broadcast_in_dim3A_938 : vector<16xi1>, vector<16xi32>
      %add3A_940 = arith.addi %add3A_916, %select_n3A_939 : vector<16xi32>
      %add3A_941 = arith.constant 176 : i32
      %add3A_942 = arith.addi %mul3A_670, %add3A_941 : i32
      %get3A_943 = arith.index_cast %add3A_942 : i32 to index
      %get3A_944 = tpu.vector_load %arg6[%get3A_943] {strides = array<i32>} : memref<32768xf32, #tpu.memory_space<vmem>>, vector<16xf32>,
      %eq3A_945 = vector.broadcast %reduce_max3A_655 : f32 to vector<16xf32>
      %eq3A_946 = arith.cmpf oeq, %get3A_944, %eq3A_945 : vector<16xf32>
      %add3A_947 = arith.constant 176 : i32
      %add3A_948 = arith.addi %mul3A_670, %add3A_947 : i32
      %add3A_949 = vector.broadcast %add3A_948 : i32 to vector<16xi32>
      %add3A_950 = arith.addi %iota3A, %add3A_949 : vector<16xi32>
      %jit3A_951 = arith.constant 2147483647 : i32
      %broadcast_in_dim3A_952 = vector.broadcast %jit3A_951 : i32 to vector<16xi32>
      %select_n3A_953 = arith.select %eq3A_946, %add3A_950, %broadcast_in_dim3A_952 : vector<16xi1>, vector<16xi32>
      %min3A_954 = arith.minsi %min3A_930, %select_n3A_953 : vector<16xi32>
      %jit3A_955 = arith.constant 0xFF800000 : f32
      %broadcast_in_dim3A_956 = vector.broadcast %jit3A_955 : f32 to vector<16xf32>
      %select_n3A_957 = arith.select %eq3A_946, %broadcast_in_dim3A_956, %get3A_944 : vector<16xi1>, vector<16xf32>
      %max3A_958 = arith.maximumf %max3A_934, %select_n3A_957 : vector<16xf32>
      %jit3A_959 = arith.constant 1 : i32
      %jit3A_960 = arith.constant 0 : i32
      %broadcast_in_dim3A_961 = vector.broadcast %jit3A_959 : i32 to vector<16xi32>
      %broadcast_in_dim3A_962 = vector.broadcast %jit3A_960 : i32 to vector<16xi32>
      %select_n3A_963 = arith.select %eq3A_946, %broadcast_in_dim3A_961, %broadcast_in_dim3A_962 : vector<16xi1>, vector<16xi32>
      %add3A_964 = arith.addi %add3A_940, %select_n3A_963 : vector<16xi32>
      %add3A_965 = arith.constant 192 : i32
      %add3A_966 = arith.addi %mul3A_670, %add3A_965 : i32
      %get3A_967 = arith.index_cast %add3A_966 : i32 to index
      %get3A_968 = tpu.vector_load %arg6[%get3A_967] {strides = array<i32>} : memref<32768xf32, #tpu.memory_space<vmem>>, vector<16xf32>,
      %eq3A_969 = vector.broadcast %reduce_max3A_655 : f32 to vector<16xf32>
      %eq3A_970 = arith.cmpf oeq, %get3A_968, %eq3A_969 : vector<16xf32>
      %add3A_971 = arith.constant 192 : i32
      %add3A_972 = arith.addi %mul3A_670, %add3A_971 : i32
      %add3A_973 = vector.broadcast %add3A_972 : i32 to vector<16xi32>
      %add3A_974 = arith.addi %iota3A, %add3A_973 : vector<16xi32>
      %jit3A_975 = arith.constant 2147483647 : i32
      %broadcast_in_dim3A_976 = vector.broadcast %jit3A_975 : i32 to vector<16xi32>
      %select_n3A_977 = arith.select %eq3A_970, %add3A_974, %broadcast_in_dim3A_976 : vector<16xi1>, vector<16xi32>
      %min3A_978 = arith.minsi %min3A_954, %select_n3A_977 : vector<16xi32>
      %jit3A_979 = arith.constant 0xFF800000 : f32
      %broadcast_in_dim3A_980 = vector.broadcast %jit3A_979 : f32 to vector<16xf32>
      %select_n3A_981 = arith.select %eq3A_970, %broadcast_in_dim3A_980, %get3A_968 : vector<16xi1>, vector<16xf32>
      %max3A_982 = arith.maximumf %max3A_958, %select_n3A_981 : vector<16xf32>
      %jit3A_983 = arith.constant 1 : i32
      %jit3A_984 = arith.constant 0 : i32
      %broadcast_in_dim3A_985 = vector.broadcast %jit3A_983 : i32 to vector<16xi32>
      %broadcast_in_dim3A_986 = vector.broadcast %jit3A_984 : i32 to vector<16xi32>
      %select_n3A_987 = arith.select %eq3A_970, %broadcast_in_dim3A_985, %broadcast_in_dim3A_986 : vector<16xi1>, vector<16xi32>
      %add3A_988 = arith.addi %add3A_964, %select_n3A_987 : vector<16xi32>
      %add3A_989 = arith.constant 208 : i32
      %add3A_990 = arith.addi %mul3A_670, %add3A_989 : i32
      %get3A_991 = arith.index_cast %add3A_990 : i32 to index
      %get3A_992 = tpu.vector_load %arg6[%get3A_991] {strides = array<i32>} : memref<32768xf32, #tpu.memory_space<vmem>>, vector<16xf32>,
      %eq3A_993 = vector.broadcast %reduce_max3A_655 : f32 to vector<16xf32>
      %eq3A_994 = arith.cmpf oeq, %get3A_992, %eq3A_993 : vector<16xf32>
      %add3A_995 = arith.constant 208 : i32
      %add3A_996 = arith.addi %mul3A_670, %add3A_995 : i32
      %add3A_997 = vector.broadcast %add3A_996 : i32 to vector<16xi32>
      %add3A_998 = arith.addi %iota3A, %add3A_997 : vector<16xi32>
      %jit3A_999 = arith.constant 2147483647 : i32
      %broadcast_in_dim3A_1000 = vector.broadcast %jit3A_999 : i32 to vector<16xi32>
      %select_n3A_1001 = arith.select %eq3A_994, %add3A_998, %broadcast_in_dim3A_1000 : vector<16xi1>, vector<16xi32>
      %min3A_1002 = arith.minsi %min3A_978, %select_n3A_1001 : vector<16xi32>
      %jit3A_1003 = arith.constant 0xFF800000 : f32
      %broadcast_in_dim3A_1004 = vector.broadcast %jit3A_1003 : f32 to vector<16xf32>
      %select_n3A_1005 = arith.select %eq3A_994, %broadcast_in_dim3A_1004, %get3A_992 : vector<16xi1>, vector<16xf32>
      %max3A_1006 = arith.maximumf %max3A_982, %select_n3A_1005 : vector<16xf32>
      %jit3A_1007 = arith.constant 1 : i32
      %jit3A_1008 = arith.constant 0 : i32
      %broadcast_in_dim3A_1009 = vector.broadcast %jit3A_1007 : i32 to vector<16xi32>
      %broadcast_in_dim3A_1010 = vector.broadcast %jit3A_1008 : i32 to vector<16xi32>
      %select_n3A_1011 = arith.select %eq3A_994, %broadcast_in_dim3A_1009, %broadcast_in_dim3A_1010 : vector<16xi1>, vector<16xi32>
      %add3A_1012 = arith.addi %add3A_988, %select_n3A_1011 : vector<16xi32>
      %add3A_1013 = arith.constant 224 : i32
      %add3A_1014 = arith.addi %mul3A_670, %add3A_1013 : i32
      %get3A_1015 = arith.index_cast %add3A_1014 : i32 to index
      %get3A_1016 = tpu.vector_load %arg6[%get3A_1015] {strides = array<i32>} : memref<32768xf32, #tpu.memory_space<vmem>>, vector<16xf32>,
      %eq3A_1017 = vector.broadcast %reduce_max3A_655 : f32 to vector<16xf32>
      %eq3A_1018 = arith.cmpf oeq, %get3A_1016, %eq3A_1017 : vector<16xf32>
      %add3A_1019 = arith.constant 224 : i32
      %add3A_1020 = arith.addi %mul3A_670, %add3A_1019 : i32
      %add3A_1021 = vector.broadcast %add3A_1020 : i32 to vector<16xi32>
      %add3A_1022 = arith.addi %iota3A, %add3A_1021 : vector<16xi32>
      %jit3A_1023 = arith.constant 2147483647 : i32
      %broadcast_in_dim3A_1024 = vector.broadcast %jit3A_1023 : i32 to vector<16xi32>
      %select_n3A_1025 = arith.select %eq3A_1018, %add3A_1022, %broadcast_in_dim3A_1024 : vector<16xi1>, vector<16xi32>
      %min3A_1026 = arith.minsi %min3A_1002, %select_n3A_1025 : vector<16xi32>
      %jit3A_1027 = arith.constant 0xFF800000 : f32
      %broadcast_in_dim3A_1028 = vector.broadcast %jit3A_1027 : f32 to vector<16xf32>
      %select_n3A_1029 = arith.select %eq3A_1018, %broadcast_in_dim3A_1028, %get3A_1016 : vector<16xi1>, vector<16xf32>
      %max3A_1030 = arith.maximumf %max3A_1006, %select_n3A_1029 : vector<16xf32>
      %jit3A_1031 = arith.constant 1 : i32
      %jit3A_1032 = arith.constant 0 : i32
      %broadcast_in_dim3A_1033 = vector.broadcast %jit3A_1031 : i32 to vector<16xi32>
      %broadcast_in_dim3A_1034 = vector.broadcast %jit3A_1032 : i32 to vector<16xi32>
      %select_n3A_1035 = arith.select %eq3A_1018, %broadcast_in_dim3A_1033, %broadcast_in_dim3A_1034 : vector<16xi1>, vector<16xi32>
      %add3A_1036 = arith.addi %add3A_1012, %select_n3A_1035 : vector<16xi32>
      %add3A_1037 = arith.constant 240 : i32
      %add3A_1038 = arith.addi %mul3A_670, %add3A_1037 : i32
      %get3A_1039 = arith.index_cast %add3A_1038 : i32 to index
      %get3A_1040 = tpu.vector_load %arg6[%get3A_1039] {strides = array<i32>} : memref<32768xf32, #tpu.memory_space<vmem>>, vector<16xf32>,
      %eq3A_1041 = vector.broadcast %reduce_max3A_655 : f32 to vector<16xf32>
      %eq3A_1042 = arith.cmpf oeq, %get3A_1040, %eq3A_1041 : vector<16xf32>
      %add3A_1043 = arith.constant 240 : i32
      %add3A_1044 = arith.addi %mul3A_670, %add3A_1043 : i32
      %add3A_1045 = vector.broadcast %add3A_1044 : i32 to vector<16xi32>
      %add3A_1046 = arith.addi %iota3A, %add3A_1045 : vector<16xi32>
      %jit3A_1047 = arith.constant 2147483647 : i32
      %broadcast_in_dim3A_1048 = vector.broadcast %jit3A_1047 : i32 to vector<16xi32>
      %select_n3A_1049 = arith.select %eq3A_1042, %add3A_1046, %broadcast_in_dim3A_1048 : vector<16xi1>, vector<16xi32>
      %min3A_1050 = arith.minsi %min3A_1026, %select_n3A_1049 : vector<16xi32>
      %jit3A_1051 = arith.constant 0xFF800000 : f32
      %broadcast_in_dim3A_1052 = vector.broadcast %jit3A_1051 : f32 to vector<16xf32>
      %select_n3A_1053 = arith.select %eq3A_1042, %broadcast_in_dim3A_1052, %get3A_1040 : vector<16xi1>, vector<16xf32>
      %max3A_1054 = arith.maximumf %max3A_1030, %select_n3A_1053 : vector<16xf32>
      %jit3A_1055 = arith.constant 1 : i32
      %jit3A_1056 = arith.constant 0 : i32
      %broadcast_in_dim3A_1057 = vector.broadcast %jit3A_1055 : i32 to vector<16xi32>
      %broadcast_in_dim3A_1058 = vector.broadcast %jit3A_1056 : i32 to vector<16xi32>
      %select_n3A_1059 = arith.select %eq3A_1042, %broadcast_in_dim3A_1057, %broadcast_in_dim3A_1058 : vector<16xi1>, vector<16xi32>
      %add3A_1060 = arith.addi %add3A_1036, %select_n3A_1059 : vector<16xi32>
      %reduce_min3A_1061 = arith.constant true
      %reduce_min3A_1062 = vector.broadcast %reduce_min3A_1061 : i1 to vector<16xi1>
      %reduce_min3A_1063 = arith.constant -2147483648 : i32
      %reduce_min3A_1064 = vector.broadcast %reduce_min3A_1063 : i32 to vector<16xi32>
      %reduce_min3A_1065 = arith.xori %min3A_1050, %reduce_min3A_1064 : vector<16xi32>
      %reduce_min3A_1066 = tpu.scan <min>, %reduce_min3A_1065 masked %reduce_min3A_1062 : vector<16xi32>, vector<16xi1> -> vector<16xi32>
      %reduce_min3A_1067 = arith.xori %reduce_min3A_1066, %reduce_min3A_1064 : vector<16xi32>
      %reduce_min3A_1068 = vector.extract %reduce_min3A_1067[15] : i32 from vector<16xi32>
      %reduce_sum3A_1069 = arith.constant true
      %reduce_sum3A_1070 = vector.broadcast %reduce_sum3A_1069 : i1 to vector<16xi1>
      %reduce_sum3A_1071 = tpu.scan <sum>, %add3A_1060 masked %reduce_sum3A_1070 : vector<16xi32>, vector<16xi1> -> vector<16xi32>
      %reduce_sum3A_1072 = vector.extract %reduce_sum3A_1071[15] : i32 from vector<16xi32>
      %gt3A_1073 = arith.constant 1 : i32
      %gt3A_1074 = arith.cmpi sgt, %reduce_sum3A_1072, %gt3A_1073 : i32
      %reduce_max3A_1075 = arith.constant true
      %reduce_max3A_1076 = vector.broadcast %reduce_max3A_1075 : i1 to vector<16xi1>
      %reduce_max3A_1077 = tpu.scan <max>, %max3A_1054 masked %reduce_max3A_1076 : vector<16xf32>, vector<16xi1> -> vector<16xf32>
      %reduce_max3A_1078 = vector.extract %reduce_max3A_1077[15] : f32 from vector<16xf32>
      %select_n3A_1079 = arith.select %gt3A_1074, %reduce_max3A_655, %reduce_max3A_1078 : f32
      %broadcast_in_dim3A_1080 = vector.broadcast %scan3A_102 : i32 to vector<16xi32>
      %broadcast_in_dim3A_1081 = vector.broadcast %reduce_max3A_655 : f32 to vector<16xf32>
      tpu.vector_store_idx %arg12[%broadcast_in_dim3A_1080], %broadcast_in_dim3A_1081 masked %eq3A_2 : memref<64xf32, #tpu.memory_space<vmem>>[vector<16xi32>], vector<16xf32>, vector<16xi1>
      %broadcast_in_dim3A_1082 = vector.broadcast %reduce_min3A_1068 : i32 to vector<16xi32>
      tpu.vector_store_idx %arg13[%broadcast_in_dim3A_1080], %broadcast_in_dim3A_1082 masked %eq3A_2 : memref<64xi32, #tpu.memory_space<vmem>>[vector<16xi32>], vector<16xi32>, vector<16xi1>
      %shift_right_arithmetic3A_1083 = arith.constant 4 : i32
      %shift_right_arithmetic3A_1084 = arith.shrsi %reduce_min3A_1068, %shift_right_arithmetic3A_1083 : i32
      %shift_left3A_1085 = arith.constant 4 : i32
      %shift_left3A_1086 = arith.shli %shift_right_arithmetic3A_1084, %shift_left3A_1085 : i32
      %sub3A_1087 = arith.subi %reduce_min3A_1068, %shift_left3A_1086 : i32
      %get3A_1088 = arith.index_cast %shift_left3A_1086 : i32 to index
      %get3A_1089 = tpu.vector_load %arg6[%get3A_1088] {strides = array<i32>} : memref<32768xf32, #tpu.memory_space<vmem>>, vector<16xf32>,
      %eq3A_1090 = vector.broadcast %sub3A_1087 : i32 to vector<16xi32>
      %eq3A_1091 = arith.cmpi eq, %iota3A, %eq3A_1090 : vector<16xi32>
      %jit3A_1092 = arith.constant 0xFF800000 : f32
      %broadcast_in_dim3A_1093 = vector.broadcast %jit3A_1092 : f32 to vector<16xf32>
      %select_n3A_1094 = arith.select %eq3A_1091, %broadcast_in_dim3A_1093, %get3A_1089 : vector<16xi1>, vector<16xf32>
      %swap3A_1095 = arith.index_cast %shift_left3A_1086 : i32 to index
      %swap3A_1096 = tpu.vector_load %arg6[%swap3A_1095] {strides = array<i32>} : memref<32768xf32, #tpu.memory_space<vmem>>, vector<16xf32>,
      tpu.vector_store %arg6[%swap3A_1095], %select_n3A_1094 {strides = array<i32>} : memref<32768xf32, #tpu.memory_space<vmem>>, vector<16xf32>,
      %broadcast_in_dim3A_1097 = vector.broadcast %reduce_min3A_668 : i32 to vector<16xi32>
      %broadcast_in_dim3A_1098 = vector.broadcast %select_n3A_1079 : f32 to vector<16xf32>
      tpu.vector_store_idx %arg9[%broadcast_in_dim3A_1097], %broadcast_in_dim3A_1098 masked %eq3A_2 : memref<128xf32, #tpu.memory_space<vmem>>[vector<16xi32>], vector<16xf32>, vector<16xi1>
    }
    %scan3A_53 = arith.constant 64 : i32
    "tpu.region"() ({
      %run_scoped3A = tpu.sem_alloc : memref<!tpu.dma_semaphore, #tpu.memory_space<semaphore_mem>>
      %dma_start3A_102 = arith.constant 0 : i32
      %dma_start3A_103 = tpu.memref_slice %arg3[%mul3A_4, %dma_start3A_102] : memref<128x64xf32, #tpu.memory_space<hbm>> -> memref<1x64xf32, #tpu.memory_space<hbm>>
      %dma_start3A_104 = tpu.memref_squeeze %dma_start3A_103 : memref<1x64xf32, #tpu.memory_space<hbm>> -> memref<64xf32, #tpu.memory_space<hbm>>
      %dma_start3A_105 = arith.constant 0 : i32
      %dma_start3A_106 = tpu.memref_slice %arg3[%mul3A_4, %dma_start3A_105] : memref<128x64xf32, #tpu.memory_space<hbm>> -> memref<1x64xf32, #tpu.memory_space<hbm>>
      %dma_start3A_107 = tpu.memref_squeeze %dma_start3A_106 : memref<1x64xf32, #tpu.memory_space<hbm>> -> memref<64xf32, #tpu.memory_space<hbm>>
      tpu.enqueue_dma source(%arg10 : memref<64xf32, #tpu.memory_space<vmem>>) target(%dma_start3A_107 : memref<64xf32, #tpu.memory_space<hbm>>) target_semaphore(%run_scoped3A : memref<!tpu.dma_semaphore, #tpu.memory_space<semaphore_mem>>)
      %dma_wait3A_108 = arith.constant 0 : i32
      %dma_wait3A_109 = tpu.memref_slice %arg3[%mul3A_4, %dma_wait3A_108] : memref<128x64xf32, #tpu.memory_space<hbm>> -> memref<1x64xf32, #tpu.memory_space<hbm>>
      %dma_wait3A_110 = tpu.memref_squeeze %dma_wait3A_109 : memref<1x64xf32, #tpu.memory_space<hbm>> -> memref<64xf32, #tpu.memory_space<hbm>>
      %dma_wait3A_111 = arith.constant 0 : i32
      %dma_wait3A_112 = tpu.memref_slice %arg3[%mul3A_4, %dma_wait3A_111] : memref<128x64xf32, #tpu.memory_space<hbm>> -> memref<1x64xf32, #tpu.memory_space<hbm>>
      %dma_wait3A_113 = tpu.memref_squeeze %dma_wait3A_112 : memref<1x64xf32, #tpu.memory_space<hbm>> -> memref<64xf32, #tpu.memory_space<hbm>>
      tpu.wait_dma2 semaphore(%run_scoped3A : memref<!tpu.dma_semaphore, #tpu.memory_space<semaphore_mem>>) src(%arg10 : memref<64xf32, #tpu.memory_space<vmem>>) dst(%dma_wait3A_113 : memref<64xf32, #tpu.memory_space<hbm>>)
      tpu.yield
    }) : () -> ()
    "tpu.region"() ({
      %run_scoped3A = tpu.sem_alloc : memref<!tpu.dma_semaphore, #tpu.memory_space<semaphore_mem>>
      %dma_start3A_102 = arith.constant 0 : i32
      %dma_start3A_103 = tpu.memref_slice %arg4[%mul3A_4, %dma_start3A_102] : memref<128x64xi32, #tpu.memory_space<hbm>> -> memref<1x64xi32, #tpu.memory_space<hbm>>
      %dma_start3A_104 = tpu.memref_squeeze %dma_start3A_103 : memref<1x64xi32, #tpu.memory_space<hbm>> -> memref<64xi32, #tpu.memory_space<hbm>>
      %dma_start3A_105 = arith.constant 0 : i32
      %dma_start3A_106 = tpu.memref_slice %arg4[%mul3A_4, %dma_start3A_105] : memref<128x64xi32, #tpu.memory_space<hbm>> -> memref<1x64xi32, #tpu.memory_space<hbm>>
      %dma_start3A_107 = tpu.memref_squeeze %dma_start3A_106 : memref<1x64xi32, #tpu.memory_space<hbm>> -> memref<64xi32, #tpu.memory_space<hbm>>
      tpu.enqueue_dma source(%arg11 : memref<64xi32, #tpu.memory_space<vmem>>) target(%dma_start3A_107 : memref<64xi32, #tpu.memory_space<hbm>>) target_semaphore(%run_scoped3A : memref<!tpu.dma_semaphore, #tpu.memory_space<semaphore_mem>>)
      %dma_wait3A_108 = arith.constant 0 : i32
      %dma_wait3A_109 = tpu.memref_slice %arg4[%mul3A_4, %dma_wait3A_108] : memref<128x64xi32, #tpu.memory_space<hbm>> -> memref<1x64xi32, #tpu.memory_space<hbm>>
      %dma_wait3A_110 = tpu.memref_squeeze %dma_wait3A_109 : memref<1x64xi32, #tpu.memory_space<hbm>> -> memref<64xi32, #tpu.memory_space<hbm>>
      %dma_wait3A_111 = arith.constant 0 : i32
      %dma_wait3A_112 = tpu.memref_slice %arg4[%mul3A_4, %dma_wait3A_111] : memref<128x64xi32, #tpu.memory_space<hbm>> -> memref<1x64xi32, #tpu.memory_space<hbm>>
      %dma_wait3A_113 = tpu.memref_squeeze %dma_wait3A_112 : memref<1x64xi32, #tpu.memory_space<hbm>> -> memref<64xi32, #tpu.memory_space<hbm>>
      tpu.wait_dma2 semaphore(%run_scoped3A : memref<!tpu.dma_semaphore, #tpu.memory_space<semaphore_mem>>) src(%arg11 : memref<64xi32, #tpu.memory_space<vmem>>) dst(%dma_wait3A_113 : memref<64xi32, #tpu.memory_space<hbm>>)
      tpu.yield
    }) : () -> ()
    %add3A_54 = arith.constant 1 : i32
    %add3A_55 = arith.addi %mul3A_4, %add3A_54 : i32
    "tpu.region"() ({
      %run_scoped3A = tpu.sem_alloc : memref<!tpu.dma_semaphore, #tpu.memory_space<semaphore_mem>>
      %dma_start3A_102 = arith.constant 0 : i32
      %dma_start3A_103 = tpu.memref_slice %arg3[%add3A_55, %dma_start3A_102] : memref<128x64xf32, #tpu.memory_space<hbm>> -> memref<1x64xf32, #tpu.memory_space<hbm>>
      %dma_start3A_104 = tpu.memref_squeeze %dma_start3A_103 : memref<1x64xf32, #tpu.memory_space<hbm>> -> memref<64xf32, #tpu.memory_space<hbm>>
      %dma_start3A_105 = arith.constant 0 : i32
      %dma_start3A_106 = tpu.memref_slice %arg3[%add3A_55, %dma_start3A_105] : memref<128x64xf32, #tpu.memory_space<hbm>> -> memref<1x64xf32, #tpu.memory_space<hbm>>
      %dma_start3A_107 = tpu.memref_squeeze %dma_start3A_106 : memref<1x64xf32, #tpu.memory_space<hbm>> -> memref<64xf32, #tpu.memory_space<hbm>>
      tpu.enqueue_dma source(%arg12 : memref<64xf32, #tpu.memory_space<vmem>>) target(%dma_start3A_107 : memref<64xf32, #tpu.memory_space<hbm>>) target_semaphore(%run_scoped3A : memref<!tpu.dma_semaphore, #tpu.memory_space<semaphore_mem>>)
      %dma_wait3A_108 = arith.constant 0 : i32
      %dma_wait3A_109 = tpu.memref_slice %arg3[%add3A_55, %dma_wait3A_108] : memref<128x64xf32, #tpu.memory_space<hbm>> -> memref<1x64xf32, #tpu.memory_space<hbm>>
      %dma_wait3A_110 = tpu.memref_squeeze %dma_wait3A_109 : memref<1x64xf32, #tpu.memory_space<hbm>> -> memref<64xf32, #tpu.memory_space<hbm>>
      %dma_wait3A_111 = arith.constant 0 : i32
      %dma_wait3A_112 = tpu.memref_slice %arg3[%add3A_55, %dma_wait3A_111] : memref<128x64xf32, #tpu.memory_space<hbm>> -> memref<1x64xf32, #tpu.memory_space<hbm>>
      %dma_wait3A_113 = tpu.memref_squeeze %dma_wait3A_112 : memref<1x64xf32, #tpu.memory_space<hbm>> -> memref<64xf32, #tpu.memory_space<hbm>>
      tpu.wait_dma2 semaphore(%run_scoped3A : memref<!tpu.dma_semaphore, #tpu.memory_space<semaphore_mem>>) src(%arg12 : memref<64xf32, #tpu.memory_space<vmem>>) dst(%dma_wait3A_113 : memref<64xf32, #tpu.memory_space<hbm>>)
      tpu.yield
    }) : () -> ()
    %add3A_56 = arith.constant 1 : i32
    %add3A_57 = arith.addi %mul3A_4, %add3A_56 : i32
    "tpu.region"() ({
      %run_scoped3A = tpu.sem_alloc : memref<!tpu.dma_semaphore, #tpu.memory_space<semaphore_mem>>
      %dma_start3A_102 = arith.constant 0 : i32
      %dma_start3A_103 = tpu.memref_slice %arg4[%add3A_57, %dma_start3A_102] : memref<128x64xi32, #tpu.memory_space<hbm>> -> memref<1x64xi32, #tpu.memory_space<hbm>>
      %dma_start3A_104 = tpu.memref_squeeze %dma_start3A_103 : memref<1x64xi32, #tpu.memory_space<hbm>> -> memref<64xi32, #tpu.memory_space<hbm>>
      %dma_start3A_105 = arith.constant 0 : i32
      %dma_start3A_106 = tpu.memref_slice %arg4[%add3A_57, %dma_start3A_105] : memref<128x64xi32, #tpu.memory_space<hbm>> -> memref<1x64xi32, #tpu.memory_space<hbm>>
      %dma_start3A_107 = tpu.memref_squeeze %dma_start3A_106 : memref<1x64xi32, #tpu.memory_space<hbm>> -> memref<64xi32, #tpu.memory_space<hbm>>
      tpu.enqueue_dma source(%arg13 : memref<64xi32, #tpu.memory_space<vmem>>) target(%dma_start3A_107 : memref<64xi32, #tpu.memory_space<hbm>>) target_semaphore(%run_scoped3A : memref<!tpu.dma_semaphore, #tpu.memory_space<semaphore_mem>>)
      %dma_wait3A_108 = arith.constant 0 : i32
      %dma_wait3A_109 = tpu.memref_slice %arg4[%add3A_57, %dma_wait3A_108] : memref<128x64xi32, #tpu.memory_space<hbm>> -> memref<1x64xi32, #tpu.memory_space<hbm>>
      %dma_wait3A_110 = tpu.memref_squeeze %dma_wait3A_109 : memref<1x64xi32, #tpu.memory_space<hbm>> -> memref<64xi32, #tpu.memory_space<hbm>>
      %dma_wait3A_111 = arith.constant 0 : i32
      %dma_wait3A_112 = tpu.memref_slice %arg4[%add3A_57, %dma_wait3A_111] : memref<128x64xi32, #tpu.memory_space<hbm>> -> memref<1x64xi32, #tpu.memory_space<hbm>>
      %dma_wait3A_113 = tpu.memref_squeeze %dma_wait3A_112 : memref<1x64xi32, #tpu.memory_space<hbm>> -> memref<64xi32, #tpu.memory_space<hbm>>
      tpu.wait_dma2 semaphore(%run_scoped3A : memref<!tpu.dma_semaphore, #tpu.memory_space<semaphore_mem>>) src(%arg13 : memref<64xi32, #tpu.memory_space<vmem>>) dst(%dma_wait3A_113 : memref<64xi32, #tpu.memory_space<hbm>>)
      tpu.yield
    }) : () -> ()
    %add3A_58 = arith.constant 3 : i32
    %add3A_59 = arith.addi %mul3A_4, %add3A_58 : i32
    %dma_start3A_60 = arith.constant 0 : i32
    %dma_start3A_61 = tpu.memref_slice %arg2[%add3A_59, %dma_start3A_60] : memref<128x32768xf32, #tpu.memory_space<hbm>> -> memref<1x32768xf32, #tpu.memory_space<hbm>>
    %dma_start3A_62 = tpu.memref_squeeze %dma_start3A_61 : memref<1x32768xf32, #tpu.memory_space<hbm>> -> memref<32768xf32, #tpu.memory_space<hbm>>
    %dma_start3A_63 = arith.constant 0 : i32
    %dma_start3A_64 = tpu.memref_slice %arg2[%add3A_59, %dma_start3A_63] : memref<128x32768xf32, #tpu.memory_space<hbm>> -> memref<1x32768xf32, #tpu.memory_space<hbm>>
    %dma_start3A_65 = tpu.memref_squeeze %dma_start3A_64 : memref<1x32768xf32, #tpu.memory_space<hbm>> -> memref<32768xf32, #tpu.memory_space<hbm>>
    tpu.enqueue_dma source(%dma_start3A_65 : memref<32768xf32, #tpu.memory_space<hbm>>) target(%arg5 : memref<32768xf32, #tpu.memory_space<vmem>>) target_semaphore(%arg14 : memref<!tpu.dma_semaphore, #tpu.memory_space<semaphore_mem>>)
    %dma_wait3A_66 = arith.constant 0 : i32
    %dma_wait3A_67 = tpu.memref_slice %arg2[%add3A_29, %dma_wait3A_66] : memref<128x32768xf32, #tpu.memory_space<hbm>> -> memref<1x32768xf32, #tpu.memory_space<hbm>>
    %dma_wait3A_68 = tpu.memref_squeeze %dma_wait3A_67 : memref<1x32768xf32, #tpu.memory_space<hbm>> -> memref<32768xf32, #tpu.memory_space<hbm>>
    %dma_wait3A_69 = arith.constant 0 : i32
    %dma_wait3A_70 = tpu.memref_slice %arg2[%add3A_29, %dma_wait3A_69] : memref<128x32768xf32, #tpu.memory_space<hbm>> -> memref<1x32768xf32, #tpu.memory_space<hbm>>
    %dma_wait3A_71 = tpu.memref_squeeze %dma_wait3A_70 : memref<1x32768xf32, #tpu.memory_space<hbm>> -> memref<32768xf32, #tpu.memory_space<hbm>>
    tpu.wait_dma2 semaphore(%arg16 : memref<!tpu.dma_semaphore, #tpu.memory_space<semaphore_mem>>) src(%dma_wait3A_71 : memref<32768xf32, #tpu.memory_space<hbm>>) dst(%arg7 : memref<32768xf32, #tpu.memory_space<vmem>>)
    %scan3A_72 = arith.constant 0 : i32
    %scan3A_73 = arith.constant 0 : i32
    %scan3A_74 = arith.constant 128 : i32
    %scan3A_75 = arith.addi %scan3A_73, %scan3A_74 : i32
    %scan3A_76 = arith.constant 1 : i32
    scf.for %scan3A_102 = %scan3A_73 to %scan3A_75 step %scan3A_76  : i32 {
      %mul3A_103 = arith.constant 256 : i32
      %mul3A_104 = arith.muli %scan3A_102, %mul3A_103 : i32
      %get3A = arith.index_cast %mul3A_104 : i32 to index
      %get3A_105 = tpu.vector_load %arg7[%get3A] {strides = array<i32>} : memref<32768xf32, #tpu.memory_space<vmem>>, vector<16xf32>,
      %mul3A_106 = arith.constant 256 : i32
      %mul3A_107 = arith.muli %scan3A_102, %mul3A_106 : i32
      %add3A_108 = arith.constant 16 : i32
      %add3A_109 = arith.addi %mul3A_107, %add3A_108 : i32
      %get3A_110 = arith.index_cast %add3A_109 : i32 to index
      %get3A_111 = tpu.vector_load %arg7[%get3A_110] {strides = array<i32>} : memref<32768xf32, #tpu.memory_space<vmem>>, vector<16xf32>,
      %max3A = arith.maximumf %get3A_105, %get3A_111 : vector<16xf32>
      %mul3A_112 = arith.constant 256 : i32
      %mul3A_113 = arith.muli %scan3A_102, %mul3A_112 : i32
      %add3A_114 = arith.constant 32 : i32
      %add3A_115 = arith.addi %mul3A_113, %add3A_114 : i32
      %get3A_116 = arith.index_cast %add3A_115 : i32 to index
      %get3A_117 = tpu.vector_load %arg7[%get3A_116] {strides = array<i32>} : memref<32768xf32, #tpu.memory_space<vmem>>, vector<16xf32>,
      %max3A_118 = arith.maximumf %max3A, %get3A_117 : vector<16xf32>
      %mul3A_119 = arith.constant 256 : i32
      %mul3A_120 = arith.muli %scan3A_102, %mul3A_119 : i32
      %add3A_121 = arith.constant 48 : i32
      %add3A_122 = arith.addi %mul3A_120, %add3A_121 : i32
      %get3A_123 = arith.index_cast %add3A_122 : i32 to index
      %get3A_124 = tpu.vector_load %arg7[%get3A_123] {strides = array<i32>} : memref<32768xf32, #tpu.memory_space<vmem>>, vector<16xf32>,
      %max3A_125 = arith.maximumf %max3A_118, %get3A_124 : vector<16xf32>
      %mul3A_126 = arith.constant 256 : i32
      %mul3A_127 = arith.muli %scan3A_102, %mul3A_126 : i32
      %add3A_128 = arith.constant 64 : i32
      %add3A_129 = arith.addi %mul3A_127, %add3A_128 : i32
      %get3A_130 = arith.index_cast %add3A_129 : i32 to index
      %get3A_131 = tpu.vector_load %arg7[%get3A_130] {strides = array<i32>} : memref<32768xf32, #tpu.memory_space<vmem>>, vector<16xf32>,
      %max3A_132 = arith.maximumf %max3A_125, %get3A_131 : vector<16xf32>
      %mul3A_133 = arith.constant 256 : i32
      %mul3A_134 = arith.muli %scan3A_102, %mul3A_133 : i32
      %add3A_135 = arith.constant 80 : i32
      %add3A_136 = arith.addi %mul3A_134, %add3A_135 : i32
      %get3A_137 = arith.index_cast %add3A_136 : i32 to index
      %get3A_138 = tpu.vector_load %arg7[%get3A_137] {strides = array<i32>} : memref<32768xf32, #tpu.memory_space<vmem>>, vector<16xf32>,
      %max3A_139 = arith.maximumf %max3A_132, %get3A_138 : vector<16xf32>
      %mul3A_140 = arith.constant 256 : i32
      %mul3A_141 = arith.muli %scan3A_102, %mul3A_140 : i32
      %add3A_142 = arith.constant 96 : i32
      %add3A_143 = arith.addi %mul3A_141, %add3A_142 : i32
      %get3A_144 = arith.index_cast %add3A_143 : i32 to index
      %get3A_145 = tpu.vector_load %arg7[%get3A_144] {strides = array<i32>} : memref<32768xf32, #tpu.memory_space<vmem>>, vector<16xf32>,
      %max3A_146 = arith.maximumf %max3A_139, %get3A_145 : vector<16xf32>
      %mul3A_147 = arith.constant 256 : i32
      %mul3A_148 = arith.muli %scan3A_102, %mul3A_147 : i32
      %add3A_149 = arith.constant 112 : i32
      %add3A_150 = arith.addi %mul3A_148, %add3A_149 : i32
      %get3A_151 = arith.index_cast %add3A_150 : i32 to index
      %get3A_152 = tpu.vector_load %arg7[%get3A_151] {strides = array<i32>} : memref<32768xf32, #tpu.memory_space<vmem>>, vector<16xf32>,
      %max3A_153 = arith.maximumf %max3A_146, %get3A_152 : vector<16xf32>
      %mul3A_154 = arith.constant 256 : i32
      %mul3A_155 = arith.muli %scan3A_102, %mul3A_154 : i32
      %add3A_156 = arith.constant 128 : i32
      %add3A_157 = arith.addi %mul3A_155, %add3A_156 : i32
      %get3A_158 = arith.index_cast %add3A_157 : i32 to index
      %get3A_159 = tpu.vector_load %arg7[%get3A_158] {strides = array<i32>} : memref<32768xf32, #tpu.memory_space<vmem>>, vector<16xf32>,
      %max3A_160 = arith.maximumf %max3A_153, %get3A_159 : vector<16xf32>
      %mul3A_161 = arith.constant 256 : i32
      %mul3A_162 = arith.muli %scan3A_102, %mul3A_161 : i32
      %add3A_163 = arith.constant 144 : i32
      %add3A_164 = arith.addi %mul3A_162, %add3A_163 : i32
      %get3A_165 = arith.index_cast %add3A_164 : i32 to index
      %get3A_166 = tpu.vector_load %arg7[%get3A_165] {strides = array<i32>} : memref<32768xf32, #tpu.memory_space<vmem>>, vector<16xf32>,
      %max3A_167 = arith.maximumf %max3A_160, %get3A_166 : vector<16xf32>
      %mul3A_168 = arith.constant 256 : i32
      %mul3A_169 = arith.muli %scan3A_102, %mul3A_168 : i32
      %add3A_170 = arith.constant 160 : i32
      %add3A_171 = arith.addi %mul3A_169, %add3A_170 : i32
      %get3A_172 = arith.index_cast %add3A_171 : i32 to index
      %get3A_173 = tpu.vector_load %arg7[%get3A_172] {strides = array<i32>} : memref<32768xf32, #tpu.memory_space<vmem>>, vector<16xf32>,
      %max3A_174 = arith.maximumf %max3A_167, %get3A_173 : vector<16xf32>
      %mul3A_175 = arith.constant 256 : i32
      %mul3A_176 = arith.muli %scan3A_102, %mul3A_175 : i32
      %add3A_177 = arith.constant 176 : i32
      %add3A_178 = arith.addi %mul3A_176, %add3A_177 : i32
      %get3A_179 = arith.index_cast %add3A_178 : i32 to index
      %get3A_180 = tpu.vector_load %arg7[%get3A_179] {strides = array<i32>} : memref<32768xf32, #tpu.memory_space<vmem>>, vector<16xf32>,
      %max3A_181 = arith.maximumf %max3A_174, %get3A_180 : vector<16xf32>
      %mul3A_182 = arith.constant 256 : i32
      %mul3A_183 = arith.muli %scan3A_102, %mul3A_182 : i32
      %add3A_184 = arith.constant 192 : i32
      %add3A_185 = arith.addi %mul3A_183, %add3A_184 : i32
      %get3A_186 = arith.index_cast %add3A_185 : i32 to index
      %get3A_187 = tpu.vector_load %arg7[%get3A_186] {strides = array<i32>} : memref<32768xf32, #tpu.memory_space<vmem>>, vector<16xf32>,
      %max3A_188 = arith.maximumf %max3A_181, %get3A_187 : vector<16xf32>
      %mul3A_189 = arith.constant 256 : i32
      %mul3A_190 = arith.muli %scan3A_102, %mul3A_189 : i32
      %add3A_191 = arith.constant 208 : i32
      %add3A_192 = arith.addi %mul3A_190, %add3A_191 : i32
      %get3A_193 = arith.index_cast %add3A_192 : i32 to index
      %get3A_194 = tpu.vector_load %arg7[%get3A_193] {strides = array<i32>} : memref<32768xf32, #tpu.memory_space<vmem>>, vector<16xf32>,
      %max3A_195 = arith.maximumf %max3A_188, %get3A_194 : vector<16xf32>
      %mul3A_196 = arith.constant 256 : i32
      %mul3A_197 = arith.muli %scan3A_102, %mul3A_196 : i32
      %add3A_198 = arith.constant 224 : i32
      %add3A_199 = arith.addi %mul3A_197, %add3A_198 : i32
      %get3A_200 = arith.index_cast %add3A_199 : i32 to index
      %get3A_201 = tpu.vector_load %arg7[%get3A_200] {strides = array<i32>} : memref<32768xf32, #tpu.memory_space<vmem>>, vector<16xf32>,
      %max3A_202 = arith.maximumf %max3A_195, %get3A_201 : vector<16xf32>
      %mul3A_203 = arith.constant 256 : i32
      %mul3A_204 = arith.muli %scan3A_102, %mul3A_203 : i32
      %add3A_205 = arith.constant 240 : i32
      %add3A_206 = arith.addi %mul3A_204, %add3A_205 : i32
      %get3A_207 = arith.index_cast %add3A_206 : i32 to index
      %get3A_208 = tpu.vector_load %arg7[%get3A_207] {strides = array<i32>} : memref<32768xf32, #tpu.memory_space<vmem>>, vector<16xf32>,
      %max3A_209 = arith.maximumf %max3A_202, %get3A_208 : vector<16xf32>
      %reduce_max3A = arith.constant true
      %reduce_max3A_210 = vector.broadcast %reduce_max3A : i1 to vector<16xi1>
      %reduce_max3A_211 = tpu.scan <max>, %max3A_209 masked %reduce_max3A_210 : vector<16xf32>, vector<16xi1> -> vector<16xf32>
      %reduce_max3A_212 = vector.extract %reduce_max3A_211[15] : f32 from vector<16xf32>
      %broadcast_in_dim3A = vector.broadcast %scan3A_102 : i32 to vector<16xi32>
      %broadcast_in_dim3A_213 = vector.broadcast %reduce_max3A_212 : f32 to vector<16xf32>
      tpu.vector_store_idx %arg8[%broadcast_in_dim3A], %broadcast_in_dim3A_213 masked %eq3A_2 : memref<128xf32, #tpu.memory_space<vmem>>[vector<16xi32>], vector<16xf32>, vector<16xi1>
    }
    %scan3A_77 = arith.constant 128 : i32
    %dma_wait3A_78 = arith.constant 0 : i32
    %dma_wait3A_79 = tpu.memref_slice %arg2[%add3A_59, %dma_wait3A_78] : memref<128x32768xf32, #tpu.memory_space<hbm>> -> memref<1x32768xf32, #tpu.memory_space<hbm>>
    %dma_wait3A_80 = tpu.memref_squeeze %dma_wait3A_79 : memref<1x32768xf32, #tpu.memory_space<hbm>> -> memref<32768xf32, #tpu.memory_space<hbm>>
    %dma_wait3A_81 = arith.constant 0 : i32
    %dma_wait3A_82 = tpu.memref_slice %arg2[%add3A_59, %dma_wait3A_81] : memref<128x32768xf32, #tpu.memory_space<hbm>> -> memref<1x32768xf32, #tpu.memory_space<hbm>>
    %dma_wait3A_83 = tpu.memref_squeeze %dma_wait3A_82 : memref<1x32768xf32, #tpu.memory_space<hbm>> -> memref<32768xf32, #tpu.memory_space<hbm>>
    tpu.wait_dma2 semaphore(%arg14 : memref<!tpu.dma_semaphore, #tpu.memory_space<semaphore_mem>>) src(%dma_wait3A_83 : memref<32768xf32, #tpu.memory_space<hbm>>) dst(%arg5 : memref<32768xf32, #tpu.memory_space<vmem>>)
    %scan3A_84 = arith.constant 0 : i32
    %scan3A_85 = arith.constant 0 : i32
    %scan3A_86 = arith.constant 128 : i32
    %scan3A_87 = arith.addi %scan3A_85, %scan3A_86 : i32
    %scan3A_88 = arith.constant 1 : i32
    scf.for %scan3A_102 = %scan3A_85 to %scan3A_87 step %scan3A_88  : i32 {
      %mul3A_103 = arith.constant 256 : i32
      %mul3A_104 = arith.muli %scan3A_102, %mul3A_103 : i32
      %get3A = arith.index_cast %mul3A_104 : i32 to index
      %get3A_105 = tpu.vector_load %arg5[%get3A] {strides = array<i32>} : memref<32768xf32, #tpu.memory_space<vmem>>, vector<16xf32>,
      %mul3A_106 = arith.constant 256 : i32
      %mul3A_107 = arith.muli %scan3A_102, %mul3A_106 : i32
      %add3A_108 = arith.constant 16 : i32
      %add3A_109 = arith.addi %mul3A_107, %add3A_108 : i32
      %get3A_110 = arith.index_cast %add3A_109 : i32 to index
      %get3A_111 = tpu.vector_load %arg5[%get3A_110] {strides = array<i32>} : memref<32768xf32, #tpu.memory_space<vmem>>, vector<16xf32>,
      %max3A = arith.maximumf %get3A_105, %get3A_111 : vector<16xf32>
      %mul3A_112 = arith.constant 256 : i32
      %mul3A_113 = arith.muli %scan3A_102, %mul3A_112 : i32
      %add3A_114 = arith.constant 32 : i32
      %add3A_115 = arith.addi %mul3A_113, %add3A_114 : i32
      %get3A_116 = arith.index_cast %add3A_115 : i32 to index
      %get3A_117 = tpu.vector_load %arg5[%get3A_116] {strides = array<i32>} : memref<32768xf32, #tpu.memory_space<vmem>>, vector<16xf32>,
      %max3A_118 = arith.maximumf %max3A, %get3A_117 : vector<16xf32>
      %mul3A_119 = arith.constant 256 : i32
      %mul3A_120 = arith.muli %scan3A_102, %mul3A_119 : i32
      %add3A_121 = arith.constant 48 : i32
      %add3A_122 = arith.addi %mul3A_120, %add3A_121 : i32
      %get3A_123 = arith.index_cast %add3A_122 : i32 to index
      %get3A_124 = tpu.vector_load %arg5[%get3A_123] {strides = array<i32>} : memref<32768xf32, #tpu.memory_space<vmem>>, vector<16xf32>,
      %max3A_125 = arith.maximumf %max3A_118, %get3A_124 : vector<16xf32>
      %mul3A_126 = arith.constant 256 : i32
      %mul3A_127 = arith.muli %scan3A_102, %mul3A_126 : i32
      %add3A_128 = arith.constant 64 : i32
      %add3A_129 = arith.addi %mul3A_127, %add3A_128 : i32
      %get3A_130 = arith.index_cast %add3A_129 : i32 to index
      %get3A_131 = tpu.vector_load %arg5[%get3A_130] {strides = array<i32>} : memref<32768xf32, #tpu.memory_space<vmem>>, vector<16xf32>,
      %max3A_132 = arith.maximumf %max3A_125, %get3A_131 : vector<16xf32>
      %mul3A_133 = arith.constant 256 : i32
      %mul3A_134 = arith.muli %scan3A_102, %mul3A_133 : i32
      %add3A_135 = arith.constant 80 : i32
      %add3A_136 = arith.addi %mul3A_134, %add3A_135 : i32
      %get3A_137 = arith.index_cast %add3A_136 : i32 to index
      %get3A_138 = tpu.vector_load %arg5[%get3A_137] {strides = array<i32>} : memref<32768xf32, #tpu.memory_space<vmem>>, vector<16xf32>,
      %max3A_139 = arith.maximumf %max3A_132, %get3A_138 : vector<16xf32>
      %mul3A_140 = arith.constant 256 : i32
      %mul3A_141 = arith.muli %scan3A_102, %mul3A_140 : i32
      %add3A_142 = arith.constant 96 : i32
      %add3A_143 = arith.addi %mul3A_141, %add3A_142 : i32
      %get3A_144 = arith.index_cast %add3A_143 : i32 to index
      %get3A_145 = tpu.vector_load %arg5[%get3A_144] {strides = array<i32>} : memref<32768xf32, #tpu.memory_space<vmem>>, vector<16xf32>,
      %max3A_146 = arith.maximumf %max3A_139, %get3A_145 : vector<16xf32>
      %mul3A_147 = arith.constant 256 : i32
      %mul3A_148 = arith.muli %scan3A_102, %mul3A_147 : i32
      %add3A_149 = arith.constant 112 : i32
      %add3A_150 = arith.addi %mul3A_148, %add3A_149 : i32
      %get3A_151 = arith.index_cast %add3A_150 : i32 to index
      %get3A_152 = tpu.vector_load %arg5[%get3A_151] {strides = array<i32>} : memref<32768xf32, #tpu.memory_space<vmem>>, vector<16xf32>,
      %max3A_153 = arith.maximumf %max3A_146, %get3A_152 : vector<16xf32>
      %mul3A_154 = arith.constant 256 : i32
      %mul3A_155 = arith.muli %scan3A_102, %mul3A_154 : i32
      %add3A_156 = arith.constant 128 : i32
      %add3A_157 = arith.addi %mul3A_155, %add3A_156 : i32
      %get3A_158 = arith.index_cast %add3A_157 : i32 to index
      %get3A_159 = tpu.vector_load %arg5[%get3A_158] {strides = array<i32>} : memref<32768xf32, #tpu.memory_space<vmem>>, vector<16xf32>,
      %max3A_160 = arith.maximumf %max3A_153, %get3A_159 : vector<16xf32>
      %mul3A_161 = arith.constant 256 : i32
      %mul3A_162 = arith.muli %scan3A_102, %mul3A_161 : i32
      %add3A_163 = arith.constant 144 : i32
      %add3A_164 = arith.addi %mul3A_162, %add3A_163 : i32
      %get3A_165 = arith.index_cast %add3A_164 : i32 to index
      %get3A_166 = tpu.vector_load %arg5[%get3A_165] {strides = array<i32>} : memref<32768xf32, #tpu.memory_space<vmem>>, vector<16xf32>,
      %max3A_167 = arith.maximumf %max3A_160, %get3A_166 : vector<16xf32>
      %mul3A_168 = arith.constant 256 : i32
      %mul3A_169 = arith.muli %scan3A_102, %mul3A_168 : i32
      %add3A_170 = arith.constant 160 : i32
      %add3A_171 = arith.addi %mul3A_169, %add3A_170 : i32
      %get3A_172 = arith.index_cast %add3A_171 : i32 to index
      %get3A_173 = tpu.vector_load %arg5[%get3A_172] {strides = array<i32>} : memref<32768xf32, #tpu.memory_space<vmem>>, vector<16xf32>,
      %max3A_174 = arith.maximumf %max3A_167, %get3A_173 : vector<16xf32>
      %mul3A_175 = arith.constant 256 : i32
      %mul3A_176 = arith.muli %scan3A_102, %mul3A_175 : i32
      %add3A_177 = arith.constant 176 : i32
      %add3A_178 = arith.addi %mul3A_176, %add3A_177 : i32
      %get3A_179 = arith.index_cast %add3A_178 : i32 to index
      %get3A_180 = tpu.vector_load %arg5[%get3A_179] {strides = array<i32>} : memref<32768xf32, #tpu.memory_space<vmem>>, vector<16xf32>,
      %max3A_181 = arith.maximumf %max3A_174, %get3A_180 : vector<16xf32>
      %mul3A_182 = arith.constant 256 : i32
      %mul3A_183 = arith.muli %scan3A_102, %mul3A_182 : i32
      %add3A_184 = arith.constant 192 : i32
      %add3A_185 = arith.addi %mul3A_183, %add3A_184 : i32
      %get3A_186 = arith.index_cast %add3A_185 : i32 to index
      %get3A_187 = tpu.vector_load %arg5[%get3A_186] {strides = array<i32>} : memref<32768xf32, #tpu.memory_space<vmem>>, vector<16xf32>,
      %max3A_188 = arith.maximumf %max3A_181, %get3A_187 : vector<16xf32>
      %mul3A_189 = arith.constant 256 : i32
      %mul3A_190 = arith.muli %scan3A_102, %mul3A_189 : i32
      %add3A_191 = arith.constant 208 : i32
      %add3A_192 = arith.addi %mul3A_190, %add3A_191 : i32
      %get3A_193 = arith.index_cast %add3A_192 : i32 to index
      %get3A_194 = tpu.vector_load %arg5[%get3A_193] {strides = array<i32>} : memref<32768xf32, #tpu.memory_space<vmem>>, vector<16xf32>,
      %max3A_195 = arith.maximumf %max3A_188, %get3A_194 : vector<16xf32>
      %mul3A_196 = arith.constant 256 : i32
      %mul3A_197 = arith.muli %scan3A_102, %mul3A_196 : i32
      %add3A_198 = arith.constant 224 : i32
      %add3A_199 = arith.addi %mul3A_197, %add3A_198 : i32
      %get3A_200 = arith.index_cast %add3A_199 : i32 to index
      %get3A_201 = tpu.vector_load %arg5[%get3A_200] {strides = array<i32>} : memref<32768xf32, #tpu.memory_space<vmem>>, vector<16xf32>,
      %max3A_202 = arith.maximumf %max3A_195, %get3A_201 : vector<16xf32>
      %mul3A_203 = arith.constant 256 : i32
      %mul3A_204 = arith.muli %scan3A_102, %mul3A_203 : i32
      %add3A_205 = arith.constant 240 : i32
      %add3A_206 = arith.addi %mul3A_204, %add3A_205 : i32
      %get3A_207 = arith.index_cast %add3A_206 : i32 to index
      %get3A_208 = tpu.vector_load %arg5[%get3A_207] {strides = array<i32>} : memref<32768xf32, #tpu.memory_space<vmem>>, vector<16xf32>,
      %max3A_209 = arith.maximumf %max3A_202, %get3A_208 : vector<16xf32>
      %reduce_max3A = arith.constant true
      %reduce_max3A_210 = vector.broadcast %reduce_max3A : i1 to vector<16xi1>
      %reduce_max3A_211 = tpu.scan <max>, %max3A_209 masked %reduce_max3A_210 : vector<16xf32>, vector<16xi1> -> vector<16xf32>
      %reduce_max3A_212 = vector.extract %reduce_max3A_211[15] : f32 from vector<16xf32>
      %broadcast_in_dim3A = vector.broadcast %scan3A_102 : i32 to vector<16xi32>
      %broadcast_in_dim3A_213 = vector.broadcast %reduce_max3A_212 : f32 to vector<16xf32>
      tpu.vector_store_idx %arg9[%broadcast_in_dim3A], %broadcast_in_dim3A_213 masked %eq3A_2 : memref<128xf32, #tpu.memory_space<vmem>>[vector<16xi32>], vector<16xf32>, vector<16xi1>
    }
    %scan3A_89 = arith.constant 128 : i32
    %scan3A_90 = arith.constant 0 : i32
    %scan3A_91 = arith.constant 0 : i32
    %scan3A_92 = arith.constant 64 : i32
    %scan3A_93 = arith.addi %scan3A_91, %scan3A_92 : i32
    %scan3A_94 = arith.constant 1 : i32
    scf.for %scan3A_102 = %scan3A_91 to %scan3A_93 step %scan3A_94  : i32 {
      %get3A = arith.constant 0 : index
      %get3A_103 = tpu.vector_load %arg8[%get3A] {strides = array<i32>} : memref<128xf32, #tpu.memory_space<vmem>>, vector<16xf32>,
      %get3A_104 = arith.constant 16 : index
      %get3A_105 = tpu.vector_load %arg8[%get3A_104] {strides = array<i32>} : memref<128xf32, #tpu.memory_space<vmem>>, vector<16xf32>,
      %gt3A = arith.cmpf ogt, %get3A_105, %get3A_103 : vector<16xf32>
      %max3A = arith.maximumf %get3A_103, %get3A_105 : vector<16xf32>
      %add3A_106 = arith.constant 16 : i32
      %add3A_107 = vector.broadcast %add3A_106 : i32 to vector<16xi32>
      %add3A_108 = arith.addi %iota3A, %add3A_107 : vector<16xi32>
      %select_n3A = arith.select %gt3A, %add3A_108, %iota3A : vector<16xi1>, vector<16xi32>
      %get3A_109 = arith.constant 32 : index
      %get3A_110 = tpu.vector_load %arg8[%get3A_109] {strides = array<i32>} : memref<128xf32, #tpu.memory_space<vmem>>, vector<16xf32>,
      %gt3A_111 = arith.cmpf ogt, %get3A_110, %max3A : vector<16xf32>
      %max3A_112 = arith.maximumf %max3A, %get3A_110 : vector<16xf32>
      %add3A_113 = arith.constant 32 : i32
      %add3A_114 = vector.broadcast %add3A_113 : i32 to vector<16xi32>
      %add3A_115 = arith.addi %iota3A, %add3A_114 : vector<16xi32>
      %select_n3A_116 = arith.select %gt3A_111, %add3A_115, %select_n3A : vector<16xi1>, vector<16xi32>
      %get3A_117 = arith.constant 48 : index
      %get3A_118 = tpu.vector_load %arg8[%get3A_117] {strides = array<i32>} : memref<128xf32, #tpu.memory_space<vmem>>, vector<16xf32>,
      %gt3A_119 = arith.cmpf ogt, %get3A_118, %max3A_112 : vector<16xf32>
      %max3A_120 = arith.maximumf %max3A_112, %get3A_118 : vector<16xf32>
      %add3A_121 = arith.constant 48 : i32
      %add3A_122 = vector.broadcast %add3A_121 : i32 to vector<16xi32>
      %add3A_123 = arith.addi %iota3A, %add3A_122 : vector<16xi32>
      %select_n3A_124 = arith.select %gt3A_119, %add3A_123, %select_n3A_116 : vector<16xi1>, vector<16xi32>
      %get3A_125 = arith.constant 64 : index
      %get3A_126 = tpu.vector_load %arg8[%get3A_125] {strides = array<i32>} : memref<128xf32, #tpu.memory_space<vmem>>, vector<16xf32>,
      %gt3A_127 = arith.cmpf ogt, %get3A_126, %max3A_120 : vector<16xf32>
      %max3A_128 = arith.maximumf %max3A_120, %get3A_126 : vector<16xf32>
      %add3A_129 = arith.constant 64 : i32
      %add3A_130 = vector.broadcast %add3A_129 : i32 to vector<16xi32>
      %add3A_131 = arith.addi %iota3A, %add3A_130 : vector<16xi32>
      %select_n3A_132 = arith.select %gt3A_127, %add3A_131, %select_n3A_124 : vector<16xi1>, vector<16xi32>
      %get3A_133 = arith.constant 80 : index
      %get3A_134 = tpu.vector_load %arg8[%get3A_133] {strides = array<i32>} : memref<128xf32, #tpu.memory_space<vmem>>, vector<16xf32>,
      %gt3A_135 = arith.cmpf ogt, %get3A_134, %max3A_128 : vector<16xf32>
      %max3A_136 = arith.maximumf %max3A_128, %get3A_134 : vector<16xf32>
      %add3A_137 = arith.constant 80 : i32
      %add3A_138 = vector.broadcast %add3A_137 : i32 to vector<16xi32>
      %add3A_139 = arith.addi %iota3A, %add3A_138 : vector<16xi32>
      %select_n3A_140 = arith.select %gt3A_135, %add3A_139, %select_n3A_132 : vector<16xi1>, vector<16xi32>
      %get3A_141 = arith.constant 96 : index
      %get3A_142 = tpu.vector_load %arg8[%get3A_141] {strides = array<i32>} : memref<128xf32, #tpu.memory_space<vmem>>, vector<16xf32>,
      %gt3A_143 = arith.cmpf ogt, %get3A_142, %max3A_136 : vector<16xf32>
      %max3A_144 = arith.maximumf %max3A_136, %get3A_142 : vector<16xf32>
      %add3A_145 = arith.constant 96 : i32
      %add3A_146 = vector.broadcast %add3A_145 : i32 to vector<16xi32>
      %add3A_147 = arith.addi %iota3A, %add3A_146 : vector<16xi32>
      %select_n3A_148 = arith.select %gt3A_143, %add3A_147, %select_n3A_140 : vector<16xi1>, vector<16xi32>
      %get3A_149 = arith.constant 112 : index
      %get3A_150 = tpu.vector_load %arg8[%get3A_149] {strides = array<i32>} : memref<128xf32, #tpu.memory_space<vmem>>, vector<16xf32>,
      %gt3A_151 = arith.cmpf ogt, %get3A_150, %max3A_144 : vector<16xf32>
      %max3A_152 = arith.maximumf %max3A_144, %get3A_150 : vector<16xf32>
      %add3A_153 = arith.constant 112 : i32
      %add3A_154 = vector.broadcast %add3A_153 : i32 to vector<16xi32>
      %add3A_155 = arith.addi %iota3A, %add3A_154 : vector<16xi32>
      %select_n3A_156 = arith.select %gt3A_151, %add3A_155, %select_n3A_148 : vector<16xi1>, vector<16xi32>
      %reduce_max3A = arith.constant true
      %reduce_max3A_157 = vector.broadcast %reduce_max3A : i1 to vector<16xi1>
      %reduce_max3A_158 = tpu.scan <max>, %max3A_152 masked %reduce_max3A_157 : vector<16xf32>, vector<16xi1> -> vector<16xf32>
      %reduce_max3A_159 = vector.extract %reduce_max3A_158[15] : f32 from vector<16xf32>
      %eq3A_160 = vector.broadcast %reduce_max3A_159 : f32 to vector<16xf32>
      %eq3A_161 = arith.cmpf oeq, %max3A_152, %eq3A_160 : vector<16xf32>
      %jit3A = arith.constant 2147483647 : i32
      %broadcast_in_dim3A = vector.broadcast %jit3A : i32 to vector<16xi32>
      %select_n3A_162 = arith.select %eq3A_161, %select_n3A_156, %broadcast_in_dim3A : vector<16xi1>, vector<16xi32>
      %reduce_min3A = arith.constant true
      %reduce_min3A_163 = vector.broadcast %reduce_min3A : i1 to vector<16xi1>
      %reduce_min3A_164 = arith.constant -2147483648 : i32
      %reduce_min3A_165 = vector.broadcast %reduce_min3A_164 : i32 to vector<16xi32>
      %reduce_min3A_166 = arith.xori %select_n3A_162, %reduce_min3A_165 : vector<16xi32>
      %reduce_min3A_167 = tpu.scan <min>, %reduce_min3A_166 masked %reduce_min3A_163 : vector<16xi32>, vector<16xi1> -> vector<16xi32>
      %reduce_min3A_168 = arith.xori %reduce_min3A_167, %reduce_min3A_165 : vector<16xi32>
      %reduce_min3A_169 = vector.extract %reduce_min3A_168[15] : i32 from vector<16xi32>
      %mul3A_170 = arith.constant 256 : i32
      %mul3A_171 = arith.muli %reduce_min3A_169, %mul3A_170 : i32
      %broadcast_in_dim3A_172 = arith.constant 2147483647 : i32
      %broadcast_in_dim3A_173 = vector.broadcast %broadcast_in_dim3A_172 : i32 to vector<16xi32>
      %broadcast_in_dim3A_174 = arith.constant 0xFF800000 : f32
      %broadcast_in_dim3A_175 = vector.broadcast %broadcast_in_dim3A_174 : f32 to vector<16xf32>
      %broadcast_in_dim3A_176 = arith.constant 0 : i32
      %broadcast_in_dim3A_177 = vector.broadcast %broadcast_in_dim3A_176 : i32 to vector<16xi32>
      %add3A_178 = arith.constant 0 : i32
      %add3A_179 = arith.addi %mul3A_171, %add3A_178 : i32
      %get3A_180 = arith.index_cast %add3A_179 : i32 to index
      %get3A_181 = tpu.vector_load %arg7[%get3A_180] {strides = array<i32>} : memref<32768xf32, #tpu.memory_space<vmem>>, vector<16xf32>,
      %eq3A_182 = vector.broadcast %reduce_max3A_159 : f32 to vector<16xf32>
      %eq3A_183 = arith.cmpf oeq, %get3A_181, %eq3A_182 : vector<16xf32>
      %add3A_184 = arith.constant 0 : i32
      %add3A_185 = arith.addi %mul3A_171, %add3A_184 : i32
      %add3A_186 = vector.broadcast %add3A_185 : i32 to vector<16xi32>
      %add3A_187 = arith.addi %iota3A, %add3A_186 : vector<16xi32>
      %jit3A_188 = arith.constant 2147483647 : i32
      %broadcast_in_dim3A_189 = vector.broadcast %jit3A_188 : i32 to vector<16xi32>
      %select_n3A_190 = arith.select %eq3A_183, %add3A_187, %broadcast_in_dim3A_189 : vector<16xi1>, vector<16xi32>
      %min3A = arith.minsi %broadcast_in_dim3A_173, %select_n3A_190 : vector<16xi32>
      %jit3A_191 = arith.constant 0xFF800000 : f32
      %broadcast_in_dim3A_192 = vector.broadcast %jit3A_191 : f32 to vector<16xf32>
      %select_n3A_193 = arith.select %eq3A_183, %broadcast_in_dim3A_192, %get3A_181 : vector<16xi1>, vector<16xf32>
      %max3A_194 = arith.maximumf %broadcast_in_dim3A_175, %select_n3A_193 : vector<16xf32>
      %jit3A_195 = arith.constant 1 : i32
      %jit3A_196 = arith.constant 0 : i32
      %broadcast_in_dim3A_197 = vector.broadcast %jit3A_195 : i32 to vector<16xi32>
      %broadcast_in_dim3A_198 = vector.broadcast %jit3A_196 : i32 to vector<16xi32>
      %select_n3A_199 = arith.select %eq3A_183, %broadcast_in_dim3A_197, %broadcast_in_dim3A_198 : vector<16xi1>, vector<16xi32>
      %add3A_200 = arith.addi %broadcast_in_dim3A_177, %select_n3A_199 : vector<16xi32>
      %add3A_201 = arith.constant 16 : i32
      %add3A_202 = arith.addi %mul3A_171, %add3A_201 : i32
      %get3A_203 = arith.index_cast %add3A_202 : i32 to index
      %get3A_204 = tpu.vector_load %arg7[%get3A_203] {strides = array<i32>} : memref<32768xf32, #tpu.memory_space<vmem>>, vector<16xf32>,
      %eq3A_205 = vector.broadcast %reduce_max3A_159 : f32 to vector<16xf32>
      %eq3A_206 = arith.cmpf oeq, %get3A_204, %eq3A_205 : vector<16xf32>
      %add3A_207 = arith.constant 16 : i32
      %add3A_208 = arith.addi %mul3A_171, %add3A_207 : i32
      %add3A_209 = vector.broadcast %add3A_208 : i32 to vector<16xi32>
      %add3A_210 = arith.addi %iota3A, %add3A_209 : vector<16xi32>
      %jit3A_211 = arith.constant 2147483647 : i32
      %broadcast_in_dim3A_212 = vector.broadcast %jit3A_211 : i32 to vector<16xi32>
      %select_n3A_213 = arith.select %eq3A_206, %add3A_210, %broadcast_in_dim3A_212 : vector<16xi1>, vector<16xi32>
      %min3A_214 = arith.minsi %min3A, %select_n3A_213 : vector<16xi32>
      %jit3A_215 = arith.constant 0xFF800000 : f32
      %broadcast_in_dim3A_216 = vector.broadcast %jit3A_215 : f32 to vector<16xf32>
      %select_n3A_217 = arith.select %eq3A_206, %broadcast_in_dim3A_216, %get3A_204 : vector<16xi1>, vector<16xf32>
      %max3A_218 = arith.maximumf %max3A_194, %select_n3A_217 : vector<16xf32>
      %jit3A_219 = arith.constant 1 : i32
      %jit3A_220 = arith.constant 0 : i32
      %broadcast_in_dim3A_221 = vector.broadcast %jit3A_219 : i32 to vector<16xi32>
      %broadcast_in_dim3A_222 = vector.broadcast %jit3A_220 : i32 to vector<16xi32>
      %select_n3A_223 = arith.select %eq3A_206, %broadcast_in_dim3A_221, %broadcast_in_dim3A_222 : vector<16xi1>, vector<16xi32>
      %add3A_224 = arith.addi %add3A_200, %select_n3A_223 : vector<16xi32>
      %add3A_225 = arith.constant 32 : i32
      %add3A_226 = arith.addi %mul3A_171, %add3A_225 : i32
      %get3A_227 = arith.index_cast %add3A_226 : i32 to index
      %get3A_228 = tpu.vector_load %arg7[%get3A_227] {strides = array<i32>} : memref<32768xf32, #tpu.memory_space<vmem>>, vector<16xf32>,
      %eq3A_229 = vector.broadcast %reduce_max3A_159 : f32 to vector<16xf32>
      %eq3A_230 = arith.cmpf oeq, %get3A_228, %eq3A_229 : vector<16xf32>
      %add3A_231 = arith.constant 32 : i32
      %add3A_232 = arith.addi %mul3A_171, %add3A_231 : i32
      %add3A_233 = vector.broadcast %add3A_232 : i32 to vector<16xi32>
      %add3A_234 = arith.addi %iota3A, %add3A_233 : vector<16xi32>
      %jit3A_235 = arith.constant 2147483647 : i32
      %broadcast_in_dim3A_236 = vector.broadcast %jit3A_235 : i32 to vector<16xi32>
      %select_n3A_237 = arith.select %eq3A_230, %add3A_234, %broadcast_in_dim3A_236 : vector<16xi1>, vector<16xi32>
      %min3A_238 = arith.minsi %min3A_214, %select_n3A_237 : vector<16xi32>
      %jit3A_239 = arith.constant 0xFF800000 : f32
      %broadcast_in_dim3A_240 = vector.broadcast %jit3A_239 : f32 to vector<16xf32>
      %select_n3A_241 = arith.select %eq3A_230, %broadcast_in_dim3A_240, %get3A_228 : vector<16xi1>, vector<16xf32>
      %max3A_242 = arith.maximumf %max3A_218, %select_n3A_241 : vector<16xf32>
      %jit3A_243 = arith.constant 1 : i32
      %jit3A_244 = arith.constant 0 : i32
      %broadcast_in_dim3A_245 = vector.broadcast %jit3A_243 : i32 to vector<16xi32>
      %broadcast_in_dim3A_246 = vector.broadcast %jit3A_244 : i32 to vector<16xi32>
      %select_n3A_247 = arith.select %eq3A_230, %broadcast_in_dim3A_245, %broadcast_in_dim3A_246 : vector<16xi1>, vector<16xi32>
      %add3A_248 = arith.addi %add3A_224, %select_n3A_247 : vector<16xi32>
      %add3A_249 = arith.constant 48 : i32
      %add3A_250 = arith.addi %mul3A_171, %add3A_249 : i32
      %get3A_251 = arith.index_cast %add3A_250 : i32 to index
      %get3A_252 = tpu.vector_load %arg7[%get3A_251] {strides = array<i32>} : memref<32768xf32, #tpu.memory_space<vmem>>, vector<16xf32>,
      %eq3A_253 = vector.broadcast %reduce_max3A_159 : f32 to vector<16xf32>
      %eq3A_254 = arith.cmpf oeq, %get3A_252, %eq3A_253 : vector<16xf32>
      %add3A_255 = arith.constant 48 : i32
      %add3A_256 = arith.addi %mul3A_171, %add3A_255 : i32
      %add3A_257 = vector.broadcast %add3A_256 : i32 to vector<16xi32>
      %add3A_258 = arith.addi %iota3A, %add3A_257 : vector<16xi32>
      %jit3A_259 = arith.constant 2147483647 : i32
      %broadcast_in_dim3A_260 = vector.broadcast %jit3A_259 : i32 to vector<16xi32>
      %select_n3A_261 = arith.select %eq3A_254, %add3A_258, %broadcast_in_dim3A_260 : vector<16xi1>, vector<16xi32>
      %min3A_262 = arith.minsi %min3A_238, %select_n3A_261 : vector<16xi32>
      %jit3A_263 = arith.constant 0xFF800000 : f32
      %broadcast_in_dim3A_264 = vector.broadcast %jit3A_263 : f32 to vector<16xf32>
      %select_n3A_265 = arith.select %eq3A_254, %broadcast_in_dim3A_264, %get3A_252 : vector<16xi1>, vector<16xf32>
      %max3A_266 = arith.maximumf %max3A_242, %select_n3A_265 : vector<16xf32>
      %jit3A_267 = arith.constant 1 : i32
      %jit3A_268 = arith.constant 0 : i32
      %broadcast_in_dim3A_269 = vector.broadcast %jit3A_267 : i32 to vector<16xi32>
      %broadcast_in_dim3A_270 = vector.broadcast %jit3A_268 : i32 to vector<16xi32>
      %select_n3A_271 = arith.select %eq3A_254, %broadcast_in_dim3A_269, %broadcast_in_dim3A_270 : vector<16xi1>, vector<16xi32>
      %add3A_272 = arith.addi %add3A_248, %select_n3A_271 : vector<16xi32>
      %add3A_273 = arith.constant 64 : i32
      %add3A_274 = arith.addi %mul3A_171, %add3A_273 : i32
      %get3A_275 = arith.index_cast %add3A_274 : i32 to index
      %get3A_276 = tpu.vector_load %arg7[%get3A_275] {strides = array<i32>} : memref<32768xf32, #tpu.memory_space<vmem>>, vector<16xf32>,
      %eq3A_277 = vector.broadcast %reduce_max3A_159 : f32 to vector<16xf32>
      %eq3A_278 = arith.cmpf oeq, %get3A_276, %eq3A_277 : vector<16xf32>
      %add3A_279 = arith.constant 64 : i32
      %add3A_280 = arith.addi %mul3A_171, %add3A_279 : i32
      %add3A_281 = vector.broadcast %add3A_280 : i32 to vector<16xi32>
      %add3A_282 = arith.addi %iota3A, %add3A_281 : vector<16xi32>
      %jit3A_283 = arith.constant 2147483647 : i32
      %broadcast_in_dim3A_284 = vector.broadcast %jit3A_283 : i32 to vector<16xi32>
      %select_n3A_285 = arith.select %eq3A_278, %add3A_282, %broadcast_in_dim3A_284 : vector<16xi1>, vector<16xi32>
      %min3A_286 = arith.minsi %min3A_262, %select_n3A_285 : vector<16xi32>
      %jit3A_287 = arith.constant 0xFF800000 : f32
      %broadcast_in_dim3A_288 = vector.broadcast %jit3A_287 : f32 to vector<16xf32>
      %select_n3A_289 = arith.select %eq3A_278, %broadcast_in_dim3A_288, %get3A_276 : vector<16xi1>, vector<16xf32>
      %max3A_290 = arith.maximumf %max3A_266, %select_n3A_289 : vector<16xf32>
      %jit3A_291 = arith.constant 1 : i32
      %jit3A_292 = arith.constant 0 : i32
      %broadcast_in_dim3A_293 = vector.broadcast %jit3A_291 : i32 to vector<16xi32>
      %broadcast_in_dim3A_294 = vector.broadcast %jit3A_292 : i32 to vector<16xi32>
      %select_n3A_295 = arith.select %eq3A_278, %broadcast_in_dim3A_293, %broadcast_in_dim3A_294 : vector<16xi1>, vector<16xi32>
      %add3A_296 = arith.addi %add3A_272, %select_n3A_295 : vector<16xi32>
      %add3A_297 = arith.constant 80 : i32
      %add3A_298 = arith.addi %mul3A_171, %add3A_297 : i32
      %get3A_299 = arith.index_cast %add3A_298 : i32 to index
      %get3A_300 = tpu.vector_load %arg7[%get3A_299] {strides = array<i32>} : memref<32768xf32, #tpu.memory_space<vmem>>, vector<16xf32>,
      %eq3A_301 = vector.broadcast %reduce_max3A_159 : f32 to vector<16xf32>
      %eq3A_302 = arith.cmpf oeq, %get3A_300, %eq3A_301 : vector<16xf32>
      %add3A_303 = arith.constant 80 : i32
      %add3A_304 = arith.addi %mul3A_171, %add3A_303 : i32
      %add3A_305 = vector.broadcast %add3A_304 : i32 to vector<16xi32>
      %add3A_306 = arith.addi %iota3A, %add3A_305 : vector<16xi32>
      %jit3A_307 = arith.constant 2147483647 : i32
      %broadcast_in_dim3A_308 = vector.broadcast %jit3A_307 : i32 to vector<16xi32>
      %select_n3A_309 = arith.select %eq3A_302, %add3A_306, %broadcast_in_dim3A_308 : vector<16xi1>, vector<16xi32>
      %min3A_310 = arith.minsi %min3A_286, %select_n3A_309 : vector<16xi32>
      %jit3A_311 = arith.constant 0xFF800000 : f32
      %broadcast_in_dim3A_312 = vector.broadcast %jit3A_311 : f32 to vector<16xf32>
      %select_n3A_313 = arith.select %eq3A_302, %broadcast_in_dim3A_312, %get3A_300 : vector<16xi1>, vector<16xf32>
      %max3A_314 = arith.maximumf %max3A_290, %select_n3A_313 : vector<16xf32>
      %jit3A_315 = arith.constant 1 : i32
      %jit3A_316 = arith.constant 0 : i32
      %broadcast_in_dim3A_317 = vector.broadcast %jit3A_315 : i32 to vector<16xi32>
      %broadcast_in_dim3A_318 = vector.broadcast %jit3A_316 : i32 to vector<16xi32>
      %select_n3A_319 = arith.select %eq3A_302, %broadcast_in_dim3A_317, %broadcast_in_dim3A_318 : vector<16xi1>, vector<16xi32>
      %add3A_320 = arith.addi %add3A_296, %select_n3A_319 : vector<16xi32>
      %add3A_321 = arith.constant 96 : i32
      %add3A_322 = arith.addi %mul3A_171, %add3A_321 : i32
      %get3A_323 = arith.index_cast %add3A_322 : i32 to index
      %get3A_324 = tpu.vector_load %arg7[%get3A_323] {strides = array<i32>} : memref<32768xf32, #tpu.memory_space<vmem>>, vector<16xf32>,
      %eq3A_325 = vector.broadcast %reduce_max3A_159 : f32 to vector<16xf32>
      %eq3A_326 = arith.cmpf oeq, %get3A_324, %eq3A_325 : vector<16xf32>
      %add3A_327 = arith.constant 96 : i32
      %add3A_328 = arith.addi %mul3A_171, %add3A_327 : i32
      %add3A_329 = vector.broadcast %add3A_328 : i32 to vector<16xi32>
      %add3A_330 = arith.addi %iota3A, %add3A_329 : vector<16xi32>
      %jit3A_331 = arith.constant 2147483647 : i32
      %broadcast_in_dim3A_332 = vector.broadcast %jit3A_331 : i32 to vector<16xi32>
      %select_n3A_333 = arith.select %eq3A_326, %add3A_330, %broadcast_in_dim3A_332 : vector<16xi1>, vector<16xi32>
      %min3A_334 = arith.minsi %min3A_310, %select_n3A_333 : vector<16xi32>
      %jit3A_335 = arith.constant 0xFF800000 : f32
      %broadcast_in_dim3A_336 = vector.broadcast %jit3A_335 : f32 to vector<16xf32>
      %select_n3A_337 = arith.select %eq3A_326, %broadcast_in_dim3A_336, %get3A_324 : vector<16xi1>, vector<16xf32>
      %max3A_338 = arith.maximumf %max3A_314, %select_n3A_337 : vector<16xf32>
      %jit3A_339 = arith.constant 1 : i32
      %jit3A_340 = arith.constant 0 : i32
      %broadcast_in_dim3A_341 = vector.broadcast %jit3A_339 : i32 to vector<16xi32>
      %broadcast_in_dim3A_342 = vector.broadcast %jit3A_340 : i32 to vector<16xi32>
      %select_n3A_343 = arith.select %eq3A_326, %broadcast_in_dim3A_341, %broadcast_in_dim3A_342 : vector<16xi1>, vector<16xi32>
      %add3A_344 = arith.addi %add3A_320, %select_n3A_343 : vector<16xi32>
      %add3A_345 = arith.constant 112 : i32
      %add3A_346 = arith.addi %mul3A_171, %add3A_345 : i32
      %get3A_347 = arith.index_cast %add3A_346 : i32 to index
      %get3A_348 = tpu.vector_load %arg7[%get3A_347] {strides = array<i32>} : memref<32768xf32, #tpu.memory_space<vmem>>, vector<16xf32>,
      %eq3A_349 = vector.broadcast %reduce_max3A_159 : f32 to vector<16xf32>
      %eq3A_350 = arith.cmpf oeq, %get3A_348, %eq3A_349 : vector<16xf32>
      %add3A_351 = arith.constant 112 : i32
      %add3A_352 = arith.addi %mul3A_171, %add3A_351 : i32
      %add3A_353 = vector.broadcast %add3A_352 : i32 to vector<16xi32>
      %add3A_354 = arith.addi %iota3A, %add3A_353 : vector<16xi32>
      %jit3A_355 = arith.constant 2147483647 : i32
      %broadcast_in_dim3A_356 = vector.broadcast %jit3A_355 : i32 to vector<16xi32>
      %select_n3A_357 = arith.select %eq3A_350, %add3A_354, %broadcast_in_dim3A_356 : vector<16xi1>, vector<16xi32>
      %min3A_358 = arith.minsi %min3A_334, %select_n3A_357 : vector<16xi32>
      %jit3A_359 = arith.constant 0xFF800000 : f32
      %broadcast_in_dim3A_360 = vector.broadcast %jit3A_359 : f32 to vector<16xf32>
      %select_n3A_361 = arith.select %eq3A_350, %broadcast_in_dim3A_360, %get3A_348 : vector<16xi1>, vector<16xf32>
      %max3A_362 = arith.maximumf %max3A_338, %select_n3A_361 : vector<16xf32>
      %jit3A_363 = arith.constant 1 : i32
      %jit3A_364 = arith.constant 0 : i32
      %broadcast_in_dim3A_365 = vector.broadcast %jit3A_363 : i32 to vector<16xi32>
      %broadcast_in_dim3A_366 = vector.broadcast %jit3A_364 : i32 to vector<16xi32>
      %select_n3A_367 = arith.select %eq3A_350, %broadcast_in_dim3A_365, %broadcast_in_dim3A_366 : vector<16xi1>, vector<16xi32>
      %add3A_368 = arith.addi %add3A_344, %select_n3A_367 : vector<16xi32>
      %add3A_369 = arith.constant 128 : i32
      %add3A_370 = arith.addi %mul3A_171, %add3A_369 : i32
      %get3A_371 = arith.index_cast %add3A_370 : i32 to index
      %get3A_372 = tpu.vector_load %arg7[%get3A_371] {strides = array<i32>} : memref<32768xf32, #tpu.memory_space<vmem>>, vector<16xf32>,
      %eq3A_373 = vector.broadcast %reduce_max3A_159 : f32 to vector<16xf32>
      %eq3A_374 = arith.cmpf oeq, %get3A_372, %eq3A_373 : vector<16xf32>
      %add3A_375 = arith.constant 128 : i32
      %add3A_376 = arith.addi %mul3A_171, %add3A_375 : i32
      %add3A_377 = vector.broadcast %add3A_376 : i32 to vector<16xi32>
      %add3A_378 = arith.addi %iota3A, %add3A_377 : vector<16xi32>
      %jit3A_379 = arith.constant 2147483647 : i32
      %broadcast_in_dim3A_380 = vector.broadcast %jit3A_379 : i32 to vector<16xi32>
      %select_n3A_381 = arith.select %eq3A_374, %add3A_378, %broadcast_in_dim3A_380 : vector<16xi1>, vector<16xi32>
      %min3A_382 = arith.minsi %min3A_358, %select_n3A_381 : vector<16xi32>
      %jit3A_383 = arith.constant 0xFF800000 : f32
      %broadcast_in_dim3A_384 = vector.broadcast %jit3A_383 : f32 to vector<16xf32>
      %select_n3A_385 = arith.select %eq3A_374, %broadcast_in_dim3A_384, %get3A_372 : vector<16xi1>, vector<16xf32>
      %max3A_386 = arith.maximumf %max3A_362, %select_n3A_385 : vector<16xf32>
      %jit3A_387 = arith.constant 1 : i32
      %jit3A_388 = arith.constant 0 : i32
      %broadcast_in_dim3A_389 = vector.broadcast %jit3A_387 : i32 to vector<16xi32>
      %broadcast_in_dim3A_390 = vector.broadcast %jit3A_388 : i32 to vector<16xi32>
      %select_n3A_391 = arith.select %eq3A_374, %broadcast_in_dim3A_389, %broadcast_in_dim3A_390 : vector<16xi1>, vector<16xi32>
      %add3A_392 = arith.addi %add3A_368, %select_n3A_391 : vector<16xi32>
      %add3A_393 = arith.constant 144 : i32
      %add3A_394 = arith.addi %mul3A_171, %add3A_393 : i32
      %get3A_395 = arith.index_cast %add3A_394 : i32 to index
      %get3A_396 = tpu.vector_load %arg7[%get3A_395] {strides = array<i32>} : memref<32768xf32, #tpu.memory_space<vmem>>, vector<16xf32>,
      %eq3A_397 = vector.broadcast %reduce_max3A_159 : f32 to vector<16xf32>
      %eq3A_398 = arith.cmpf oeq, %get3A_396, %eq3A_397 : vector<16xf32>
      %add3A_399 = arith.constant 144 : i32
      %add3A_400 = arith.addi %mul3A_171, %add3A_399 : i32
      %add3A_401 = vector.broadcast %add3A_400 : i32 to vector<16xi32>
      %add3A_402 = arith.addi %iota3A, %add3A_401 : vector<16xi32>
      %jit3A_403 = arith.constant 2147483647 : i32
      %broadcast_in_dim3A_404 = vector.broadcast %jit3A_403 : i32 to vector<16xi32>
      %select_n3A_405 = arith.select %eq3A_398, %add3A_402, %broadcast_in_dim3A_404 : vector<16xi1>, vector<16xi32>
      %min3A_406 = arith.minsi %min3A_382, %select_n3A_405 : vector<16xi32>
      %jit3A_407 = arith.constant 0xFF800000 : f32
      %broadcast_in_dim3A_408 = vector.broadcast %jit3A_407 : f32 to vector<16xf32>
      %select_n3A_409 = arith.select %eq3A_398, %broadcast_in_dim3A_408, %get3A_396 : vector<16xi1>, vector<16xf32>
      %max3A_410 = arith.maximumf %max3A_386, %select_n3A_409 : vector<16xf32>
      %jit3A_411 = arith.constant 1 : i32
      %jit3A_412 = arith.constant 0 : i32
      %broadcast_in_dim3A_413 = vector.broadcast %jit3A_411 : i32 to vector<16xi32>
      %broadcast_in_dim3A_414 = vector.broadcast %jit3A_412 : i32 to vector<16xi32>
      %select_n3A_415 = arith.select %eq3A_398, %broadcast_in_dim3A_413, %broadcast_in_dim3A_414 : vector<16xi1>, vector<16xi32>
      %add3A_416 = arith.addi %add3A_392, %select_n3A_415 : vector<16xi32>
      %add3A_417 = arith.constant 160 : i32
      %add3A_418 = arith.addi %mul3A_171, %add3A_417 : i32
      %get3A_419 = arith.index_cast %add3A_418 : i32 to index
      %get3A_420 = tpu.vector_load %arg7[%get3A_419] {strides = array<i32>} : memref<32768xf32, #tpu.memory_space<vmem>>, vector<16xf32>,
      %eq3A_421 = vector.broadcast %reduce_max3A_159 : f32 to vector<16xf32>
      %eq3A_422 = arith.cmpf oeq, %get3A_420, %eq3A_421 : vector<16xf32>
      %add3A_423 = arith.constant 160 : i32
      %add3A_424 = arith.addi %mul3A_171, %add3A_423 : i32
      %add3A_425 = vector.broadcast %add3A_424 : i32 to vector<16xi32>
      %add3A_426 = arith.addi %iota3A, %add3A_425 : vector<16xi32>
      %jit3A_427 = arith.constant 2147483647 : i32
      %broadcast_in_dim3A_428 = vector.broadcast %jit3A_427 : i32 to vector<16xi32>
      %select_n3A_429 = arith.select %eq3A_422, %add3A_426, %broadcast_in_dim3A_428 : vector<16xi1>, vector<16xi32>
      %min3A_430 = arith.minsi %min3A_406, %select_n3A_429 : vector<16xi32>
      %jit3A_431 = arith.constant 0xFF800000 : f32
      %broadcast_in_dim3A_432 = vector.broadcast %jit3A_431 : f32 to vector<16xf32>
      %select_n3A_433 = arith.select %eq3A_422, %broadcast_in_dim3A_432, %get3A_420 : vector<16xi1>, vector<16xf32>
      %max3A_434 = arith.maximumf %max3A_410, %select_n3A_433 : vector<16xf32>
      %jit3A_435 = arith.constant 1 : i32
      %jit3A_436 = arith.constant 0 : i32
      %broadcast_in_dim3A_437 = vector.broadcast %jit3A_435 : i32 to vector<16xi32>
      %broadcast_in_dim3A_438 = vector.broadcast %jit3A_436 : i32 to vector<16xi32>
      %select_n3A_439 = arith.select %eq3A_422, %broadcast_in_dim3A_437, %broadcast_in_dim3A_438 : vector<16xi1>, vector<16xi32>
      %add3A_440 = arith.addi %add3A_416, %select_n3A_439 : vector<16xi32>
      %add3A_441 = arith.constant 176 : i32
      %add3A_442 = arith.addi %mul3A_171, %add3A_441 : i32
      %get3A_443 = arith.index_cast %add3A_442 : i32 to index
      %get3A_444 = tpu.vector_load %arg7[%get3A_443] {strides = array<i32>} : memref<32768xf32, #tpu.memory_space<vmem>>, vector<16xf32>,
      %eq3A_445 = vector.broadcast %reduce_max3A_159 : f32 to vector<16xf32>
      %eq3A_446 = arith.cmpf oeq, %get3A_444, %eq3A_445 : vector<16xf32>
      %add3A_447 = arith.constant 176 : i32
      %add3A_448 = arith.addi %mul3A_171, %add3A_447 : i32
      %add3A_449 = vector.broadcast %add3A_448 : i32 to vector<16xi32>
      %add3A_450 = arith.addi %iota3A, %add3A_449 : vector<16xi32>
      %jit3A_451 = arith.constant 2147483647 : i32
      %broadcast_in_dim3A_452 = vector.broadcast %jit3A_451 : i32 to vector<16xi32>
      %select_n3A_453 = arith.select %eq3A_446, %add3A_450, %broadcast_in_dim3A_452 : vector<16xi1>, vector<16xi32>
      %min3A_454 = arith.minsi %min3A_430, %select_n3A_453 : vector<16xi32>
      %jit3A_455 = arith.constant 0xFF800000 : f32
      %broadcast_in_dim3A_456 = vector.broadcast %jit3A_455 : f32 to vector<16xf32>
      %select_n3A_457 = arith.select %eq3A_446, %broadcast_in_dim3A_456, %get3A_444 : vector<16xi1>, vector<16xf32>
      %max3A_458 = arith.maximumf %max3A_434, %select_n3A_457 : vector<16xf32>
      %jit3A_459 = arith.constant 1 : i32
      %jit3A_460 = arith.constant 0 : i32
      %broadcast_in_dim3A_461 = vector.broadcast %jit3A_459 : i32 to vector<16xi32>
      %broadcast_in_dim3A_462 = vector.broadcast %jit3A_460 : i32 to vector<16xi32>
      %select_n3A_463 = arith.select %eq3A_446, %broadcast_in_dim3A_461, %broadcast_in_dim3A_462 : vector<16xi1>, vector<16xi32>
      %add3A_464 = arith.addi %add3A_440, %select_n3A_463 : vector<16xi32>
      %add3A_465 = arith.constant 192 : i32
      %add3A_466 = arith.addi %mul3A_171, %add3A_465 : i32
      %get3A_467 = arith.index_cast %add3A_466 : i32 to index
      %get3A_468 = tpu.vector_load %arg7[%get3A_467] {strides = array<i32>} : memref<32768xf32, #tpu.memory_space<vmem>>, vector<16xf32>,
      %eq3A_469 = vector.broadcast %reduce_max3A_159 : f32 to vector<16xf32>
      %eq3A_470 = arith.cmpf oeq, %get3A_468, %eq3A_469 : vector<16xf32>
      %add3A_471 = arith.constant 192 : i32
      %add3A_472 = arith.addi %mul3A_171, %add3A_471 : i32
      %add3A_473 = vector.broadcast %add3A_472 : i32 to vector<16xi32>
      %add3A_474 = arith.addi %iota3A, %add3A_473 : vector<16xi32>
      %jit3A_475 = arith.constant 2147483647 : i32
      %broadcast_in_dim3A_476 = vector.broadcast %jit3A_475 : i32 to vector<16xi32>
      %select_n3A_477 = arith.select %eq3A_470, %add3A_474, %broadcast_in_dim3A_476 : vector<16xi1>, vector<16xi32>
      %min3A_478 = arith.minsi %min3A_454, %select_n3A_477 : vector<16xi32>
      %jit3A_479 = arith.constant 0xFF800000 : f32
      %broadcast_in_dim3A_480 = vector.broadcast %jit3A_479 : f32 to vector<16xf32>
      %select_n3A_481 = arith.select %eq3A_470, %broadcast_in_dim3A_480, %get3A_468 : vector<16xi1>, vector<16xf32>
      %max3A_482 = arith.maximumf %max3A_458, %select_n3A_481 : vector<16xf32>
      %jit3A_483 = arith.constant 1 : i32
      %jit3A_484 = arith.constant 0 : i32
      %broadcast_in_dim3A_485 = vector.broadcast %jit3A_483 : i32 to vector<16xi32>
      %broadcast_in_dim3A_486 = vector.broadcast %jit3A_484 : i32 to vector<16xi32>
      %select_n3A_487 = arith.select %eq3A_470, %broadcast_in_dim3A_485, %broadcast_in_dim3A_486 : vector<16xi1>, vector<16xi32>
      %add3A_488 = arith.addi %add3A_464, %select_n3A_487 : vector<16xi32>
      %add3A_489 = arith.constant 208 : i32
      %add3A_490 = arith.addi %mul3A_171, %add3A_489 : i32
      %get3A_491 = arith.index_cast %add3A_490 : i32 to index
      %get3A_492 = tpu.vector_load %arg7[%get3A_491] {strides = array<i32>} : memref<32768xf32, #tpu.memory_space<vmem>>, vector<16xf32>,
      %eq3A_493 = vector.broadcast %reduce_max3A_159 : f32 to vector<16xf32>
      %eq3A_494 = arith.cmpf oeq, %get3A_492, %eq3A_493 : vector<16xf32>
      %add3A_495 = arith.constant 208 : i32
      %add3A_496 = arith.addi %mul3A_171, %add3A_495 : i32
      %add3A_497 = vector.broadcast %add3A_496 : i32 to vector<16xi32>
      %add3A_498 = arith.addi %iota3A, %add3A_497 : vector<16xi32>
      %jit3A_499 = arith.constant 2147483647 : i32
      %broadcast_in_dim3A_500 = vector.broadcast %jit3A_499 : i32 to vector<16xi32>
      %select_n3A_501 = arith.select %eq3A_494, %add3A_498, %broadcast_in_dim3A_500 : vector<16xi1>, vector<16xi32>
      %min3A_502 = arith.minsi %min3A_478, %select_n3A_501 : vector<16xi32>
      %jit3A_503 = arith.constant 0xFF800000 : f32
      %broadcast_in_dim3A_504 = vector.broadcast %jit3A_503 : f32 to vector<16xf32>
      %select_n3A_505 = arith.select %eq3A_494, %broadcast_in_dim3A_504, %get3A_492 : vector<16xi1>, vector<16xf32>
      %max3A_506 = arith.maximumf %max3A_482, %select_n3A_505 : vector<16xf32>
      %jit3A_507 = arith.constant 1 : i32
      %jit3A_508 = arith.constant 0 : i32
      %broadcast_in_dim3A_509 = vector.broadcast %jit3A_507 : i32 to vector<16xi32>
      %broadcast_in_dim3A_510 = vector.broadcast %jit3A_508 : i32 to vector<16xi32>
      %select_n3A_511 = arith.select %eq3A_494, %broadcast_in_dim3A_509, %broadcast_in_dim3A_510 : vector<16xi1>, vector<16xi32>
      %add3A_512 = arith.addi %add3A_488, %select_n3A_511 : vector<16xi32>
      %add3A_513 = arith.constant 224 : i32
      %add3A_514 = arith.addi %mul3A_171, %add3A_513 : i32
      %get3A_515 = arith.index_cast %add3A_514 : i32 to index
      %get3A_516 = tpu.vector_load %arg7[%get3A_515] {strides = array<i32>} : memref<32768xf32, #tpu.memory_space<vmem>>, vector<16xf32>,
      %eq3A_517 = vector.broadcast %reduce_max3A_159 : f32 to vector<16xf32>
      %eq3A_518 = arith.cmpf oeq, %get3A_516, %eq3A_517 : vector<16xf32>
      %add3A_519 = arith.constant 224 : i32
      %add3A_520 = arith.addi %mul3A_171, %add3A_519 : i32
      %add3A_521 = vector.broadcast %add3A_520 : i32 to vector<16xi32>
      %add3A_522 = arith.addi %iota3A, %add3A_521 : vector<16xi32>
      %jit3A_523 = arith.constant 2147483647 : i32
      %broadcast_in_dim3A_524 = vector.broadcast %jit3A_523 : i32 to vector<16xi32>
      %select_n3A_525 = arith.select %eq3A_518, %add3A_522, %broadcast_in_dim3A_524 : vector<16xi1>, vector<16xi32>
      %min3A_526 = arith.minsi %min3A_502, %select_n3A_525 : vector<16xi32>
      %jit3A_527 = arith.constant 0xFF800000 : f32
      %broadcast_in_dim3A_528 = vector.broadcast %jit3A_527 : f32 to vector<16xf32>
      %select_n3A_529 = arith.select %eq3A_518, %broadcast_in_dim3A_528, %get3A_516 : vector<16xi1>, vector<16xf32>
      %max3A_530 = arith.maximumf %max3A_506, %select_n3A_529 : vector<16xf32>
      %jit3A_531 = arith.constant 1 : i32
      %jit3A_532 = arith.constant 0 : i32
      %broadcast_in_dim3A_533 = vector.broadcast %jit3A_531 : i32 to vector<16xi32>
      %broadcast_in_dim3A_534 = vector.broadcast %jit3A_532 : i32 to vector<16xi32>
      %select_n3A_535 = arith.select %eq3A_518, %broadcast_in_dim3A_533, %broadcast_in_dim3A_534 : vector<16xi1>, vector<16xi32>
      %add3A_536 = arith.addi %add3A_512, %select_n3A_535 : vector<16xi32>
      %add3A_537 = arith.constant 240 : i32
      %add3A_538 = arith.addi %mul3A_171, %add3A_537 : i32
      %get3A_539 = arith.index_cast %add3A_538 : i32 to index
      %get3A_540 = tpu.vector_load %arg7[%get3A_539] {strides = array<i32>} : memref<32768xf32, #tpu.memory_space<vmem>>, vector<16xf32>,
      %eq3A_541 = vector.broadcast %reduce_max3A_159 : f32 to vector<16xf32>
      %eq3A_542 = arith.cmpf oeq, %get3A_540, %eq3A_541 : vector<16xf32>
      %add3A_543 = arith.constant 240 : i32
      %add3A_544 = arith.addi %mul3A_171, %add3A_543 : i32
      %add3A_545 = vector.broadcast %add3A_544 : i32 to vector<16xi32>
      %add3A_546 = arith.addi %iota3A, %add3A_545 : vector<16xi32>
      %jit3A_547 = arith.constant 2147483647 : i32
      %broadcast_in_dim3A_548 = vector.broadcast %jit3A_547 : i32 to vector<16xi32>
      %select_n3A_549 = arith.select %eq3A_542, %add3A_546, %broadcast_in_dim3A_548 : vector<16xi1>, vector<16xi32>
      %min3A_550 = arith.minsi %min3A_526, %select_n3A_549 : vector<16xi32>
      %jit3A_551 = arith.constant 0xFF800000 : f32
      %broadcast_in_dim3A_552 = vector.broadcast %jit3A_551 : f32 to vector<16xf32>
      %select_n3A_553 = arith.select %eq3A_542, %broadcast_in_dim3A_552, %get3A_540 : vector<16xi1>, vector<16xf32>
      %max3A_554 = arith.maximumf %max3A_530, %select_n3A_553 : vector<16xf32>
      %jit3A_555 = arith.constant 1 : i32
      %jit3A_556 = arith.constant 0 : i32
      %broadcast_in_dim3A_557 = vector.broadcast %jit3A_555 : i32 to vector<16xi32>
      %broadcast_in_dim3A_558 = vector.broadcast %jit3A_556 : i32 to vector<16xi32>
      %select_n3A_559 = arith.select %eq3A_542, %broadcast_in_dim3A_557, %broadcast_in_dim3A_558 : vector<16xi1>, vector<16xi32>
      %add3A_560 = arith.addi %add3A_536, %select_n3A_559 : vector<16xi32>
      %reduce_min3A_561 = arith.constant true
      %reduce_min3A_562 = vector.broadcast %reduce_min3A_561 : i1 to vector<16xi1>
      %reduce_min3A_563 = arith.constant -2147483648 : i32
      %reduce_min3A_564 = vector.broadcast %reduce_min3A_563 : i32 to vector<16xi32>
      %reduce_min3A_565 = arith.xori %min3A_550, %reduce_min3A_564 : vector<16xi32>
      %reduce_min3A_566 = tpu.scan <min>, %reduce_min3A_565 masked %reduce_min3A_562 : vector<16xi32>, vector<16xi1> -> vector<16xi32>
      %reduce_min3A_567 = arith.xori %reduce_min3A_566, %reduce_min3A_564 : vector<16xi32>
      %reduce_min3A_568 = vector.extract %reduce_min3A_567[15] : i32 from vector<16xi32>
      %reduce_sum3A = arith.constant true
      %reduce_sum3A_569 = vector.broadcast %reduce_sum3A : i1 to vector<16xi1>
      %reduce_sum3A_570 = tpu.scan <sum>, %add3A_560 masked %reduce_sum3A_569 : vector<16xi32>, vector<16xi1> -> vector<16xi32>
      %reduce_sum3A_571 = vector.extract %reduce_sum3A_570[15] : i32 from vector<16xi32>
      %gt3A_572 = arith.constant 1 : i32
      %gt3A_573 = arith.cmpi sgt, %reduce_sum3A_571, %gt3A_572 : i32
      %reduce_max3A_574 = arith.constant true
      %reduce_max3A_575 = vector.broadcast %reduce_max3A_574 : i1 to vector<16xi1>
      %reduce_max3A_576 = tpu.scan <max>, %max3A_554 masked %reduce_max3A_575 : vector<16xf32>, vector<16xi1> -> vector<16xf32>
      %reduce_max3A_577 = vector.extract %reduce_max3A_576[15] : f32 from vector<16xf32>
      %select_n3A_578 = arith.select %gt3A_573, %reduce_max3A_159, %reduce_max3A_577 : f32
      %broadcast_in_dim3A_579 = vector.broadcast %scan3A_102 : i32 to vector<16xi32>
      %broadcast_in_dim3A_580 = vector.broadcast %reduce_max3A_159 : f32 to vector<16xf32>
      tpu.vector_store_idx %arg10[%broadcast_in_dim3A_579], %broadcast_in_dim3A_580 masked %eq3A_2 : memref<64xf32, #tpu.memory_space<vmem>>[vector<16xi32>], vector<16xf32>, vector<16xi1>
      %broadcast_in_dim3A_581 = vector.broadcast %reduce_min3A_568 : i32 to vector<16xi32>
      tpu.vector_store_idx %arg11[%broadcast_in_dim3A_579], %broadcast_in_dim3A_581 masked %eq3A_2 : memref<64xi32, #tpu.memory_space<vmem>>[vector<16xi32>], vector<16xi32>, vector<16xi1>
      %shift_right_arithmetic3A = arith.constant 4 : i32
      %shift_right_arithmetic3A_582 = arith.shrsi %reduce_min3A_568, %shift_right_arithmetic3A : i32
      %shift_left3A = arith.constant 4 : i32
      %shift_left3A_583 = arith.shli %shift_right_arithmetic3A_582, %shift_left3A : i32
      %sub3A = arith.subi %reduce_min3A_568, %shift_left3A_583 : i32
      %get3A_584 = arith.index_cast %shift_left3A_583 : i32 to index
      %get3A_585 = tpu.vector_load %arg7[%get3A_584] {strides = array<i32>} : memref<32768xf32, #tpu.memory_space<vmem>>, vector<16xf32>,
      %eq3A_586 = vector.broadcast %sub3A : i32 to vector<16xi32>
      %eq3A_587 = arith.cmpi eq, %iota3A, %eq3A_586 : vector<16xi32>
      %jit3A_588 = arith.constant 0xFF800000 : f32
      %broadcast_in_dim3A_589 = vector.broadcast %jit3A_588 : f32 to vector<16xf32>
      %select_n3A_590 = arith.select %eq3A_587, %broadcast_in_dim3A_589, %get3A_585 : vector<16xi1>, vector<16xf32>
      %swap3A = arith.index_cast %shift_left3A_583 : i32 to index
      %swap3A_591 = tpu.vector_load %arg7[%swap3A] {strides = array<i32>} : memref<32768xf32, #tpu.memory_space<vmem>>, vector<16xf32>,
      tpu.vector_store %arg7[%swap3A], %select_n3A_590 {strides = array<i32>} : memref<32768xf32, #tpu.memory_space<vmem>>, vector<16xf32>,
      %broadcast_in_dim3A_592 = vector.broadcast %reduce_min3A_169 : i32 to vector<16xi32>
      %broadcast_in_dim3A_593 = vector.broadcast %select_n3A_578 : f32 to vector<16xf32>
      tpu.vector_store_idx %arg8[%broadcast_in_dim3A_592], %broadcast_in_dim3A_593 masked %eq3A_2 : memref<128xf32, #tpu.memory_space<vmem>>[vector<16xi32>], vector<16xf32>, vector<16xi1>
      %get3A_594 = arith.constant 0 : index
      %get3A_595 = tpu.vector_load %arg9[%get3A_594] {strides = array<i32>} : memref<128xf32, #tpu.memory_space<vmem>>, vector<16xf32>,
      %get3A_596 = arith.constant 16 : index
      %get3A_597 = tpu.vector_load %arg9[%get3A_596] {strides = array<i32>} : memref<128xf32, #tpu.memory_space<vmem>>, vector<16xf32>,
      %gt3A_598 = arith.cmpf ogt, %get3A_597, %get3A_595 : vector<16xf32>
      %max3A_599 = arith.maximumf %get3A_595, %get3A_597 : vector<16xf32>
      %add3A_600 = arith.constant 16 : i32
      %add3A_601 = vector.broadcast %add3A_600 : i32 to vector<16xi32>
      %add3A_602 = arith.addi %iota3A, %add3A_601 : vector<16xi32>
      %select_n3A_603 = arith.select %gt3A_598, %add3A_602, %iota3A : vector<16xi1>, vector<16xi32>
      %get3A_604 = arith.constant 32 : index
      %get3A_605 = tpu.vector_load %arg9[%get3A_604] {strides = array<i32>} : memref<128xf32, #tpu.memory_space<vmem>>, vector<16xf32>,
      %gt3A_606 = arith.cmpf ogt, %get3A_605, %max3A_599 : vector<16xf32>
      %max3A_607 = arith.maximumf %max3A_599, %get3A_605 : vector<16xf32>
      %add3A_608 = arith.constant 32 : i32
      %add3A_609 = vector.broadcast %add3A_608 : i32 to vector<16xi32>
      %add3A_610 = arith.addi %iota3A, %add3A_609 : vector<16xi32>
      %select_n3A_611 = arith.select %gt3A_606, %add3A_610, %select_n3A_603 : vector<16xi1>, vector<16xi32>
      %get3A_612 = arith.constant 48 : index
      %get3A_613 = tpu.vector_load %arg9[%get3A_612] {strides = array<i32>} : memref<128xf32, #tpu.memory_space<vmem>>, vector<16xf32>,
      %gt3A_614 = arith.cmpf ogt, %get3A_613, %max3A_607 : vector<16xf32>
      %max3A_615 = arith.maximumf %max3A_607, %get3A_613 : vector<16xf32>
      %add3A_616 = arith.constant 48 : i32
      %add3A_617 = vector.broadcast %add3A_616 : i32 to vector<16xi32>
      %add3A_618 = arith.addi %iota3A, %add3A_617 : vector<16xi32>
      %select_n3A_619 = arith.select %gt3A_614, %add3A_618, %select_n3A_611 : vector<16xi1>, vector<16xi32>
      %get3A_620 = arith.constant 64 : index
      %get3A_621 = tpu.vector_load %arg9[%get3A_620] {strides = array<i32>} : memref<128xf32, #tpu.memory_space<vmem>>, vector<16xf32>,
      %gt3A_622 = arith.cmpf ogt, %get3A_621, %max3A_615 : vector<16xf32>
      %max3A_623 = arith.maximumf %max3A_615, %get3A_621 : vector<16xf32>
      %add3A_624 = arith.constant 64 : i32
      %add3A_625 = vector.broadcast %add3A_624 : i32 to vector<16xi32>
      %add3A_626 = arith.addi %iota3A, %add3A_625 : vector<16xi32>
      %select_n3A_627 = arith.select %gt3A_622, %add3A_626, %select_n3A_619 : vector<16xi1>, vector<16xi32>
      %get3A_628 = arith.constant 80 : index
      %get3A_629 = tpu.vector_load %arg9[%get3A_628] {strides = array<i32>} : memref<128xf32, #tpu.memory_space<vmem>>, vector<16xf32>,
      %gt3A_630 = arith.cmpf ogt, %get3A_629, %max3A_623 : vector<16xf32>
      %max3A_631 = arith.maximumf %max3A_623, %get3A_629 : vector<16xf32>
      %add3A_632 = arith.constant 80 : i32
      %add3A_633 = vector.broadcast %add3A_632 : i32 to vector<16xi32>
      %add3A_634 = arith.addi %iota3A, %add3A_633 : vector<16xi32>
      %select_n3A_635 = arith.select %gt3A_630, %add3A_634, %select_n3A_627 : vector<16xi1>, vector<16xi32>
      %get3A_636 = arith.constant 96 : index
      %get3A_637 = tpu.vector_load %arg9[%get3A_636] {strides = array<i32>} : memref<128xf32, #tpu.memory_space<vmem>>, vector<16xf32>,
      %gt3A_638 = arith.cmpf ogt, %get3A_637, %max3A_631 : vector<16xf32>
      %max3A_639 = arith.maximumf %max3A_631, %get3A_637 : vector<16xf32>
      %add3A_640 = arith.constant 96 : i32
      %add3A_641 = vector.broadcast %add3A_640 : i32 to vector<16xi32>
      %add3A_642 = arith.addi %iota3A, %add3A_641 : vector<16xi32>
      %select_n3A_643 = arith.select %gt3A_638, %add3A_642, %select_n3A_635 : vector<16xi1>, vector<16xi32>
      %get3A_644 = arith.constant 112 : index
      %get3A_645 = tpu.vector_load %arg9[%get3A_644] {strides = array<i32>} : memref<128xf32, #tpu.memory_space<vmem>>, vector<16xf32>,
      %gt3A_646 = arith.cmpf ogt, %get3A_645, %max3A_639 : vector<16xf32>
      %max3A_647 = arith.maximumf %max3A_639, %get3A_645 : vector<16xf32>
      %add3A_648 = arith.constant 112 : i32
      %add3A_649 = vector.broadcast %add3A_648 : i32 to vector<16xi32>
      %add3A_650 = arith.addi %iota3A, %add3A_649 : vector<16xi32>
      %select_n3A_651 = arith.select %gt3A_646, %add3A_650, %select_n3A_643 : vector<16xi1>, vector<16xi32>
      %reduce_max3A_652 = arith.constant true
      %reduce_max3A_653 = vector.broadcast %reduce_max3A_652 : i1 to vector<16xi1>
      %reduce_max3A_654 = tpu.scan <max>, %max3A_647 masked %reduce_max3A_653 : vector<16xf32>, vector<16xi1> -> vector<16xf32>
      %reduce_max3A_655 = vector.extract %reduce_max3A_654[15] : f32 from vector<16xf32>
      %eq3A_656 = vector.broadcast %reduce_max3A_655 : f32 to vector<16xf32>
      %eq3A_657 = arith.cmpf oeq, %max3A_647, %eq3A_656 : vector<16xf32>
      %jit3A_658 = arith.constant 2147483647 : i32
      %broadcast_in_dim3A_659 = vector.broadcast %jit3A_658 : i32 to vector<16xi32>
      %select_n3A_660 = arith.select %eq3A_657, %select_n3A_651, %broadcast_in_dim3A_659 : vector<16xi1>, vector<16xi32>
      %reduce_min3A_661 = arith.constant true
      %reduce_min3A_662 = vector.broadcast %reduce_min3A_661 : i1 to vector<16xi1>
      %reduce_min3A_663 = arith.constant -2147483648 : i32
      %reduce_min3A_664 = vector.broadcast %reduce_min3A_663 : i32 to vector<16xi32>
      %reduce_min3A_665 = arith.xori %select_n3A_660, %reduce_min3A_664 : vector<16xi32>
      %reduce_min3A_666 = tpu.scan <min>, %reduce_min3A_665 masked %reduce_min3A_662 : vector<16xi32>, vector<16xi1> -> vector<16xi32>
      %reduce_min3A_667 = arith.xori %reduce_min3A_666, %reduce_min3A_664 : vector<16xi32>
      %reduce_min3A_668 = vector.extract %reduce_min3A_667[15] : i32 from vector<16xi32>
      %mul3A_669 = arith.constant 256 : i32
      %mul3A_670 = arith.muli %reduce_min3A_668, %mul3A_669 : i32
      %broadcast_in_dim3A_671 = arith.constant 2147483647 : i32
      %broadcast_in_dim3A_672 = vector.broadcast %broadcast_in_dim3A_671 : i32 to vector<16xi32>
      %broadcast_in_dim3A_673 = arith.constant 0xFF800000 : f32
      %broadcast_in_dim3A_674 = vector.broadcast %broadcast_in_dim3A_673 : f32 to vector<16xf32>
      %broadcast_in_dim3A_675 = arith.constant 0 : i32
      %broadcast_in_dim3A_676 = vector.broadcast %broadcast_in_dim3A_675 : i32 to vector<16xi32>
      %add3A_677 = arith.constant 0 : i32
      %add3A_678 = arith.addi %mul3A_670, %add3A_677 : i32
      %get3A_679 = arith.index_cast %add3A_678 : i32 to index
      %get3A_680 = tpu.vector_load %arg5[%get3A_679] {strides = array<i32>} : memref<32768xf32, #tpu.memory_space<vmem>>, vector<16xf32>,
      %eq3A_681 = vector.broadcast %reduce_max3A_655 : f32 to vector<16xf32>
      %eq3A_682 = arith.cmpf oeq, %get3A_680, %eq3A_681 : vector<16xf32>
      %add3A_683 = arith.constant 0 : i32
      %add3A_684 = arith.addi %mul3A_670, %add3A_683 : i32
      %add3A_685 = vector.broadcast %add3A_684 : i32 to vector<16xi32>
      %add3A_686 = arith.addi %iota3A, %add3A_685 : vector<16xi32>
      %jit3A_687 = arith.constant 2147483647 : i32
      %broadcast_in_dim3A_688 = vector.broadcast %jit3A_687 : i32 to vector<16xi32>
      %select_n3A_689 = arith.select %eq3A_682, %add3A_686, %broadcast_in_dim3A_688 : vector<16xi1>, vector<16xi32>
      %min3A_690 = arith.minsi %broadcast_in_dim3A_672, %select_n3A_689 : vector<16xi32>
      %jit3A_691 = arith.constant 0xFF800000 : f32
      %broadcast_in_dim3A_692 = vector.broadcast %jit3A_691 : f32 to vector<16xf32>
      %select_n3A_693 = arith.select %eq3A_682, %broadcast_in_dim3A_692, %get3A_680 : vector<16xi1>, vector<16xf32>
      %max3A_694 = arith.maximumf %broadcast_in_dim3A_674, %select_n3A_693 : vector<16xf32>
      %jit3A_695 = arith.constant 1 : i32
      %jit3A_696 = arith.constant 0 : i32
      %broadcast_in_dim3A_697 = vector.broadcast %jit3A_695 : i32 to vector<16xi32>
      %broadcast_in_dim3A_698 = vector.broadcast %jit3A_696 : i32 to vector<16xi32>
      %select_n3A_699 = arith.select %eq3A_682, %broadcast_in_dim3A_697, %broadcast_in_dim3A_698 : vector<16xi1>, vector<16xi32>
      %add3A_700 = arith.addi %broadcast_in_dim3A_676, %select_n3A_699 : vector<16xi32>
      %add3A_701 = arith.constant 16 : i32
      %add3A_702 = arith.addi %mul3A_670, %add3A_701 : i32
      %get3A_703 = arith.index_cast %add3A_702 : i32 to index
      %get3A_704 = tpu.vector_load %arg5[%get3A_703] {strides = array<i32>} : memref<32768xf32, #tpu.memory_space<vmem>>, vector<16xf32>,
      %eq3A_705 = vector.broadcast %reduce_max3A_655 : f32 to vector<16xf32>
      %eq3A_706 = arith.cmpf oeq, %get3A_704, %eq3A_705 : vector<16xf32>
      %add3A_707 = arith.constant 16 : i32
      %add3A_708 = arith.addi %mul3A_670, %add3A_707 : i32
      %add3A_709 = vector.broadcast %add3A_708 : i32 to vector<16xi32>
      %add3A_710 = arith.addi %iota3A, %add3A_709 : vector<16xi32>
      %jit3A_711 = arith.constant 2147483647 : i32
      %broadcast_in_dim3A_712 = vector.broadcast %jit3A_711 : i32 to vector<16xi32>
      %select_n3A_713 = arith.select %eq3A_706, %add3A_710, %broadcast_in_dim3A_712 : vector<16xi1>, vector<16xi32>
      %min3A_714 = arith.minsi %min3A_690, %select_n3A_713 : vector<16xi32>
      %jit3A_715 = arith.constant 0xFF800000 : f32
      %broadcast_in_dim3A_716 = vector.broadcast %jit3A_715 : f32 to vector<16xf32>
      %select_n3A_717 = arith.select %eq3A_706, %broadcast_in_dim3A_716, %get3A_704 : vector<16xi1>, vector<16xf32>
      %max3A_718 = arith.maximumf %max3A_694, %select_n3A_717 : vector<16xf32>
      %jit3A_719 = arith.constant 1 : i32
      %jit3A_720 = arith.constant 0 : i32
      %broadcast_in_dim3A_721 = vector.broadcast %jit3A_719 : i32 to vector<16xi32>
      %broadcast_in_dim3A_722 = vector.broadcast %jit3A_720 : i32 to vector<16xi32>
      %select_n3A_723 = arith.select %eq3A_706, %broadcast_in_dim3A_721, %broadcast_in_dim3A_722 : vector<16xi1>, vector<16xi32>
      %add3A_724 = arith.addi %add3A_700, %select_n3A_723 : vector<16xi32>
      %add3A_725 = arith.constant 32 : i32
      %add3A_726 = arith.addi %mul3A_670, %add3A_725 : i32
      %get3A_727 = arith.index_cast %add3A_726 : i32 to index
      %get3A_728 = tpu.vector_load %arg5[%get3A_727] {strides = array<i32>} : memref<32768xf32, #tpu.memory_space<vmem>>, vector<16xf32>,
      %eq3A_729 = vector.broadcast %reduce_max3A_655 : f32 to vector<16xf32>
      %eq3A_730 = arith.cmpf oeq, %get3A_728, %eq3A_729 : vector<16xf32>
      %add3A_731 = arith.constant 32 : i32
      %add3A_732 = arith.addi %mul3A_670, %add3A_731 : i32
      %add3A_733 = vector.broadcast %add3A_732 : i32 to vector<16xi32>
      %add3A_734 = arith.addi %iota3A, %add3A_733 : vector<16xi32>
      %jit3A_735 = arith.constant 2147483647 : i32
      %broadcast_in_dim3A_736 = vector.broadcast %jit3A_735 : i32 to vector<16xi32>
      %select_n3A_737 = arith.select %eq3A_730, %add3A_734, %broadcast_in_dim3A_736 : vector<16xi1>, vector<16xi32>
      %min3A_738 = arith.minsi %min3A_714, %select_n3A_737 : vector<16xi32>
      %jit3A_739 = arith.constant 0xFF800000 : f32
      %broadcast_in_dim3A_740 = vector.broadcast %jit3A_739 : f32 to vector<16xf32>
      %select_n3A_741 = arith.select %eq3A_730, %broadcast_in_dim3A_740, %get3A_728 : vector<16xi1>, vector<16xf32>
      %max3A_742 = arith.maximumf %max3A_718, %select_n3A_741 : vector<16xf32>
      %jit3A_743 = arith.constant 1 : i32
      %jit3A_744 = arith.constant 0 : i32
      %broadcast_in_dim3A_745 = vector.broadcast %jit3A_743 : i32 to vector<16xi32>
      %broadcast_in_dim3A_746 = vector.broadcast %jit3A_744 : i32 to vector<16xi32>
      %select_n3A_747 = arith.select %eq3A_730, %broadcast_in_dim3A_745, %broadcast_in_dim3A_746 : vector<16xi1>, vector<16xi32>
      %add3A_748 = arith.addi %add3A_724, %select_n3A_747 : vector<16xi32>
      %add3A_749 = arith.constant 48 : i32
      %add3A_750 = arith.addi %mul3A_670, %add3A_749 : i32
      %get3A_751 = arith.index_cast %add3A_750 : i32 to index
      %get3A_752 = tpu.vector_load %arg5[%get3A_751] {strides = array<i32>} : memref<32768xf32, #tpu.memory_space<vmem>>, vector<16xf32>,
      %eq3A_753 = vector.broadcast %reduce_max3A_655 : f32 to vector<16xf32>
      %eq3A_754 = arith.cmpf oeq, %get3A_752, %eq3A_753 : vector<16xf32>
      %add3A_755 = arith.constant 48 : i32
      %add3A_756 = arith.addi %mul3A_670, %add3A_755 : i32
      %add3A_757 = vector.broadcast %add3A_756 : i32 to vector<16xi32>
      %add3A_758 = arith.addi %iota3A, %add3A_757 : vector<16xi32>
      %jit3A_759 = arith.constant 2147483647 : i32
      %broadcast_in_dim3A_760 = vector.broadcast %jit3A_759 : i32 to vector<16xi32>
      %select_n3A_761 = arith.select %eq3A_754, %add3A_758, %broadcast_in_dim3A_760 : vector<16xi1>, vector<16xi32>
      %min3A_762 = arith.minsi %min3A_738, %select_n3A_761 : vector<16xi32>
      %jit3A_763 = arith.constant 0xFF800000 : f32
      %broadcast_in_dim3A_764 = vector.broadcast %jit3A_763 : f32 to vector<16xf32>
      %select_n3A_765 = arith.select %eq3A_754, %broadcast_in_dim3A_764, %get3A_752 : vector<16xi1>, vector<16xf32>
      %max3A_766 = arith.maximumf %max3A_742, %select_n3A_765 : vector<16xf32>
      %jit3A_767 = arith.constant 1 : i32
      %jit3A_768 = arith.constant 0 : i32
      %broadcast_in_dim3A_769 = vector.broadcast %jit3A_767 : i32 to vector<16xi32>
      %broadcast_in_dim3A_770 = vector.broadcast %jit3A_768 : i32 to vector<16xi32>
      %select_n3A_771 = arith.select %eq3A_754, %broadcast_in_dim3A_769, %broadcast_in_dim3A_770 : vector<16xi1>, vector<16xi32>
      %add3A_772 = arith.addi %add3A_748, %select_n3A_771 : vector<16xi32>
      %add3A_773 = arith.constant 64 : i32
      %add3A_774 = arith.addi %mul3A_670, %add3A_773 : i32
      %get3A_775 = arith.index_cast %add3A_774 : i32 to index
      %get3A_776 = tpu.vector_load %arg5[%get3A_775] {strides = array<i32>} : memref<32768xf32, #tpu.memory_space<vmem>>, vector<16xf32>,
      %eq3A_777 = vector.broadcast %reduce_max3A_655 : f32 to vector<16xf32>
      %eq3A_778 = arith.cmpf oeq, %get3A_776, %eq3A_777 : vector<16xf32>
      %add3A_779 = arith.constant 64 : i32
      %add3A_780 = arith.addi %mul3A_670, %add3A_779 : i32
      %add3A_781 = vector.broadcast %add3A_780 : i32 to vector<16xi32>
      %add3A_782 = arith.addi %iota3A, %add3A_781 : vector<16xi32>
      %jit3A_783 = arith.constant 2147483647 : i32
      %broadcast_in_dim3A_784 = vector.broadcast %jit3A_783 : i32 to vector<16xi32>
      %select_n3A_785 = arith.select %eq3A_778, %add3A_782, %broadcast_in_dim3A_784 : vector<16xi1>, vector<16xi32>
      %min3A_786 = arith.minsi %min3A_762, %select_n3A_785 : vector<16xi32>
      %jit3A_787 = arith.constant 0xFF800000 : f32
      %broadcast_in_dim3A_788 = vector.broadcast %jit3A_787 : f32 to vector<16xf32>
      %select_n3A_789 = arith.select %eq3A_778, %broadcast_in_dim3A_788, %get3A_776 : vector<16xi1>, vector<16xf32>
      %max3A_790 = arith.maximumf %max3A_766, %select_n3A_789 : vector<16xf32>
      %jit3A_791 = arith.constant 1 : i32
      %jit3A_792 = arith.constant 0 : i32
      %broadcast_in_dim3A_793 = vector.broadcast %jit3A_791 : i32 to vector<16xi32>
      %broadcast_in_dim3A_794 = vector.broadcast %jit3A_792 : i32 to vector<16xi32>
      %select_n3A_795 = arith.select %eq3A_778, %broadcast_in_dim3A_793, %broadcast_in_dim3A_794 : vector<16xi1>, vector<16xi32>
      %add3A_796 = arith.addi %add3A_772, %select_n3A_795 : vector<16xi32>
      %add3A_797 = arith.constant 80 : i32
      %add3A_798 = arith.addi %mul3A_670, %add3A_797 : i32
      %get3A_799 = arith.index_cast %add3A_798 : i32 to index
      %get3A_800 = tpu.vector_load %arg5[%get3A_799] {strides = array<i32>} : memref<32768xf32, #tpu.memory_space<vmem>>, vector<16xf32>,
      %eq3A_801 = vector.broadcast %reduce_max3A_655 : f32 to vector<16xf32>
      %eq3A_802 = arith.cmpf oeq, %get3A_800, %eq3A_801 : vector<16xf32>
      %add3A_803 = arith.constant 80 : i32
      %add3A_804 = arith.addi %mul3A_670, %add3A_803 : i32
      %add3A_805 = vector.broadcast %add3A_804 : i32 to vector<16xi32>
      %add3A_806 = arith.addi %iota3A, %add3A_805 : vector<16xi32>
      %jit3A_807 = arith.constant 2147483647 : i32
      %broadcast_in_dim3A_808 = vector.broadcast %jit3A_807 : i32 to vector<16xi32>
      %select_n3A_809 = arith.select %eq3A_802, %add3A_806, %broadcast_in_dim3A_808 : vector<16xi1>, vector<16xi32>
      %min3A_810 = arith.minsi %min3A_786, %select_n3A_809 : vector<16xi32>
      %jit3A_811 = arith.constant 0xFF800000 : f32
      %broadcast_in_dim3A_812 = vector.broadcast %jit3A_811 : f32 to vector<16xf32>
      %select_n3A_813 = arith.select %eq3A_802, %broadcast_in_dim3A_812, %get3A_800 : vector<16xi1>, vector<16xf32>
      %max3A_814 = arith.maximumf %max3A_790, %select_n3A_813 : vector<16xf32>
      %jit3A_815 = arith.constant 1 : i32
      %jit3A_816 = arith.constant 0 : i32
      %broadcast_in_dim3A_817 = vector.broadcast %jit3A_815 : i32 to vector<16xi32>
      %broadcast_in_dim3A_818 = vector.broadcast %jit3A_816 : i32 to vector<16xi32>
      %select_n3A_819 = arith.select %eq3A_802, %broadcast_in_dim3A_817, %broadcast_in_dim3A_818 : vector<16xi1>, vector<16xi32>
      %add3A_820 = arith.addi %add3A_796, %select_n3A_819 : vector<16xi32>
      %add3A_821 = arith.constant 96 : i32
      %add3A_822 = arith.addi %mul3A_670, %add3A_821 : i32
      %get3A_823 = arith.index_cast %add3A_822 : i32 to index
      %get3A_824 = tpu.vector_load %arg5[%get3A_823] {strides = array<i32>} : memref<32768xf32, #tpu.memory_space<vmem>>, vector<16xf32>,
      %eq3A_825 = vector.broadcast %reduce_max3A_655 : f32 to vector<16xf32>
      %eq3A_826 = arith.cmpf oeq, %get3A_824, %eq3A_825 : vector<16xf32>
      %add3A_827 = arith.constant 96 : i32
      %add3A_828 = arith.addi %mul3A_670, %add3A_827 : i32
      %add3A_829 = vector.broadcast %add3A_828 : i32 to vector<16xi32>
      %add3A_830 = arith.addi %iota3A, %add3A_829 : vector<16xi32>
      %jit3A_831 = arith.constant 2147483647 : i32
      %broadcast_in_dim3A_832 = vector.broadcast %jit3A_831 : i32 to vector<16xi32>
      %select_n3A_833 = arith.select %eq3A_826, %add3A_830, %broadcast_in_dim3A_832 : vector<16xi1>, vector<16xi32>
      %min3A_834 = arith.minsi %min3A_810, %select_n3A_833 : vector<16xi32>
      %jit3A_835 = arith.constant 0xFF800000 : f32
      %broadcast_in_dim3A_836 = vector.broadcast %jit3A_835 : f32 to vector<16xf32>
      %select_n3A_837 = arith.select %eq3A_826, %broadcast_in_dim3A_836, %get3A_824 : vector<16xi1>, vector<16xf32>
      %max3A_838 = arith.maximumf %max3A_814, %select_n3A_837 : vector<16xf32>
      %jit3A_839 = arith.constant 1 : i32
      %jit3A_840 = arith.constant 0 : i32
      %broadcast_in_dim3A_841 = vector.broadcast %jit3A_839 : i32 to vector<16xi32>
      %broadcast_in_dim3A_842 = vector.broadcast %jit3A_840 : i32 to vector<16xi32>
      %select_n3A_843 = arith.select %eq3A_826, %broadcast_in_dim3A_841, %broadcast_in_dim3A_842 : vector<16xi1>, vector<16xi32>
      %add3A_844 = arith.addi %add3A_820, %select_n3A_843 : vector<16xi32>
      %add3A_845 = arith.constant 112 : i32
      %add3A_846 = arith.addi %mul3A_670, %add3A_845 : i32
      %get3A_847 = arith.index_cast %add3A_846 : i32 to index
      %get3A_848 = tpu.vector_load %arg5[%get3A_847] {strides = array<i32>} : memref<32768xf32, #tpu.memory_space<vmem>>, vector<16xf32>,
      %eq3A_849 = vector.broadcast %reduce_max3A_655 : f32 to vector<16xf32>
      %eq3A_850 = arith.cmpf oeq, %get3A_848, %eq3A_849 : vector<16xf32>
      %add3A_851 = arith.constant 112 : i32
      %add3A_852 = arith.addi %mul3A_670, %add3A_851 : i32
      %add3A_853 = vector.broadcast %add3A_852 : i32 to vector<16xi32>
      %add3A_854 = arith.addi %iota3A, %add3A_853 : vector<16xi32>
      %jit3A_855 = arith.constant 2147483647 : i32
      %broadcast_in_dim3A_856 = vector.broadcast %jit3A_855 : i32 to vector<16xi32>
      %select_n3A_857 = arith.select %eq3A_850, %add3A_854, %broadcast_in_dim3A_856 : vector<16xi1>, vector<16xi32>
      %min3A_858 = arith.minsi %min3A_834, %select_n3A_857 : vector<16xi32>
      %jit3A_859 = arith.constant 0xFF800000 : f32
      %broadcast_in_dim3A_860 = vector.broadcast %jit3A_859 : f32 to vector<16xf32>
      %select_n3A_861 = arith.select %eq3A_850, %broadcast_in_dim3A_860, %get3A_848 : vector<16xi1>, vector<16xf32>
      %max3A_862 = arith.maximumf %max3A_838, %select_n3A_861 : vector<16xf32>
      %jit3A_863 = arith.constant 1 : i32
      %jit3A_864 = arith.constant 0 : i32
      %broadcast_in_dim3A_865 = vector.broadcast %jit3A_863 : i32 to vector<16xi32>
      %broadcast_in_dim3A_866 = vector.broadcast %jit3A_864 : i32 to vector<16xi32>
      %select_n3A_867 = arith.select %eq3A_850, %broadcast_in_dim3A_865, %broadcast_in_dim3A_866 : vector<16xi1>, vector<16xi32>
      %add3A_868 = arith.addi %add3A_844, %select_n3A_867 : vector<16xi32>
      %add3A_869 = arith.constant 128 : i32
      %add3A_870 = arith.addi %mul3A_670, %add3A_869 : i32
      %get3A_871 = arith.index_cast %add3A_870 : i32 to index
      %get3A_872 = tpu.vector_load %arg5[%get3A_871] {strides = array<i32>} : memref<32768xf32, #tpu.memory_space<vmem>>, vector<16xf32>,
      %eq3A_873 = vector.broadcast %reduce_max3A_655 : f32 to vector<16xf32>
      %eq3A_874 = arith.cmpf oeq, %get3A_872, %eq3A_873 : vector<16xf32>
      %add3A_875 = arith.constant 128 : i32
      %add3A_876 = arith.addi %mul3A_670, %add3A_875 : i32
      %add3A_877 = vector.broadcast %add3A_876 : i32 to vector<16xi32>
      %add3A_878 = arith.addi %iota3A, %add3A_877 : vector<16xi32>
      %jit3A_879 = arith.constant 2147483647 : i32
      %broadcast_in_dim3A_880 = vector.broadcast %jit3A_879 : i32 to vector<16xi32>
      %select_n3A_881 = arith.select %eq3A_874, %add3A_878, %broadcast_in_dim3A_880 : vector<16xi1>, vector<16xi32>
      %min3A_882 = arith.minsi %min3A_858, %select_n3A_881 : vector<16xi32>
      %jit3A_883 = arith.constant 0xFF800000 : f32
      %broadcast_in_dim3A_884 = vector.broadcast %jit3A_883 : f32 to vector<16xf32>
      %select_n3A_885 = arith.select %eq3A_874, %broadcast_in_dim3A_884, %get3A_872 : vector<16xi1>, vector<16xf32>
      %max3A_886 = arith.maximumf %max3A_862, %select_n3A_885 : vector<16xf32>
      %jit3A_887 = arith.constant 1 : i32
      %jit3A_888 = arith.constant 0 : i32
      %broadcast_in_dim3A_889 = vector.broadcast %jit3A_887 : i32 to vector<16xi32>
      %broadcast_in_dim3A_890 = vector.broadcast %jit3A_888 : i32 to vector<16xi32>
      %select_n3A_891 = arith.select %eq3A_874, %broadcast_in_dim3A_889, %broadcast_in_dim3A_890 : vector<16xi1>, vector<16xi32>
      %add3A_892 = arith.addi %add3A_868, %select_n3A_891 : vector<16xi32>
      %add3A_893 = arith.constant 144 : i32
      %add3A_894 = arith.addi %mul3A_670, %add3A_893 : i32
      %get3A_895 = arith.index_cast %add3A_894 : i32 to index
      %get3A_896 = tpu.vector_load %arg5[%get3A_895] {strides = array<i32>} : memref<32768xf32, #tpu.memory_space<vmem>>, vector<16xf32>,
      %eq3A_897 = vector.broadcast %reduce_max3A_655 : f32 to vector<16xf32>
      %eq3A_898 = arith.cmpf oeq, %get3A_896, %eq3A_897 : vector<16xf32>
      %add3A_899 = arith.constant 144 : i32
      %add3A_900 = arith.addi %mul3A_670, %add3A_899 : i32
      %add3A_901 = vector.broadcast %add3A_900 : i32 to vector<16xi32>
      %add3A_902 = arith.addi %iota3A, %add3A_901 : vector<16xi32>
      %jit3A_903 = arith.constant 2147483647 : i32
      %broadcast_in_dim3A_904 = vector.broadcast %jit3A_903 : i32 to vector<16xi32>
      %select_n3A_905 = arith.select %eq3A_898, %add3A_902, %broadcast_in_dim3A_904 : vector<16xi1>, vector<16xi32>
      %min3A_906 = arith.minsi %min3A_882, %select_n3A_905 : vector<16xi32>
      %jit3A_907 = arith.constant 0xFF800000 : f32
      %broadcast_in_dim3A_908 = vector.broadcast %jit3A_907 : f32 to vector<16xf32>
      %select_n3A_909 = arith.select %eq3A_898, %broadcast_in_dim3A_908, %get3A_896 : vector<16xi1>, vector<16xf32>
      %max3A_910 = arith.maximumf %max3A_886, %select_n3A_909 : vector<16xf32>
      %jit3A_911 = arith.constant 1 : i32
      %jit3A_912 = arith.constant 0 : i32
      %broadcast_in_dim3A_913 = vector.broadcast %jit3A_911 : i32 to vector<16xi32>
      %broadcast_in_dim3A_914 = vector.broadcast %jit3A_912 : i32 to vector<16xi32>
      %select_n3A_915 = arith.select %eq3A_898, %broadcast_in_dim3A_913, %broadcast_in_dim3A_914 : vector<16xi1>, vector<16xi32>
      %add3A_916 = arith.addi %add3A_892, %select_n3A_915 : vector<16xi32>
      %add3A_917 = arith.constant 160 : i32
      %add3A_918 = arith.addi %mul3A_670, %add3A_917 : i32
      %get3A_919 = arith.index_cast %add3A_918 : i32 to index
      %get3A_920 = tpu.vector_load %arg5[%get3A_919] {strides = array<i32>} : memref<32768xf32, #tpu.memory_space<vmem>>, vector<16xf32>,
      %eq3A_921 = vector.broadcast %reduce_max3A_655 : f32 to vector<16xf32>
      %eq3A_922 = arith.cmpf oeq, %get3A_920, %eq3A_921 : vector<16xf32>
      %add3A_923 = arith.constant 160 : i32
      %add3A_924 = arith.addi %mul3A_670, %add3A_923 : i32
      %add3A_925 = vector.broadcast %add3A_924 : i32 to vector<16xi32>
      %add3A_926 = arith.addi %iota3A, %add3A_925 : vector<16xi32>
      %jit3A_927 = arith.constant 2147483647 : i32
      %broadcast_in_dim3A_928 = vector.broadcast %jit3A_927 : i32 to vector<16xi32>
      %select_n3A_929 = arith.select %eq3A_922, %add3A_926, %broadcast_in_dim3A_928 : vector<16xi1>, vector<16xi32>
      %min3A_930 = arith.minsi %min3A_906, %select_n3A_929 : vector<16xi32>
      %jit3A_931 = arith.constant 0xFF800000 : f32
      %broadcast_in_dim3A_932 = vector.broadcast %jit3A_931 : f32 to vector<16xf32>
      %select_n3A_933 = arith.select %eq3A_922, %broadcast_in_dim3A_932, %get3A_920 : vector<16xi1>, vector<16xf32>
      %max3A_934 = arith.maximumf %max3A_910, %select_n3A_933 : vector<16xf32>
      %jit3A_935 = arith.constant 1 : i32
      %jit3A_936 = arith.constant 0 : i32
      %broadcast_in_dim3A_937 = vector.broadcast %jit3A_935 : i32 to vector<16xi32>
      %broadcast_in_dim3A_938 = vector.broadcast %jit3A_936 : i32 to vector<16xi32>
      %select_n3A_939 = arith.select %eq3A_922, %broadcast_in_dim3A_937, %broadcast_in_dim3A_938 : vector<16xi1>, vector<16xi32>
      %add3A_940 = arith.addi %add3A_916, %select_n3A_939 : vector<16xi32>
      %add3A_941 = arith.constant 176 : i32
      %add3A_942 = arith.addi %mul3A_670, %add3A_941 : i32
      %get3A_943 = arith.index_cast %add3A_942 : i32 to index
      %get3A_944 = tpu.vector_load %arg5[%get3A_943] {strides = array<i32>} : memref<32768xf32, #tpu.memory_space<vmem>>, vector<16xf32>,
      %eq3A_945 = vector.broadcast %reduce_max3A_655 : f32 to vector<16xf32>
      %eq3A_946 = arith.cmpf oeq, %get3A_944, %eq3A_945 : vector<16xf32>
      %add3A_947 = arith.constant 176 : i32
      %add3A_948 = arith.addi %mul3A_670, %add3A_947 : i32
      %add3A_949 = vector.broadcast %add3A_948 : i32 to vector<16xi32>
      %add3A_950 = arith.addi %iota3A, %add3A_949 : vector<16xi32>
      %jit3A_951 = arith.constant 2147483647 : i32
      %broadcast_in_dim3A_952 = vector.broadcast %jit3A_951 : i32 to vector<16xi32>
      %select_n3A_953 = arith.select %eq3A_946, %add3A_950, %broadcast_in_dim3A_952 : vector<16xi1>, vector<16xi32>
      %min3A_954 = arith.minsi %min3A_930, %select_n3A_953 : vector<16xi32>
      %jit3A_955 = arith.constant 0xFF800000 : f32
      %broadcast_in_dim3A_956 = vector.broadcast %jit3A_955 : f32 to vector<16xf32>
      %select_n3A_957 = arith.select %eq3A_946, %broadcast_in_dim3A_956, %get3A_944 : vector<16xi1>, vector<16xf32>
      %max3A_958 = arith.maximumf %max3A_934, %select_n3A_957 : vector<16xf32>
      %jit3A_959 = arith.constant 1 : i32
      %jit3A_960 = arith.constant 0 : i32
      %broadcast_in_dim3A_961 = vector.broadcast %jit3A_959 : i32 to vector<16xi32>
      %broadcast_in_dim3A_962 = vector.broadcast %jit3A_960 : i32 to vector<16xi32>
      %select_n3A_963 = arith.select %eq3A_946, %broadcast_in_dim3A_961, %broadcast_in_dim3A_962 : vector<16xi1>, vector<16xi32>
      %add3A_964 = arith.addi %add3A_940, %select_n3A_963 : vector<16xi32>
      %add3A_965 = arith.constant 192 : i32
      %add3A_966 = arith.addi %mul3A_670, %add3A_965 : i32
      %get3A_967 = arith.index_cast %add3A_966 : i32 to index
      %get3A_968 = tpu.vector_load %arg5[%get3A_967] {strides = array<i32>} : memref<32768xf32, #tpu.memory_space<vmem>>, vector<16xf32>,
      %eq3A_969 = vector.broadcast %reduce_max3A_655 : f32 to vector<16xf32>
      %eq3A_970 = arith.cmpf oeq, %get3A_968, %eq3A_969 : vector<16xf32>
      %add3A_971 = arith.constant 192 : i32
      %add3A_972 = arith.addi %mul3A_670, %add3A_971 : i32
      %add3A_973 = vector.broadcast %add3A_972 : i32 to vector<16xi32>
      %add3A_974 = arith.addi %iota3A, %add3A_973 : vector<16xi32>
      %jit3A_975 = arith.constant 2147483647 : i32
      %broadcast_in_dim3A_976 = vector.broadcast %jit3A_975 : i32 to vector<16xi32>
      %select_n3A_977 = arith.select %eq3A_970, %add3A_974, %broadcast_in_dim3A_976 : vector<16xi1>, vector<16xi32>
      %min3A_978 = arith.minsi %min3A_954, %select_n3A_977 : vector<16xi32>
      %jit3A_979 = arith.constant 0xFF800000 : f32
      %broadcast_in_dim3A_980 = vector.broadcast %jit3A_979 : f32 to vector<16xf32>
      %select_n3A_981 = arith.select %eq3A_970, %broadcast_in_dim3A_980, %get3A_968 : vector<16xi1>, vector<16xf32>
      %max3A_982 = arith.maximumf %max3A_958, %select_n3A_981 : vector<16xf32>
      %jit3A_983 = arith.constant 1 : i32
      %jit3A_984 = arith.constant 0 : i32
      %broadcast_in_dim3A_985 = vector.broadcast %jit3A_983 : i32 to vector<16xi32>
      %broadcast_in_dim3A_986 = vector.broadcast %jit3A_984 : i32 to vector<16xi32>
      %select_n3A_987 = arith.select %eq3A_970, %broadcast_in_dim3A_985, %broadcast_in_dim3A_986 : vector<16xi1>, vector<16xi32>
      %add3A_988 = arith.addi %add3A_964, %select_n3A_987 : vector<16xi32>
      %add3A_989 = arith.constant 208 : i32
      %add3A_990 = arith.addi %mul3A_670, %add3A_989 : i32
      %get3A_991 = arith.index_cast %add3A_990 : i32 to index
      %get3A_992 = tpu.vector_load %arg5[%get3A_991] {strides = array<i32>} : memref<32768xf32, #tpu.memory_space<vmem>>, vector<16xf32>,
      %eq3A_993 = vector.broadcast %reduce_max3A_655 : f32 to vector<16xf32>
      %eq3A_994 = arith.cmpf oeq, %get3A_992, %eq3A_993 : vector<16xf32>
      %add3A_995 = arith.constant 208 : i32
      %add3A_996 = arith.addi %mul3A_670, %add3A_995 : i32
      %add3A_997 = vector.broadcast %add3A_996 : i32 to vector<16xi32>
      %add3A_998 = arith.addi %iota3A, %add3A_997 : vector<16xi32>
      %jit3A_999 = arith.constant 2147483647 : i32
      %broadcast_in_dim3A_1000 = vector.broadcast %jit3A_999 : i32 to vector<16xi32>
      %select_n3A_1001 = arith.select %eq3A_994, %add3A_998, %broadcast_in_dim3A_1000 : vector<16xi1>, vector<16xi32>
      %min3A_1002 = arith.minsi %min3A_978, %select_n3A_1001 : vector<16xi32>
      %jit3A_1003 = arith.constant 0xFF800000 : f32
      %broadcast_in_dim3A_1004 = vector.broadcast %jit3A_1003 : f32 to vector<16xf32>
      %select_n3A_1005 = arith.select %eq3A_994, %broadcast_in_dim3A_1004, %get3A_992 : vector<16xi1>, vector<16xf32>
      %max3A_1006 = arith.maximumf %max3A_982, %select_n3A_1005 : vector<16xf32>
      %jit3A_1007 = arith.constant 1 : i32
      %jit3A_1008 = arith.constant 0 : i32
      %broadcast_in_dim3A_1009 = vector.broadcast %jit3A_1007 : i32 to vector<16xi32>
      %broadcast_in_dim3A_1010 = vector.broadcast %jit3A_1008 : i32 to vector<16xi32>
      %select_n3A_1011 = arith.select %eq3A_994, %broadcast_in_dim3A_1009, %broadcast_in_dim3A_1010 : vector<16xi1>, vector<16xi32>
      %add3A_1012 = arith.addi %add3A_988, %select_n3A_1011 : vector<16xi32>
      %add3A_1013 = arith.constant 224 : i32
      %add3A_1014 = arith.addi %mul3A_670, %add3A_1013 : i32
      %get3A_1015 = arith.index_cast %add3A_1014 : i32 to index
      %get3A_1016 = tpu.vector_load %arg5[%get3A_1015] {strides = array<i32>} : memref<32768xf32, #tpu.memory_space<vmem>>, vector<16xf32>,
      %eq3A_1017 = vector.broadcast %reduce_max3A_655 : f32 to vector<16xf32>
      %eq3A_1018 = arith.cmpf oeq, %get3A_1016, %eq3A_1017 : vector<16xf32>
      %add3A_1019 = arith.constant 224 : i32
      %add3A_1020 = arith.addi %mul3A_670, %add3A_1019 : i32
      %add3A_1021 = vector.broadcast %add3A_1020 : i32 to vector<16xi32>
      %add3A_1022 = arith.addi %iota3A, %add3A_1021 : vector<16xi32>
      %jit3A_1023 = arith.constant 2147483647 : i32
      %broadcast_in_dim3A_1024 = vector.broadcast %jit3A_1023 : i32 to vector<16xi32>
      %select_n3A_1025 = arith.select %eq3A_1018, %add3A_1022, %broadcast_in_dim3A_1024 : vector<16xi1>, vector<16xi32>
      %min3A_1026 = arith.minsi %min3A_1002, %select_n3A_1025 : vector<16xi32>
      %jit3A_1027 = arith.constant 0xFF800000 : f32
      %broadcast_in_dim3A_1028 = vector.broadcast %jit3A_1027 : f32 to vector<16xf32>
      %select_n3A_1029 = arith.select %eq3A_1018, %broadcast_in_dim3A_1028, %get3A_1016 : vector<16xi1>, vector<16xf32>
      %max3A_1030 = arith.maximumf %max3A_1006, %select_n3A_1029 : vector<16xf32>
      %jit3A_1031 = arith.constant 1 : i32
      %jit3A_1032 = arith.constant 0 : i32
      %broadcast_in_dim3A_1033 = vector.broadcast %jit3A_1031 : i32 to vector<16xi32>
      %broadcast_in_dim3A_1034 = vector.broadcast %jit3A_1032 : i32 to vector<16xi32>
      %select_n3A_1035 = arith.select %eq3A_1018, %broadcast_in_dim3A_1033, %broadcast_in_dim3A_1034 : vector<16xi1>, vector<16xi32>
      %add3A_1036 = arith.addi %add3A_1012, %select_n3A_1035 : vector<16xi32>
      %add3A_1037 = arith.constant 240 : i32
      %add3A_1038 = arith.addi %mul3A_670, %add3A_1037 : i32
      %get3A_1039 = arith.index_cast %add3A_1038 : i32 to index
      %get3A_1040 = tpu.vector_load %arg5[%get3A_1039] {strides = array<i32>} : memref<32768xf32, #tpu.memory_space<vmem>>, vector<16xf32>,
      %eq3A_1041 = vector.broadcast %reduce_max3A_655 : f32 to vector<16xf32>
      %eq3A_1042 = arith.cmpf oeq, %get3A_1040, %eq3A_1041 : vector<16xf32>
      %add3A_1043 = arith.constant 240 : i32
      %add3A_1044 = arith.addi %mul3A_670, %add3A_1043 : i32
      %add3A_1045 = vector.broadcast %add3A_1044 : i32 to vector<16xi32>
      %add3A_1046 = arith.addi %iota3A, %add3A_1045 : vector<16xi32>
      %jit3A_1047 = arith.constant 2147483647 : i32
      %broadcast_in_dim3A_1048 = vector.broadcast %jit3A_1047 : i32 to vector<16xi32>
      %select_n3A_1049 = arith.select %eq3A_1042, %add3A_1046, %broadcast_in_dim3A_1048 : vector<16xi1>, vector<16xi32>
      %min3A_1050 = arith.minsi %min3A_1026, %select_n3A_1049 : vector<16xi32>
      %jit3A_1051 = arith.constant 0xFF800000 : f32
      %broadcast_in_dim3A_1052 = vector.broadcast %jit3A_1051 : f32 to vector<16xf32>
      %select_n3A_1053 = arith.select %eq3A_1042, %broadcast_in_dim3A_1052, %get3A_1040 : vector<16xi1>, vector<16xf32>
      %max3A_1054 = arith.maximumf %max3A_1030, %select_n3A_1053 : vector<16xf32>
      %jit3A_1055 = arith.constant 1 : i32
      %jit3A_1056 = arith.constant 0 : i32
      %broadcast_in_dim3A_1057 = vector.broadcast %jit3A_1055 : i32 to vector<16xi32>
      %broadcast_in_dim3A_1058 = vector.broadcast %jit3A_1056 : i32 to vector<16xi32>
      %select_n3A_1059 = arith.select %eq3A_1042, %broadcast_in_dim3A_1057, %broadcast_in_dim3A_1058 : vector<16xi1>, vector<16xi32>
      %add3A_1060 = arith.addi %add3A_1036, %select_n3A_1059 : vector<16xi32>
      %reduce_min3A_1061 = arith.constant true
      %reduce_min3A_1062 = vector.broadcast %reduce_min3A_1061 : i1 to vector<16xi1>
      %reduce_min3A_1063 = arith.constant -2147483648 : i32
      %reduce_min3A_1064 = vector.broadcast %reduce_min3A_1063 : i32 to vector<16xi32>
      %reduce_min3A_1065 = arith.xori %min3A_1050, %reduce_min3A_1064 : vector<16xi32>
      %reduce_min3A_1066 = tpu.scan <min>, %reduce_min3A_1065 masked %reduce_min3A_1062 : vector<16xi32>, vector<16xi1> -> vector<16xi32>
      %reduce_min3A_1067 = arith.xori %reduce_min3A_1066, %reduce_min3A_1064 : vector<16xi32>
      %reduce_min3A_1068 = vector.extract %reduce_min3A_1067[15] : i32 from vector<16xi32>
      %reduce_sum3A_1069 = arith.constant true
      %reduce_sum3A_1070 = vector.broadcast %reduce_sum3A_1069 : i1 to vector<16xi1>
      %reduce_sum3A_1071 = tpu.scan <sum>, %add3A_1060 masked %reduce_sum3A_1070 : vector<16xi32>, vector<16xi1> -> vector<16xi32>
      %reduce_sum3A_1072 = vector.extract %reduce_sum3A_1071[15] : i32 from vector<16xi32>
      %gt3A_1073 = arith.constant 1 : i32
      %gt3A_1074 = arith.cmpi sgt, %reduce_sum3A_1072, %gt3A_1073 : i32
      %reduce_max3A_1075 = arith.constant true
      %reduce_max3A_1076 = vector.broadcast %reduce_max3A_1075 : i1 to vector<16xi1>
      %reduce_max3A_1077 = tpu.scan <max>, %max3A_1054 masked %reduce_max3A_1076 : vector<16xf32>, vector<16xi1> -> vector<16xf32>
      %reduce_max3A_1078 = vector.extract %reduce_max3A_1077[15] : f32 from vector<16xf32>
      %select_n3A_1079 = arith.select %gt3A_1074, %reduce_max3A_655, %reduce_max3A_1078 : f32
      %broadcast_in_dim3A_1080 = vector.broadcast %scan3A_102 : i32 to vector<16xi32>
      %broadcast_in_dim3A_1081 = vector.broadcast %reduce_max3A_655 : f32 to vector<16xf32>
      tpu.vector_store_idx %arg12[%broadcast_in_dim3A_1080], %broadcast_in_dim3A_1081 masked %eq3A_2 : memref<64xf32, #tpu.memory_space<vmem>>[vector<16xi32>], vector<16xf32>, vector<16xi1>
      %broadcast_in_dim3A_1082 = vector.broadcast %reduce_min3A_1068 : i32 to vector<16xi32>
      tpu.vector_store_idx %arg13[%broadcast_in_dim3A_1080], %broadcast_in_dim3A_1082 masked %eq3A_2 : memref<64xi32, #tpu.memory_space<vmem>>[vector<16xi32>], vector<16xi32>, vector<16xi1>
      %shift_right_arithmetic3A_1083 = arith.constant 4 : i32
      %shift_right_arithmetic3A_1084 = arith.shrsi %reduce_min3A_1068, %shift_right_arithmetic3A_1083 : i32
      %shift_left3A_1085 = arith.constant 4 : i32
      %shift_left3A_1086 = arith.shli %shift_right_arithmetic3A_1084, %shift_left3A_1085 : i32
      %sub3A_1087 = arith.subi %reduce_min3A_1068, %shift_left3A_1086 : i32
      %get3A_1088 = arith.index_cast %shift_left3A_1086 : i32 to index
      %get3A_1089 = tpu.vector_load %arg5[%get3A_1088] {strides = array<i32>} : memref<32768xf32, #tpu.memory_space<vmem>>, vector<16xf32>,
      %eq3A_1090 = vector.broadcast %sub3A_1087 : i32 to vector<16xi32>
      %eq3A_1091 = arith.cmpi eq, %iota3A, %eq3A_1090 : vector<16xi32>
      %jit3A_1092 = arith.constant 0xFF800000 : f32
      %broadcast_in_dim3A_1093 = vector.broadcast %jit3A_1092 : f32 to vector<16xf32>
      %select_n3A_1094 = arith.select %eq3A_1091, %broadcast_in_dim3A_1093, %get3A_1089 : vector<16xi1>, vector<16xf32>
      %swap3A_1095 = arith.index_cast %shift_left3A_1086 : i32 to index
      %swap3A_1096 = tpu.vector_load %arg5[%swap3A_1095] {strides = array<i32>} : memref<32768xf32, #tpu.memory_space<vmem>>, vector<16xf32>,
      tpu.vector_store %arg5[%swap3A_1095], %select_n3A_1094 {strides = array<i32>} : memref<32768xf32, #tpu.memory_space<vmem>>, vector<16xf32>,
      %broadcast_in_dim3A_1097 = vector.broadcast %reduce_min3A_668 : i32 to vector<16xi32>
      %broadcast_in_dim3A_1098 = vector.broadcast %select_n3A_1079 : f32 to vector<16xf32>
      tpu.vector_store_idx %arg9[%broadcast_in_dim3A_1097], %broadcast_in_dim3A_1098 masked %eq3A_2 : memref<128xf32, #tpu.memory_space<vmem>>[vector<16xi32>], vector<16xf32>, vector<16xi1>
    }
    %scan3A_95 = arith.constant 64 : i32
    %add3A_96 = arith.constant 2 : i32
    %add3A_97 = arith.addi %mul3A_4, %add3A_96 : i32
    "tpu.region"() ({
      %run_scoped3A = tpu.sem_alloc : memref<!tpu.dma_semaphore, #tpu.memory_space<semaphore_mem>>
      %dma_start3A_102 = arith.constant 0 : i32
      %dma_start3A_103 = tpu.memref_slice %arg3[%add3A_97, %dma_start3A_102] : memref<128x64xf32, #tpu.memory_space<hbm>> -> memref<1x64xf32, #tpu.memory_space<hbm>>
      %dma_start3A_104 = tpu.memref_squeeze %dma_start3A_103 : memref<1x64xf32, #tpu.memory_space<hbm>> -> memref<64xf32, #tpu.memory_space<hbm>>
      %dma_start3A_105 = arith.constant 0 : i32
      %dma_start3A_106 = tpu.memref_slice %arg3[%add3A_97, %dma_start3A_105] : memref<128x64xf32, #tpu.memory_space<hbm>> -> memref<1x64xf32, #tpu.memory_space<hbm>>
      %dma_start3A_107 = tpu.memref_squeeze %dma_start3A_106 : memref<1x64xf32, #tpu.memory_space<hbm>> -> memref<64xf32, #tpu.memory_space<hbm>>
      tpu.enqueue_dma source(%arg10 : memref<64xf32, #tpu.memory_space<vmem>>) target(%dma_start3A_107 : memref<64xf32, #tpu.memory_space<hbm>>) target_semaphore(%run_scoped3A : memref<!tpu.dma_semaphore, #tpu.memory_space<semaphore_mem>>)
      %dma_wait3A_108 = arith.constant 0 : i32
      %dma_wait3A_109 = tpu.memref_slice %arg3[%add3A_97, %dma_wait3A_108] : memref<128x64xf32, #tpu.memory_space<hbm>> -> memref<1x64xf32, #tpu.memory_space<hbm>>
      %dma_wait3A_110 = tpu.memref_squeeze %dma_wait3A_109 : memref<1x64xf32, #tpu.memory_space<hbm>> -> memref<64xf32, #tpu.memory_space<hbm>>
      %dma_wait3A_111 = arith.constant 0 : i32
      %dma_wait3A_112 = tpu.memref_slice %arg3[%add3A_97, %dma_wait3A_111] : memref<128x64xf32, #tpu.memory_space<hbm>> -> memref<1x64xf32, #tpu.memory_space<hbm>>
      %dma_wait3A_113 = tpu.memref_squeeze %dma_wait3A_112 : memref<1x64xf32, #tpu.memory_space<hbm>> -> memref<64xf32, #tpu.memory_space<hbm>>
      tpu.wait_dma2 semaphore(%run_scoped3A : memref<!tpu.dma_semaphore, #tpu.memory_space<semaphore_mem>>) src(%arg10 : memref<64xf32, #tpu.memory_space<vmem>>) dst(%dma_wait3A_113 : memref<64xf32, #tpu.memory_space<hbm>>)
      tpu.yield
    }) : () -> ()
    "tpu.region"() ({
      %run_scoped3A = tpu.sem_alloc : memref<!tpu.dma_semaphore, #tpu.memory_space<semaphore_mem>>
      %dma_start3A_102 = arith.constant 0 : i32
      %dma_start3A_103 = tpu.memref_slice %arg4[%add3A_97, %dma_start3A_102] : memref<128x64xi32, #tpu.memory_space<hbm>> -> memref<1x64xi32, #tpu.memory_space<hbm>>
      %dma_start3A_104 = tpu.memref_squeeze %dma_start3A_103 : memref<1x64xi32, #tpu.memory_space<hbm>> -> memref<64xi32, #tpu.memory_space<hbm>>
      %dma_start3A_105 = arith.constant 0 : i32
      %dma_start3A_106 = tpu.memref_slice %arg4[%add3A_97, %dma_start3A_105] : memref<128x64xi32, #tpu.memory_space<hbm>> -> memref<1x64xi32, #tpu.memory_space<hbm>>
      %dma_start3A_107 = tpu.memref_squeeze %dma_start3A_106 : memref<1x64xi32, #tpu.memory_space<hbm>> -> memref<64xi32, #tpu.memory_space<hbm>>
      tpu.enqueue_dma source(%arg11 : memref<64xi32, #tpu.memory_space<vmem>>) target(%dma_start3A_107 : memref<64xi32, #tpu.memory_space<hbm>>) target_semaphore(%run_scoped3A : memref<!tpu.dma_semaphore, #tpu.memory_space<semaphore_mem>>)
      %dma_wait3A_108 = arith.constant 0 : i32
      %dma_wait3A_109 = tpu.memref_slice %arg4[%add3A_97, %dma_wait3A_108] : memref<128x64xi32, #tpu.memory_space<hbm>> -> memref<1x64xi32, #tpu.memory_space<hbm>>
      %dma_wait3A_110 = tpu.memref_squeeze %dma_wait3A_109 : memref<1x64xi32, #tpu.memory_space<hbm>> -> memref<64xi32, #tpu.memory_space<hbm>>
      %dma_wait3A_111 = arith.constant 0 : i32
      %dma_wait3A_112 = tpu.memref_slice %arg4[%add3A_97, %dma_wait3A_111] : memref<128x64xi32, #tpu.memory_space<hbm>> -> memref<1x64xi32, #tpu.memory_space<hbm>>
      %dma_wait3A_113 = tpu.memref_squeeze %dma_wait3A_112 : memref<1x64xi32, #tpu.memory_space<hbm>> -> memref<64xi32, #tpu.memory_space<hbm>>
      tpu.wait_dma2 semaphore(%run_scoped3A : memref<!tpu.dma_semaphore, #tpu.memory_space<semaphore_mem>>) src(%arg11 : memref<64xi32, #tpu.memory_space<vmem>>) dst(%dma_wait3A_113 : memref<64xi32, #tpu.memory_space<hbm>>)
      tpu.yield
    }) : () -> ()
    %add3A_98 = arith.constant 1 : i32
    %add3A_99 = arith.addi %add3A_97, %add3A_98 : i32
    "tpu.region"() ({
      %run_scoped3A = tpu.sem_alloc : memref<!tpu.dma_semaphore, #tpu.memory_space<semaphore_mem>>
      %dma_start3A_102 = arith.constant 0 : i32
      %dma_start3A_103 = tpu.memref_slice %arg3[%add3A_99, %dma_start3A_102] : memref<128x64xf32, #tpu.memory_space<hbm>> -> memref<1x64xf32, #tpu.memory_space<hbm>>
      %dma_start3A_104 = tpu.memref_squeeze %dma_start3A_103 : memref<1x64xf32, #tpu.memory_space<hbm>> -> memref<64xf32, #tpu.memory_space<hbm>>
      %dma_start3A_105 = arith.constant 0 : i32
      %dma_start3A_106 = tpu.memref_slice %arg3[%add3A_99, %dma_start3A_105] : memref<128x64xf32, #tpu.memory_space<hbm>> -> memref<1x64xf32, #tpu.memory_space<hbm>>
      %dma_start3A_107 = tpu.memref_squeeze %dma_start3A_106 : memref<1x64xf32, #tpu.memory_space<hbm>> -> memref<64xf32, #tpu.memory_space<hbm>>
      tpu.enqueue_dma source(%arg12 : memref<64xf32, #tpu.memory_space<vmem>>) target(%dma_start3A_107 : memref<64xf32, #tpu.memory_space<hbm>>) target_semaphore(%run_scoped3A : memref<!tpu.dma_semaphore, #tpu.memory_space<semaphore_mem>>)
      %dma_wait3A_108 = arith.constant 0 : i32
      %dma_wait3A_109 = tpu.memref_slice %arg3[%add3A_99, %dma_wait3A_108] : memref<128x64xf32, #tpu.memory_space<hbm>> -> memref<1x64xf32, #tpu.memory_space<hbm>>
      %dma_wait3A_110 = tpu.memref_squeeze %dma_wait3A_109 : memref<1x64xf32, #tpu.memory_space<hbm>> -> memref<64xf32, #tpu.memory_space<hbm>>
      %dma_wait3A_111 = arith.constant 0 : i32
      %dma_wait3A_112 = tpu.memref_slice %arg3[%add3A_99, %dma_wait3A_111] : memref<128x64xf32, #tpu.memory_space<hbm>> -> memref<1x64xf32, #tpu.memory_space<hbm>>
      %dma_wait3A_113 = tpu.memref_squeeze %dma_wait3A_112 : memref<1x64xf32, #tpu.memory_space<hbm>> -> memref<64xf32, #tpu.memory_space<hbm>>
      tpu.wait_dma2 semaphore(%run_scoped3A : memref<!tpu.dma_semaphore, #tpu.memory_space<semaphore_mem>>) src(%arg12 : memref<64xf32, #tpu.memory_space<vmem>>) dst(%dma_wait3A_113 : memref<64xf32, #tpu.memory_space<hbm>>)
      tpu.yield
    }) : () -> ()
    %add3A_100 = arith.constant 1 : i32
    %add3A_101 = arith.addi %add3A_97, %add3A_100 : i32
    "tpu.region"() ({
      %run_scoped3A = tpu.sem_alloc : memref<!tpu.dma_semaphore, #tpu.memory_space<semaphore_mem>>
      %dma_start3A_102 = arith.constant 0 : i32
      %dma_start3A_103 = tpu.memref_slice %arg4[%add3A_101, %dma_start3A_102] : memref<128x64xi32, #tpu.memory_space<hbm>> -> memref<1x64xi32, #tpu.memory_space<hbm>>
      %dma_start3A_104 = tpu.memref_squeeze %dma_start3A_103 : memref<1x64xi32, #tpu.memory_space<hbm>> -> memref<64xi32, #tpu.memory_space<hbm>>
      %dma_start3A_105 = arith.constant 0 : i32
      %dma_start3A_106 = tpu.memref_slice %arg4[%add3A_101, %dma_start3A_105] : memref<128x64xi32, #tpu.memory_space<hbm>> -> memref<1x64xi32, #tpu.memory_space<hbm>>
      %dma_start3A_107 = tpu.memref_squeeze %dma_start3A_106 : memref<1x64xi32, #tpu.memory_space<hbm>> -> memref<64xi32, #tpu.memory_space<hbm>>
      tpu.enqueue_dma source(%arg13 : memref<64xi32, #tpu.memory_space<vmem>>) target(%dma_start3A_107 : memref<64xi32, #tpu.memory_space<hbm>>) target_semaphore(%run_scoped3A : memref<!tpu.dma_semaphore, #tpu.memory_space<semaphore_mem>>)
      %dma_wait3A_108 = arith.constant 0 : i32
      %dma_wait3A_109 = tpu.memref_slice %arg4[%add3A_101, %dma_wait3A_108] : memref<128x64xi32, #tpu.memory_space<hbm>> -> memref<1x64xi32, #tpu.memory_space<hbm>>
      %dma_wait3A_110 = tpu.memref_squeeze %dma_wait3A_109 : memref<1x64xi32, #tpu.memory_space<hbm>> -> memref<64xi32, #tpu.memory_space<hbm>>
      %dma_wait3A_111 = arith.constant 0 : i32
      %dma_wait3A_112 = tpu.memref_slice %arg4[%add3A_101, %dma_wait3A_111] : memref<128x64xi32, #tpu.memory_space<hbm>> -> memref<1x64xi32, #tpu.memory_space<hbm>>
      %dma_wait3A_113 = tpu.memref_squeeze %dma_wait3A_112 : memref<1x64xi32, #tpu.memory_space<hbm>> -> memref<64xi32, #tpu.memory_space<hbm>>
      tpu.wait_dma2 semaphore(%run_scoped3A : memref<!tpu.dma_semaphore, #tpu.memory_space<semaphore_mem>>) src(%arg13 : memref<64xi32, #tpu.memory_space<vmem>>) dst(%dma_wait3A_113 : memref<64xi32, #tpu.memory_space<hbm>>)
      tpu.yield
    }) : () -> ()
    return
  }
}

</mosaic_0001>

<sc_bundles>
// kernel: kernel.3.cloned.1.call-start
scs
__scs_entry_jumppad:
0x0: {  	(pc) =	sbr.rel $0x88, $3  }
0x1: {  	(tag) =	ssettag $0x0;
	lr =	simm.s32 $0x1  }
0x2: {  	[smem:$0x3FA0] =	sst lr;
	_ =	strace $0xD0000000  }
0x3: {  	_ = 	snop  }
0x4: {  	_ = 	snop  }
0x5: {  	_ = 	snop  }
0x6: {  	_ = 	snop  }
0x7: {  	_ = 	snop  }
__scs_overlays_trampoline_lowered:
0x8: {  	[smem:$0x3FAF] =	sst s0  }
0x9: {  	[smem:$0x3FB0] =	sst s1  }
0xa: {  	[smem:$0x3FB1] =	sst s2  }
0xb: {  	[smem:$0x3FB2] =	sst s3  }
0xc: {  	[smem:$0x3FB3] =	sst s4  }
0xd: {  	[smem:$0x3FB4] =	sst s5  }
0xe: {  	[smem:$0x3FB5] =	sst s6  }
0xf: {  	[smem:$0x3FB6] =	sst s7  }
0x10: {  	[smem:$0x3FB7] =	sst s8  }
0x11: {  	[smem:$0x3FB8] =	sst s9;
	s0 =	simm.s32 @!p0 $0x0  }
0x12: {  	s1 =	sld [smem:$0x3F9E];
	s0 =	simm.s32 @p0 $0x1  }
0x13: {  	[smem:$0x3FB9] =	sst s0;
	s0 =	simm.s32 @!p1 $0x0  }
0x14: {  	s2 =	sld [smem:$0x3F9D];
	s0 =	simm.s32 @p1 $0x1  }
0x15: {  	[smem:$0x3FBA] =	sst s0;
	s0 =	simm.s32 @!p2 $0x0  }
0x16: {  	s3 =	sld [smem:$0x3FDB];
	s0 =	simm.s32 @p2 $0x1  }
0x17: {  	s4 =	simm.s32 $0x1BF5;
	[smem:$0x3FBC] =	sst s0  }
0x18: {  	s0 =	sld [smem:$0x3F9F];
	_ =	swait.ge [sflag:s4], $0x0  }
0x19: {  	s7 =	sld [smem:$0x3FA0]  }
0x1a: {  	s8 =	sadd.s32 $0xFFFFE003, lr  }
0x1b: {  	s9 =	sadd.s32 $0xFFFFFEF7, lr;
	s5 =	simm.s32 $0xFFFFFFFF;
	p2 =	slt.u32 s8, $0xFFFFF086  }
0x1c: {  	p1 =	slt.u32 s9, $0xF7A;
	s5 =	simm.s32 @!p2 $0x0  }
0x1d: {  	s5 =	simm.s32 @p1 $0x1;
	p0 =	seq.s32 s7, s2  }
0x1e: {  	s7 =	smul.u32 @!p0 $0xF7A, s2;
	p2 =	seq.s32 @!p0 s5, $0x0  }
0x1f: {  	s9 =	smul.u32 $0xF7A, s1;
	s8 =	simm.s32 @!p0 $0x1BF5;
	p2 =	por !p2, p0  }
0x20: {  	[sflag:s8] =	ssyncset.s32 @!p0 $0xFFFFF086;
	s6 =	sadd.s32 @!p0 s3, s7;
	s7 =	simm.s32 @!p0 $0x108  }
0x21: {  	s3 =	sadd.s32 s3, s9;
	s6 =	sadd.s32 @!p0 $0x88, s6;
	s7 =	simm.s32 @p2 $0x1082  }
0x22: {  	[simem:s7], [sflag:s8] =	dma.local @!p0 [hbm:s6], $0xF7A  }
0x23: {  	s9 =	sor.u32 $0xD0000000, s2;
	s6 =	simm.s32 $0x108;
	_ =	swait.ge @!p0 [sflag:s8], $0x0  }
0x24: {  	s3 =	sadd.s32 $0x88, s3;
	s6 =	simm.s32 @!p1 $0x1082;
	[sflag:s4] =	ssyncset.s32 $0xFFFFF086  }
0x25: {  	[simem:s6], [sflag:s4] =	dma.local [hbm:s3], $0xF7A  }
0x26: {  	[smem:$0x3FA0] =	sst s1;
	(tag) =	ssettag s2;
	_ =	strace s9  }
0x27: {  	s1 =	sld [smem:$0x3FB0]  }
0x28: {  	s2 =	sld [smem:$0x3FB1]  }
0x29: {  	s4 =	sld [smem:$0x3FB3]  }
0x2a: {  	p0 =	seq.s32 s5, $0x0;
	s5 =	sld [smem:$0x3FB4]  }
0x2b: {  	s6 =	sld [smem:$0x3FB5]  }
0x2c: {  	s7 =	sld [smem:$0x3FB6]  }
0x2d: {  	s3 =	simm.s32 $0x108;
	s8 =	sld [smem:$0x3FB7]  }
0x2e: {  	s3 =	simm.s32 @!p0 $0x1082;
	s9 =	sld [smem:$0x3FB8]  }
0x2f: {  	lr =	sadd.s32 s0, s3;
	s0 =	sld [smem:$0x3FAF]  }
0x30: {  	s3 =	sld [smem:$0x3FB2]  }
0x31: {  	[smem:$0x3FBB] =	sst s10  }
0x32: {  	s10 =	sld [smem:$0x3FB9];
	_ =	sdelay $0x3  }
0x33: {  	p0 =	seq.s32 s10, $0x1;
	s10 =	sld [smem:$0x3FBB];
	_ =	sdelay $0x3  }
0x34: {  	[smem:$0x3FBB] =	sst s10  }
0x35: {  	s10 =	sld [smem:$0x3FBA];
	_ =	sdelay $0x3  }
0x36: {  	p1 =	seq.s32 s10, $0x1;
	s10 =	sld [smem:$0x3FBB];
	_ =	sdelay $0x3  }
0x37: {  	[smem:$0x3FBB] =	sst s10  }
0x38: {  	s10 =	sld [smem:$0x3FBC]  }
0x39: {  	_ = 	snop;
	(pc) =	sbr.ind lr, $3  }
0x3a: {  	_ = 	snop  }
0x3b: {  	_ = 	snop  }
0x3c: {  	p2 =	seq.s32 s10, $0x1;
	s10 =	sld [smem:$0x3FBB]  }
0x3d: {  	_ =	shalt  }
0x3e: {  	_ =	shalt  }
0x3f: {  	_ =	shalt  }
0x40: {  	_ =	shalt  }
0x41: {  	_ =	shalt  }
0x42: {  	_ =	shalt  }
0x43: {  	_ =	shalt  }
0x44: {  	_ =	shalt  }
0x45: {  	_ =	shalt  }
0x46: {  	_ =	shalt  }
0x47: {  	_ =	shalt  }
0x48: {  	_ =	shalt  }
0x49: {  	_ =	shalt  }
0x4a: {  	_ =	shalt  }
0x4b: {  	_ =	shalt  }
0x4c: {  	_ =	shalt  }
0x4d: {  	_ =	shalt  }
0x4e: {  	_ =	shalt  }
0x4f: {  	_ =	shalt  }
0x50: {  	_ =	shalt  }
0x51: {  	_ =	shalt  }
0x52: {  	_ =	shalt  }
0x53: {  	_ =	shalt  }
0x54: {  	_ =	shalt  }
0x55: {  	_ =	shalt  }
0x56: {  	_ =	shalt  }
0x57: {  	_ =	shalt  }
0x58: {  	_ =	shalt  }
0x59: {  	_ =	shalt  }
0x5a: {  	_ =	shalt  }
0x5b: {  	_ =	shalt  }
0x5c: {  	_ =	shalt  }
0x5d: {  	_ =	shalt  }
0x5e: {  	_ =	shalt  }
0x5f: {  	_ =	shalt  }
0x60: {  	_ =	shalt  }
0x61: {  	_ =	shalt  }
0x62: {  	_ =	shalt  }
0x63: {  	_ =	shalt  }
0x64: {  	_ =	shalt  }
0x65: {  	_ =	shalt  }
0x66: {  	_ =	shalt  }
0x67: {  	_ =	shalt  }
0x68: {  	_ =	shalt  }
0x69: {  	_ =	shalt  }
0x6a: {  	_ =	shalt  }
0x6b: {  	_ =	shalt  }
0x6c: {  	_ =	shalt  }
0x6d: {  	_ =	shalt  }
0x6e: {  	_ =	shalt  }
0x6f: {  	_ =	shalt  }
0x70: {  	_ =	shalt  }
0x71: {  	_ =	shalt  }
0x72: {  	_ =	shalt  }
0x73: {  	_ =	shalt  }
0x74: {  	_ =	shalt  }
0x75: {  	_ =	shalt  }
0x76: {  	_ =	shalt  }
0x77: {  	_ =	shalt  }
0x78: {  	_ =	shalt  }
0x79: {  	_ =	shalt  }
0x7a: {  	_ =	shalt  }
0x7b: {  	_ =	shalt  }
0x7c: {  	_ =	shalt  }
0x7d: {  	_ =	shalt  }
0x7e: {  	_ =	shalt  }
0x7f: {  	_ =	shalt  }
0x80: {  	_ =	shalt  }
0x81: {  	_ =	shalt  }
0x82: {  	_ =	shalt  }
0x83: {  	_ =	shalt  }
0x84: {  	_ =	shalt  }
0x85: {  	_ =	shalt  }
0x86: {  	_ =	shalt  }
0x87: {  	_ =	shalt  }
.Lfunc_end0:
.L_simem_size_0:
called_computation_lowered:
.L_overlay_start_0:
0x88: {  	s2 =	sld [smem:$0x3FD9]  }
0x89: {  	s3 =	sld [smem:$0x3FFE];
	_ =	sdelay $0x1  }
0x8a: {  	s1 =	srdreg.scid  }
0x8b: {  	s0 =	sand.u32 $0x1, s1  }
0x8c: {  	s17 =	sshll.u32 s0, $0xA;
	s2 =	sadd.s32 s3, s2  }
0x8d: {  	s2 =	sadd.s32 s2, s17  }
0x8e: {  	[smem:$0x3FC7] =	sst s2  }
0x8f: {  	_ = 	snop  }
0x90: {  	s2 =	sld [smem:$0x3FC9];
	(tm) =	ssettm $0x1  }
0x91: {  	s18 =	sld [smem:$0x3FFB];
	_ =	sdelay $0x3  }
0x92: {  	_ =	strace s18  }
0x93: {  	s3 =	sld [smem:$0x3FFC];
	_ =	sdelay $0x3  }
0x94: {  	_ =	strace s3  }
0x95: {  	s3 =	sld [smem:$0x3FFD];
	_ =	sdelay $0x3  }
0x96: {  	_ =	strace s3  }
0x97: {  	_ =	strace $0x8FFFFFFF  }
0x98: {  	s19 =	sld [smem:$0x3FDB];
	_ =	sdelay $0x1  }
0x99: {  	s4 =	simm.s32 $_scs_section_size  }
0x9a: {  	s5 =	simm.s32 $_size__tile_overlayer_lowered;
	s6 =	simm.s32 $_tile_overlayer_lowered  }
0x9b: {  	s22 =	simm.s32 $0x1BFF;
	s21 =	sshll.u32 s6, $0x1;
	s3 =	sadd.s32 s4, s19  }
0x9c: {  	s7 =	simm.s32 $0x0;
	s20 =	sshll.u32 s5, $0x1;
	s5 =	sadd.s32 s21, s3  }
0x9d: {  	[timem:s7], [sflag:s22] =	dma.local [hbm:s5], s20  }
0x9e: {  	_ =	swait.ge [sflag:s22], s20  }
0x9f: {  	s4 =	ssub.s32 $0x0, s20;
	[sflag:s22] =	ssyncset.done $0x0  }
0xa0: {  	[sflag:s22] =	ssyncadd.s32 s4;
	_ =	sdelay $0x1  }
0xa1: {  	s23 =	simm.s32 $0x1B8B  }
0xa2: {  	_ =	swait.ge [sflag:s23], $0x1  }
0xa3: {  	[sflag:s23] =	ssyncset.done $0x0  }
0xa4: {  	s25 =	simm.s32 $0x1B8E;
	s24 =	sld [smem:$0x3FFE];
	[sflag:s23] =	ssyncadd.s32 $0xFFFFFFFF  }
0xa5: {  	s26 =	simm.s32 $execute0_lowered;
	[smem:$0x3FD2] =	sst s25  }
0xa6: {  	s5 =	sshll.u32 s26, $0x1;
	_ =	strace $0x80000046;
	[dreg:$0x1] =	wrdreg $0xFFFFFFFF  }
0xa7: {  	s28 =	simm.s32 $_size_execute0_lowered;
	s3 =	sadd.s32 s3, s5;
	[dreg:$0x0] =	wrdreg $0x0  }
0xa8: {  	s5 =	sshll.u32 s28, $0x1;
	[dreg:$0x2] =	wrdreg s3  }
0xa9: {  	[dreg:$0x3] =	wrdreg s5  }
0xaa: {  	[dreg:$0x4] =	wrdreg $0xC0  }
0xab: {  	_ =	task [dreg:s7], $0x5FFFF  }
0xac: {  	[dreg:$0x1] =	wrdreg $0xFFFFFFFF  }
0xad: {  	[dreg:$0x0] =	wrdreg $0x60  }
0xae: {  	[dreg:$0x2] =	wrdreg s2  }
0xaf: {  	[dreg:$0x3] =	wrdreg s24  }
0xb0: {  	[dreg:$0x4] =	wrdreg $0x9  }
0xb1: {  	_ =	task.clear_ibuf [dreg:s7], $0x5FFFF;
	_ =	strace $0x90000046  }
0xb2: {  	s29 =	simm.s32 $0x9;
	_ =	strace $0x80000048  }
0xb3: {  	_ =	swait.ge [sflag:s29], $0x1  }
0xb4: {  	[sflag:s29] =	ssyncadd.s32 $0xFFFFFFFF  }
0xb5: {  	_ =	strace $0x90000048  }
0xb6: {  	_ =	sfence  }
0xb7: {  	s30 =	sld [smem:$0x0];
	_ =	sdelay $0x2  }
0xb8: {  	s31 =	sshll.u32 s1, $0xD;
	s1 =	sshrl.u32 s1, $0x2  }
0xb9: {  	s3 =	sand.u32 $0x4000, s31;
	s1 =	sadd.s32 s1, s30  }
0xba: {  	s0 =	sor.u32 s3, s0;
	s1 =	sshll.u32 s1, $0x11  }
0xbb: {  	s0 =	sor.u32 s1, s0  }
0xbc: {  	s0 =	sadd.s32 $0x8F2B, s0  }
0xbd: {  	[sflag:s0] =	ssyncadd.remote.s32 $0x1  }
0xbe: {  	_ =	sfence.sel $0xFFFF  }
0xbf: {  	[dreg:$0x0] =	wrdreg $0xFFFFFFFF;
	(pc) =	sbr.abs _section_cstart, $3  }
0xc0: {  	[dreg:$0x1] =	wrdreg $0xFFFFFFFF  }
0xc1: {  	_ =	task.clear_ibuf [dreg:s7], $0x2FFFF;
	_ =	strace $0x9FFFFFFF  }
0xc2: {  	(tm) =	ssettm $0x7FFFFFFF  }
0xc3: {  	_ =	shalt  }
tec
execute0_lowered:
.L_overlay_start_1:
0x0: {  	(tag) =	ssettag $0x1  }
0x1: {  	s0 =	rddreg [dreg:$0x0]  }
0x2: {  	s2 =	rddreg [dreg:$0x1];
	s1 =	simm.s32 $0x0  }
0x3: {  	s3 =	srdreg.scid;
	s8 =	stileid.u32;
	s28 =	simm.s32 $0x18280  }
0x4: {  	s29 =	simm.s32 $0x4;
	s30 =	simm.s32 $0x3;
	s31 =	simm.s32 $0x0  }
0x5: {  	[smem:$0x7FF] =	sst s1;
	s13 =	sadd.s32 $0x800, s2;
	s3 =	sand.u32 $0x1, s3  }
0x6: {  	s9 =	sshll.u32 s8, $0x12;
	s2 =	sadd.s32 $0x1000, s2;
	s11 =	sshll.u32 s8, $0xA  }
0x7: {  	_ =	strace $0x80000047;
	s4 =	ssub.s32 $0x2, s3;
	s7 =	sshll.u32 s3, $0x9  }
0x8: {  	s18 =	sshrl.u32 s4, $0x1;
	s5 =	sor.u32 s7, s9;
	s6 =	sor.u32 $0x80, s7  }
0x9: {  	s10 =	sor.u32 $0x100, s7;
	s8 =	sor.u32 s7, s11;
	s14 =	sor.u32 $0x180, s7  }
0xa: {  	s15 =	ssub.s32 s4, s18;
	s19 =	sshrl.u32 s5, $0x3;
	s20 =	sor.u32 s9, s6  }
0xb: {  	s21 =	sor.u32 s9, s10;
	s8 =	sshrl.u32 s8, $0x3;
	s12 =	sor.u32 s11, s6  }
0xc: {  	s16 =	sor.u32 s9, s14;
	s24 =	sor.u32 s11, s10;
	s14 =	sor.u32 s11, s14  }
0xd: {  	s18 =	simm.s32 $0x1;
	s3 =	sadd.s32 s0, s19;
	s4 =	sshrl.u32 s20, $0x3  }
0xe: {  	s5 =	sshrl.u32 s21, $0x3;
	s6 =	sadd.s32 s13, s8;
	s12 =	sshrl.u32 s12, $0x3  }
0xf: {  	s7 =	sadd.s32 s2, s8;
	s23 =	sshrl.u32 s16, $0x3;
	s25 =	sshrl.u32 s24, $0x3  }
0x10: {  	s26 =	sshrl.u32 s14, $0x3;
	s15 =	smax.u32 s15, $0x1;
	s16 =	simm.s32 $0x400  }
0x11: {  	s19 =	simm.s32 $0x18000;
	s20 =	simm.s32 $0x80;
	s24 =	simm.s32 $0x18100  }
0x12: {  	[dreg:$0x3] =	wrdreg s3;
	s22 =	sadd.s32 s0, s4;
	s5 =	sadd.s32 s0, s5  }
0x13: {  	v0 =	vlaneseq.u32;
	s8 =	sadd.s32 s13, s12;
	s9 =	sadd.s32 s2, s12;
	s10 =	sadd.s32 s0, s23  }
0x14: {  	v1 =	vor.u32 $0x80000010, v0;
	v2 =	vor.u32 $0x80000020, v0;
	v3 =	vor.u32 $0x80000030, v0;
	s11 =	sadd.s32 s13, s25;
	s12 =	sadd.s32 s2, s25;
	s13 =	sadd.s32 s13, s26  }
0x15: {  	v9 =	vimm.s32 $0x0;
	v4 =	vor.u32 $0x80000040, v0;
	v6 =	vor.u32 $0x80000050, v0;
	s14 =	sadd.s32 s2, s26;
	s23 =	simm.s32 $0x18080;
	s25 =	simm.s32 $0x18180  }
0x16: {  	v5 =	vor.u32 $0x80000000, v0;
	v7 =	vor.u32 $0x80000060, v0;
	v8 =	vor.u32 $0x80000070, v0;
	s26 =	simm.s32 $0x18200;
	[dreg:$0x4] =	wrdreg s22;
	s22 =	simm.s32 $0x2  }
.LBB2_1:
0x17: {  	s0 =	rddreg [dreg:$0x3]  }
0x18: {  	[tilespmem:s1], [sflag:$0x1] =	stream.strided.gather [hbm4b:s0+s20], $0x8000, s16, s20, $0x38;
	[tilespmem:$0x18300] =	vst v63  }
0x19: {  	s21 =	rddreg [dreg:$0x4];
	s2 =	simm.s32 $0x8000  }
0x1a: {  	[tilespmem:s2], [sflag:$0x2] =	stream.strided.gather [hbm4b:s21+s20], $0x8000, s16, s20, $0x38;
	[tilespmem:$0x18300] =	vst v63  }
0x1b: {  	_ =	swait.ge [sflag:s18], $0x8000  }
0x1c: {  	[sflag:s18] =	ssyncset.done $0x0  }
0x1d: {  	[sflag:s18] =	ssyncadd.s32 $0xFFFF8000  }
0x1e: {  	v10 =	vld [tilespmem:s20+$0xFFFFFF90]  }
0x1f: {  	s17 =	simm.s32 $0x1;
	s0 =	simm.s32 $0x0;
	s2 =	simm.s32 $0x80;
	v11 =	vld [tilespmem:s20+$0xFFFFFF80]  }
.LBB2_2:
0x20: {  	p0 =	sne.s32 s17, $0x7F;
	v12 =	vld [tilespmem:s2+$0xFFFFFFA0]  }
0x21: {  	v13 =	vld [tilespmem:s2+$0xFFFFFFB0]  }
0x22: {  	v14 =	vld [tilespmem:s2+$0xFFFFFFC0]  }
0x23: {  	v15 =	vld [tilespmem:s2+$0xFFFFFFD0]  }
0x24: {  	v10 =	vmax.f32 v11, v10;
	v11 =	vld [tilespmem:s2+$0xFFFFFFE0]  }
0x25: {  	v10 =	vmax.f32 v10, v12;
	v12 =	vld [tilespmem:s2+$0xFFFFFFF0]  }
0x26: {  	v10 =	vmax.f32 v10, v13;
	v13 =	vld [tilespmem:s2+$0x0]  }
0x27: {  	v10 =	vmax.f32 v10, v14;
	v14 =	vld [tilespmem:s2+$0x10]  }
0x28: {  	v10 =	vmax.f32 v10, v15;
	v15 =	vld [tilespmem:s2+$0x20]  }
0x29: {  	v10 =	vmax.f32 v10, v11;
	v11 =	vld [tilespmem:s2+$0x30]  }
0x2a: {  	v10 =	vmax.f32 v10, v12;
	v12 =	vld [tilespmem:s2+$0x40]  }
0x2b: {  	v10 =	vmax.f32 v10, v13;
	v13 =	vld [tilespmem:s2+$0x50]  }
0x2c: {  	v10 =	vmax.f32 v10, v14;
	v14 =	vld [tilespmem:s2+$0x60]  }
0x2d: {  	v10 =	vmax.f32 v10, v15;
	v15 =	vld [tilespmem:s2+$0x70]  }
0x2e: {  	v10 =	vmax.f32 v10, v11  }
0x2f: {  	v10 =	vmax.f32 v10, v12  }
0x30: {  	v10 =	vmax.f32 v10, v13  }
0x31: {  	v10 =	vmax.f32 v10, v14  }
0x32: {  	v10 =	vmax.f32 v10, v15  }
0x33: {  	(xrf0) =	vmax.scan.msk.f32 $0xffff, v10;
	_ =	sdelay $0x3  }
0x34: {  	v10 =	vmov s0;
	s0 =	smov.u32 s17;
	_ =	sdelay $0x1  }
0x35: {  	v11, _, _ =	vpop (xrf0)  }
.Ltmp0:
0x36: {  	v11 =	vbroadcast v11, $0xF;
	(pc) =	sbr.rel @p0 .LBB2_2-.Ltmp0, $4  }
0x37: {  	_ = 	snop  }
0x38: {  	s2 =	sadd.s32 $0x100, s2;
	[tilespmem:v10+s19+$0x0] =	vst.idx.msk $0x1, v11  }
0x39: {  	v10 =	vld [tilespmem:s2+$0xFFFFFF90]  }
0x3a: {  	s17 =	sadd.s32 $0x1, s17;
	v11 =	vld [tilespmem:s2+$0xFFFFFF80]  }
0x3b: {  	v12 =	vld [tilespmem:s2+$0xFFFFFFA0]  }
0x3c: {  	v13 =	vld [tilespmem:s2+$0xFFFFFFB0]  }
0x3d: {  	v14 =	vld [tilespmem:s2+$0xFFFFFFC0]  }
0x3e: {  	v15 =	vld [tilespmem:s2+$0xFFFFFFD0]  }
0x3f: {  	v10 =	vmax.f32 v11, v10;
	v11 =	vld [tilespmem:s2+$0xFFFFFFE0]  }
0x40: {  	v56 =	vld [tilespmem:s2+$0xFFFFFFF0];
	v10 =	vmax.f32 v10, v12  }
0x41: {  	v57 =	vld [tilespmem:s2+$0x0];
	v10 =	vmax.f32 v10, v13  }
0x42: {  	v58 =	vld [tilespmem:s2+$0x10];
	v10 =	vmax.f32 v10, v14  }
0x43: {  	v59 =	vld [tilespmem:s2+$0x20];
	v10 =	vmax.f32 v10, v15  }
0x44: {  	v10 =	vmax.f32 v10, v11;
	v11 =	vld [tilespmem:s2+$0x30]  }
0x45: {  	v60 =	vld [tilespmem:s2+$0x40];
	v10 =	vmax.f32 v10, v56  }
0x46: {  	v61 =	vld [tilespmem:s2+$0x50];
	v10 =	vmax.f32 v10, v57  }
0x47: {  	v62 =	vld [tilespmem:s2+$0x60];
	v10 =	vmax.f32 v10, v58  }
0x48: {  	v63 =	vld [tilespmem:s2+$0x70];
	v10 =	vmax.f32 v10, v59  }
0x49: {  	v10 =	vmax.f32 v10, v11  }
0x4a: {  	v10 =	vmax.f32 v10, v60  }
0x4b: {  	v10 =	vmax.f32 v10, v61  }
0x4c: {  	v10 =	vmax.f32 v10, v62  }
0x4d: {  	v10 =	vmax.f32 v10, v63  }
0x4e: {  	(xrf0) =	vmax.scan.msk.f32 $0xffff, v10;
	_ =	sdelay $0x3  }
0x4f: {  	v10 =	vmov s0;
	_ =	sdelay $0x1  }
0x50: {  	v11, _, _ =	vpop (xrf0)  }
0x51: {  	v11 =	vbroadcast v11, $0xF;
	_ =	sdelay $0x1  }
0x52: {  	s21 =	simm.s32 $0x10000;
	[tilespmem:v10+s19+$0x0] =	vst.idx.msk $0x1, v11  }
0x53: {  	[tilespmem:s21], [sflag:$0x3] =	stream.strided.gather [hbm4b:s5+s20], $0x8000, s16, s20, $0x38;
	[tilespmem:$0x18300] =	vst v63  }
0x54: {  	_ =	swait.ge [sflag:s22], $0x8000  }
0x55: {  	[sflag:s22] =	ssyncset.done $0x0  }
0x56: {  	s17 =	simm.s32 $0x8080;
	[sflag:s22] =	ssyncadd.s32 $0xFFFF8000  }
0x57: {  	v10 =	vld [tilespmem:s17+$0xFFFFFF90]  }
0x58: {  	s2 =	simm.s32 $0x0;
	s0 =	simm.s32 $0x0;
	s21 =	simm.s32 $0x1;
	v11 =	vld [tilespmem:s17+$0xFFFFFF80]  }
.LBB2_4:
0x59: {  	p0 =	sne.s32 s21, $0x7F;
	v12 =	vld [tilespmem:s17+$0xFFFFFFA0]  }
0x5a: {  	v13 =	vld [tilespmem:s17+$0xFFFFFFB0]  }
0x5b: {  	v14 =	vld [tilespmem:s17+$0xFFFFFFC0]  }
0x5c: {  	v15 =	vld [tilespmem:s17+$0xFFFFFFD0]  }
0x5d: {  	v10 =	vmax.f32 v11, v10;
	v11 =	vld [tilespmem:s17+$0xFFFFFFE0]  }
0x5e: {  	v10 =	vmax.f32 v10, v12;
	v12 =	vld [tilespmem:s17+$0xFFFFFFF0]  }
0x5f: {  	v10 =	vmax.f32 v10, v13;
	v13 =	vld [tilespmem:s17+$0x0]  }
0x60: {  	v10 =	vmax.f32 v10, v14;
	v14 =	vld [tilespmem:s17+$0x10]  }
0x61: {  	v10 =	vmax.f32 v10, v15;
	v15 =	vld [tilespmem:s17+$0x20]  }
0x62: {  	v10 =	vmax.f32 v10, v11;
	v11 =	vld [tilespmem:s17+$0x30]  }
0x63: {  	v10 =	vmax.f32 v10, v12;
	v12 =	vld [tilespmem:s17+$0x40]  }
0x64: {  	v10 =	vmax.f32 v10, v13;
	v13 =	vld [tilespmem:s17+$0x50]  }
0x65: {  	v10 =	vmax.f32 v10, v14;
	v14 =	vld [tilespmem:s17+$0x60]  }
0x66: {  	v10 =	vmax.f32 v10, v15;
	v15 =	vld [tilespmem:s17+$0x70]  }
0x67: {  	v10 =	vmax.f32 v10, v11  }
0x68: {  	v10 =	vmax.f32 v10, v12  }
0x69: {  	v10 =	vmax.f32 v10, v13  }
0x6a: {  	v10 =	vmax.f32 v10, v14  }
0x6b: {  	v10 =	vmax.f32 v10, v15  }
0x6c: {  	(xrf0) =	vmax.scan.msk.f32 $0xffff, v10;
	_ =	sdelay $0x3  }
0x6d: {  	v10 =	vmov s2;
	s2 =	smov.u32 s21;
	_ =	sdelay $0x1  }
0x6e: {  	v11, _, _ =	vpop (xrf0)  }
.Ltmp1:
0x6f: {  	v11 =	vbroadcast v11, $0xF;
	(pc) =	sbr.rel @p0 .LBB2_4-.Ltmp1, $4  }
0x70: {  	_ = 	snop  }
0x71: {  	s17 =	sadd.s32 $0x100, s17;
	[tilespmem:v10+s23+$0x0] =	vst.idx.msk $0x1, v11  }
0x72: {  	v10 =	vld [tilespmem:s17+$0xFFFFFF90]  }
0x73: {  	s21 =	sadd.s32 $0x1, s21;
	v11 =	vld [tilespmem:s17+$0xFFFFFF80]  }
0x74: {  	v12 =	vld [tilespmem:s17+$0xFFFFFFA0]  }
0x75: {  	v13 =	vld [tilespmem:s17+$0xFFFFFFB0]  }
0x76: {  	v14 =	vld [tilespmem:s17+$0xFFFFFFC0]  }
0x77: {  	v15 =	vld [tilespmem:s17+$0xFFFFFFD0]  }
0x78: {  	v10 =	vmax.f32 v11, v10;
	v11 =	vld [tilespmem:s17+$0xFFFFFFE0]  }
0x79: {  	v56 =	vld [tilespmem:s17+$0xFFFFFFF0];
	v10 =	vmax.f32 v10, v12  }
0x7a: {  	v57 =	vld [tilespmem:s17+$0x0];
	v10 =	vmax.f32 v10, v13  }
0x7b: {  	v58 =	vld [tilespmem:s17+$0x10];
	v10 =	vmax.f32 v10, v14  }
0x7c: {  	v59 =	vld [tilespmem:s17+$0x20];
	v10 =	vmax.f32 v10, v15  }
0x7d: {  	v10 =	vmax.f32 v10, v11;
	v11 =	vld [tilespmem:s17+$0x30]  }
0x7e: {  	v60 =	vld [tilespmem:s17+$0x40];
	v10 =	vmax.f32 v10, v56  }
0x7f: {  	v61 =	vld [tilespmem:s17+$0x50];
	v10 =	vmax.f32 v10, v57  }
0x80: {  	v62 =	vld [tilespmem:s17+$0x60];
	v10 =	vmax.f32 v10, v58  }
0x81: {  	v63 =	vld [tilespmem:s17+$0x70];
	v10 =	vmax.f32 v10, v59  }
0x82: {  	v10 =	vmax.f32 v10, v11  }
0x83: {  	v10 =	vmax.f32 v10, v60  }
0x84: {  	v10 =	vmax.f32 v10, v61  }
0x85: {  	v10 =	vmax.f32 v10, v62  }
0x86: {  	v10 =	vmax.f32 v10, v63  }
0x87: {  	(xrf0) =	vmax.scan.msk.f32 $0xffff, v10;
	_ =	sdelay $0x3  }
0x88: {  	v10 =	vmov s2;
	_ =	sdelay $0x1  }
0x89: {  	v11, _, _ =	vpop (xrf0)  }
0x8a: {  	v11 =	vbroadcast v11, $0xF;
	_ =	sdelay $0x1  }
0x8b: {  	[tilespmem:v10+s23+$0x0] =	vst.idx.msk $0x1, v11  }
.LBB2_6:
0x8c: {  	v10 =	vld [tilespmem:$0x18000]  }
0x8d: {  	v11 =	vld [tilespmem:$0x18010]  }
0x8e: {  	v12 =	vld [tilespmem:$0x18020]  }
0x8f: {  	v13 =	vld [tilespmem:$0x18030]  }
0x90: {  	v14 =	vld [tilespmem:$0x18040]  }
0x91: {  	v15 =	vld [tilespmem:$0x18050]  }
0x92: {  	v17 =	vld [tilespmem:$0x18060];
	v16 =	vmax.f32 v10, v11  }
0x93: {  	v19 =	vld [tilespmem:$0x18070];
	v18 =	vmax.f32 v16, v12  }
0x94: {  	v20 =	vmax.f32 v18, v13  }
0x95: {  	v21 =	vmax.f32 v20, v14  }
0x96: {  	v22 =	vmax.f32 v21, v15  }
0x97: {  	v23 =	vmax.f32 v22, v17  }
0x98: {  	v24 =	vmax.f32 v23, v19  }
0x99: {  	(xrf0) =	vmax.scan.msk.f32 $0xffff, v24;
	_ =	sdelay $0x1  }
0x9a: {  	vm0 =	vgt.f32 v11, v10  }
0x9b: {  	vm1 =	vgt.f32 v12, v16;
	v10 =	vsel vm0, v1, v5  }
0x9c: {  	vm5 =	vgt.f32 v13, v18;
	v10 =	vsel vm1, v2, v10  }
0x9d: {  	vm6 =	vgt.f32 v14, v20;
	v10 =	vsel vm5, v3, v10  }
0x9e: {  	vm7 =	vgt.f32 v15, v21;
	v10 =	vsel vm6, v4, v10;
	v59, _, _ =	vpop (xrf0)  }
0x9f: {  	vm8 =	vgt.f32 v17, v22;
	v10 =	vsel vm7, v6, v10;
	v11 =	vbroadcast v59, $0xF  }
0xa0: {  	vm9 =	vgt.f32 v19, v23;
	v10 =	vsel vm8, v7, v10  }
0xa1: {  	v10 =	vsel vm9, v8, v10;
	vm10 =	veq.f32 v24, v11  }
0xa2: {  	v10 =	vnsel vm10, $0xFFFFFFFF, v10  }
0xa3: {  	(xrf0) =	vmin.scan.msk.u32 $0xffff, v10;
	_ =	sdelay $0x5  }
0xa4: {  	(v2sf) =	vpush v59, $0xF;
	v10, _, _ =	vpop (xrf0)  }
0xa5: {  	(v2sf) =	vpush v10, $0xF;
	_ =	sdelay $0xd  }
0xa6: {  	s2 =	spop (v2sf)  }
0xa7: {  	s17 =	spop (v2sf)  }
0xa8: {  	s21 =	sshll.u32 s17, $0x8  }
0xa9: {  	v10 =	vld [tilespmem:s21+$0x10];
	_ =	sdelay $0x2  }
0xaa: {  	v60 =	vld [tilespmem:s21+$0x0]  }
0xab: {  	s3 =	sor.u32 $0x10, s21  }
0xac: {  	v61 =	vor.u32 s3, v0;
	vm11 =	veq.f32 v10, v11  }
0xad: {  	v62 =	vor.u32 s21, v0;
	v63 =	vld [tilespmem:s21+$0x20];
	v13 =	vnsel vm11, $0x7FFFFFFF, v61  }
0xae: {  	vm12 =	vlt.s32 v62, v13  }
0xaf: {  	s4 =	sor.u32 $0x20, s21;
	vm3 =	veq.f32 v60, v11;
	v14 =	vsel vm12, v62, v13  }
0xb0: {  	v24 =	vld [tilespmem:s21+$0x30];
	v23 =	vor.u32 s4, v0;
	v13 =	vsel vm3, v14, v13  }
0xb1: {  	vm13 =	vlt.s32 v13, v23  }
0xb2: {  	s4 =	sor.u32 $0x30, s21;
	vm6 =	veq.f32 v63, v11;
	v14 =	vsel vm13, v13, v23  }
0xb3: {  	v26 =	vld [tilespmem:s21+$0x40];
	v25 =	vor.u32 s4, v0;
	v13 =	vsel vm6, v14, v13  }
0xb4: {  	vm2 =	vlt.s32 v13, v25  }
0xb5: {  	s4 =	sor.u32 $0x40, s21;
	vm14 =	veq.f32 v24, v11;
	v14 =	vsel vm2, v13, v25  }
0xb6: {  	v28 =	vld [tilespmem:s21+$0x50];
	v27 =	vor.u32 s4, v0;
	v13 =	vsel vm14, v14, v13  }
0xb7: {  	vm15 =	vlt.s32 v13, v27  }
0xb8: {  	v30 =	vld [tilespmem:s21+$0x60];
	s4 =	sor.u32 $0x50, s21;
	vm4 =	veq.f32 v26, v11;
	v14 =	vsel vm15, v13, v27  }
0xb9: {  	v34 =	vld [tilespmem:s21+$0x80];
	v29 =	vor.u32 s4, v0;
	v13 =	vsel vm4, v14, v13  }
0xba: {  	vm8 =	vlt.s32 v13, v29  }
0xbb: {  	s4 =	sor.u32 $0x60, s21;
	vm5 =	veq.f32 v28, v11;
	v14 =	vsel vm8, v13, v29  }
0xbc: {  	v32 =	vld [tilespmem:s21+$0x70];
	v31 =	vor.u32 s4, v0;
	v13 =	vsel vm5, v14, v13  }
0xbd: {  	v38 =	vld [tilespmem:s21+$0x90];
	vm7 =	vlt.s32 v13, v31  }
0xbe: {  	vm9 =	veq.f32 v30, v11;
	s4 =	sor.u32 $0x70, s21;
	vm0 =	veq.f32 v34, v11;
	v14 =	vsel vm7, v13, v31  }
0xbf: {  	v10 =	vsel vm11, $0xFF800000, v10;
	v33 =	vor.u32 s4, v0;
	v13 =	vsel vm9, v14, v13  }
0xc0: {  	v35 =	vsel vm3, $0x1, v9;
	v12 =	vmax.f32 v60, v10;
	vm10 =	vlt.s32 v13, v33  }
0xc1: {  	s4 =	sor.u32 $0x80, s21;
	v10 =	vsel vm3, v10, v12;
	vm3 =	veq.f32 v32, v11;
	v14 =	vsel vm10, v13, v33  }
0xc2: {  	vm1 =	veq.f32 v38, v11;
	v37 =	vor.u32 s4, v0;
	v13 =	vsel vm3, v14, v13  }
0xc3: {  	v36 =	vsel vm11, $0x1, v9;
	v39 =	vsel vm6, $0x1, v9;
	vm11 =	vlt.s32 v13, v37  }
0xc4: {  	v42 =	vsel vm14, $0x1, v9;
	v45 =	vsel vm4, $0x1, v9;
	s4 =	sor.u32 $0x90, s21;
	v14 =	vsel vm11, v13, v37  }
0xc5: {  	v41 =	vld [tilespmem:s21+$0xA0];
	v40 =	vor.u32 s4, v0;
	v15 =	vmax.f32 v10, v63;
	v13 =	vsel vm0, v14, v13  }
0xc6: {  	v48 =	vsel vm5, $0x1, v9;
	v10 =	vsel vm6, v10, v15;
	vm12 =	vlt.s32 v13, v40  }
0xc7: {  	v51 =	vsel vm9, $0x1, v9;
	s4 =	sor.u32 $0xA0, s21;
	v16 =	vmax.f32 v10, v24;
	v14 =	vsel vm12, v13, v40  }
0xc8: {  	v44 =	vld [tilespmem:s21+$0xB0];
	v43 =	vor.u32 s4, v0;
	v10 =	vsel vm14, v10, v16;
	v13 =	vsel vm1, v14, v13  }
0xc9: {  	v59 =	vsel vm0, $0x1, v9;
	v16 =	vmax.f32 v10, v26;
	vm13 =	vlt.s32 v13, v43  }
0xca: {  	s4 =	sor.u32 $0xB0, s21;
	v10 =	vsel vm4, v10, v16;
	vm4 =	veq.f32 v41, v11;
	v14 =	vsel vm13, v13, v43  }
0xcb: {  	v47 =	vld [tilespmem:s21+$0xC0];
	v12 =	vadd.s32 v36, v35;
	v46 =	vor.u32 s4, v0;
	v13 =	vsel vm4, v14, v13  }
0xcc: {  	v62 =	vsel vm1, $0x1, v9;
	v16 =	vmax.f32 v10, v28;
	vm14 =	vlt.s32 v13, v46  }
0xcd: {  	s4 =	sor.u32 $0xC0, s21;
	v10 =	vsel vm5, v10, v16;
	vm5 =	veq.f32 v44, v11;
	v14 =	vsel vm14, v13, v46  }
0xce: {  	v50 =	vld [tilespmem:s21+$0xD0];
	v12 =	vadd.s32 v39, v12;
	v49 =	vor.u32 s4, v0;
	v13 =	vsel vm5, v14, v13  }
0xcf: {  	v12 =	vadd.s32 v42, v12;
	v16 =	vmax.f32 v10, v30;
	vm15 =	vlt.s32 v13, v49  }
0xd0: {  	s4 =	sor.u32 $0xD0, s21;
	v10 =	vsel vm9, v10, v16;
	vm9 =	veq.f32 v47, v11;
	v14 =	vsel vm15, v13, v49  }
0xd1: {  	v53 =	vld [tilespmem:s21+$0xE0];
	v54 =	vsel vm3, $0x1, v9;
	v52 =	vor.u32 s4, v0;
	v13 =	vsel vm9, v14, v13  }
0xd2: {  	v12 =	vadd.s32 v45, v12;
	v16 =	vmax.f32 v10, v32;
	vm10 =	vlt.s32 v13, v52  }
0xd3: {  	s4 =	sor.u32 $0xE0, s21;
	v10 =	vsel vm3, v10, v16;
	vm11 =	veq.f32 v50, v11;
	v14 =	vsel vm10, v13, v52  }
0xd4: {  	v56 =	vld [tilespmem:s21+$0xF0];
	v55 =	vor.u32 s4, v0;
	v16 =	vmax.f32 v10, v34;
	v13 =	vsel vm11, v14, v13  }
0xd5: {  	v12 =	vadd.s32 v48, v12;
	v10 =	vsel vm0, v10, v16;
	vm12 =	vlt.s32 v13, v55  }
0xd6: {  	s21 =	sor.u32 $0xF0, s21;
	v57 =	vmax.f32 v10, v38;
	vm13 =	veq.f32 v53, v11;
	v14 =	vsel vm12, v13, v55  }
0xd7: {  	v58 =	vor.u32 s21, v0;
	v10 =	vsel vm1, v10, v57;
	v13 =	vsel vm13, v14, v13  }
0xd8: {  	v12 =	vadd.s32 v51, v12;
	v60 =	vmax.f32 v10, v41;
	vm14 =	vlt.s32 v13, v58  }
0xd9: {  	v10 =	vsel vm4, v10, v60;
	vm15 =	veq.f32 v56, v11;
	v14 =	vsel vm14, v13, v58  }
0xda: {  	v12 =	vadd.s32 v54, v12;
	v61 =	vmax.f32 v10, v44;
	v13 =	vsel vm15, v14, v13  }
0xdb: {  	v12 =	vadd.s32 v59, v12;
	v10 =	vsel vm5, v10, v61;
	v13 =	vxor.u32 $0x80000000, v13  }
0xdc: {  	v12 =	vadd.s32 v62, v12;
	v63 =	vsel vm4, $0x1, v9;
	v15 =	vmax.f32 v10, v47;
	(xrf0) =	vmin.scan.msk.u32 $0xffff, v13  }
0xdd: {  	v12 =	vadd.s32 v63, v12;
	v16 =	vsel vm5, $0x1, v9;
	v10 =	vsel vm9, v10, v15  }
0xde: {  	v12 =	vadd.s32 v16, v12;
	v17 =	vsel vm9, $0x1, v9;
	v18 =	vmax.f32 v10, v50  }
0xdf: {  	v12 =	vadd.s32 v17, v12;
	v19 =	vsel vm11, $0x1, v9;
	v10 =	vsel vm11, v10, v18  }
0xe0: {  	v12 =	vadd.s32 v19, v12;
	v20 =	vmax.f32 v10, v53;
	v22 =	vsel vm13, $0x1, v9  }
0xe1: {  	v10 =	vsel vm13, v10, v20;
	v12 =	vadd.s32 v22, v12;
	v23 =	vsel vm15, $0x1, v9  }
0xe2: {  	v24 =	vmax.f32 v10, v56;
	v12 =	vadd.s32 v23, v12;
	v25, _, _ =	vpop (xrf0)  }
0xe3: {  	v10 =	vsel vm15, v10, v24;
	(xrf0) =	vadd.scan.msk.s32 $0xffff, v12;
	(v2sf) =	vpush v25, $0xF  }
0xe4: {  	(xrf0) =	vmax.scan.msk.f32 $0xffff, v10;
	_ =	sdelay $0x4  }
0xe5: {  	v10, _, _ =	vpop (xrf0)  }
0xe6: {  	(v2sf) =	vpush v10, $0xF;
	v10, _, _ =	vpop (xrf0)  }
0xe7: {  	(v2sf) =	vpush v10, $0xF;
	_ =	sdelay $0x3  }
0xe8: {  	v10 =	vmov s0;
	_ =	sdelay $0x2  }
0xe9: {  	s3 =	spop (v2sf)  }
0xea: {  	s4 =	sxor.u32 $0x80000000, s3  }
0xeb: {  	[tilespmem:v10+s24+$0x0] =	vst.idx.msk $0x1, v11;
	v11 =	vmov s4;
	s21 =	sand.u32 $0xFFFFFF80, s4;
	s4 =	sand.u32 $0x70, s3  }
0xec: {  	[tilespmem:v10+s25+$0x0] =	vst.idx.msk $0x1, v11;
	s4 =	sor.u32 s4, s21  }
0xed: {  	v11 =	vld [tilespmem:s4+$0x0]  }
0xee: {  	s17 =	sxor.u32 $0x80000000, s17  }
0xef: {  	v26 =	vmov s17;
	s3 =	sand.u32 $0xF, s3  }
0xf0: {  	s21 =	spop (v2sf);
	v27 =	vmov s3  }
0xf1: {  	p0 =	sgt.s32 s21, $0x1;
	vm6 =	veq.s32 v27, v0;
	s3 =	spop (v2sf)  }
0xf2: {  	s3 =	smov.u32 @p0 s2;
	v11 =	vsel vm6, $0xFF800000, v11  }
0xf3: {  	[tilespmem:s4+$0x0] =	vst v11;
	v11 =	vmov s3  }
0xf4: {  	[tilespmem:v26+s19+$0x0] =	vst.idx.msk $0x1, v11  }
0xf5: {  	v11 =	vld [tilespmem:$0x18080]  }
0xf6: {  	v12 =	vld [tilespmem:$0x18090]  }
0xf7: {  	v28 =	vld [tilespmem:$0x180A0]  }
0xf8: {  	v29 =	vld [tilespmem:$0x180B0]  }
0xf9: {  	v30 =	vld [tilespmem:$0x180C0]  }
0xfa: {  	v31 =	vld [tilespmem:$0x180D0]  }
0xfb: {  	v33 =	vld [tilespmem:$0x180E0];
	v32 =	vmax.f32 v11, v12  }
0xfc: {  	v35 =	vld [tilespmem:$0x180F0];
	v34 =	vmax.f32 v32, v28  }
0xfd: {  	v36 =	vmax.f32 v34, v29  }
0xfe: {  	v37 =	vmax.f32 v36, v30  }
0xff: {  	v38 =	vmax.f32 v37, v31  }
0x100: {  	v39 =	vmax.f32 v38, v33  }
0x101: {  	v25 =	vmax.f32 v39, v35  }
0x102: {  	(xrf0) =	vmax.scan.msk.f32 $0xffff, v25;
	_ =	sdelay $0x1  }
0x103: {  	vm7 =	vgt.f32 v12, v11  }
0x104: {  	vm8 =	vgt.f32 v28, v32;
	v11 =	vsel vm7, v1, v5  }
0x105: {  	vm9 =	vgt.f32 v29, v34;
	v11 =	vsel vm8, v2, v11  }
0x106: {  	vm10 =	vgt.f32 v30, v36;
	v11 =	vsel vm9, v3, v11  }
0x107: {  	vm11 =	vgt.f32 v31, v37;
	v41 =	vsel vm10, v4, v11;
	v40, _, _ =	vpop (xrf0)  }
0x108: {  	vm12 =	vgt.f32 v33, v38;
	v13 =	vsel vm11, v6, v41;
	v11 =	vbroadcast v40, $0xF  }
0x109: {  	vm13 =	vgt.f32 v35, v39;
	v13 =	vsel vm12, v7, v13  }
0x10a: {  	v13 =	vsel vm13, v8, v13;
	vm14 =	veq.f32 v25, v11  }
0x10b: {  	v13 =	vnsel vm14, $0xFFFFFFFF, v13  }
0x10c: {  	(xrf0) =	vmin.scan.msk.u32 $0xffff, v13;
	_ =	sdelay $0x5  }
0x10d: {  	(v2sf) =	vpush v40, $0xF;
	v42, _, _ =	vpop (xrf0)  }
0x10e: {  	(v2sf) =	vpush v42, $0xF;
	_ =	sdelay $0xd  }
0x10f: {  	s2 =	spop (v2sf)  }
0x110: {  	s17 =	spop (v2sf)  }
0x111: {  	s21 =	sshll.u32 s17, $0x8  }
0x112: {  	v43 =	vld [tilespmem:s21+$0x8010];
	_ =	sdelay $0x2  }
0x113: {  	v44 =	vld [tilespmem:s21+$0x8000]  }
0x114: {  	s4 =	sor.u32 $0x10, s21  }
0x115: {  	v45 =	vor.u32 s4, v0;
	vm0 =	veq.f32 v43, v11  }
0x116: {  	v46 =	vor.u32 s21, v0;
	v47 =	vld [tilespmem:s21+$0x8020];
	v14 =	vnsel vm0, $0x7FFFFFFF, v45  }
0x117: {  	vm15 =	vlt.s32 v46, v14  }
0x118: {  	s4 =	sor.u32 $0x20, s21;
	vm9 =	veq.f32 v44, v11;
	v15 =	vsel vm15, v46, v14  }
0x119: {  	v49 =	vld [tilespmem:s21+$0x8030];
	v48 =	vor.u32 s4, v0;
	v14 =	vsel vm9, v15, v14  }
0x11a: {  	vm10 =	vlt.s32 v14, v48  }
0x11b: {  	s4 =	sor.u32 $0x30, s21;
	vm1 =	veq.f32 v47, v11;
	v15 =	vsel vm10, v14, v48  }
0x11c: {  	v51 =	vld [tilespmem:s21+$0x8040];
	v50 =	vor.u32 s4, v0;
	v14 =	vsel vm1, v15, v14  }
0x11d: {  	v53 =	vld [tilespmem:s21+$0x8050];
	vm11 =	vlt.s32 v14, v50  }
0x11e: {  	v55 =	vld [tilespmem:s21+$0x8060];
	s4 =	sor.u32 $0x40, s21;
	vm3 =	veq.f32 v49, v11;
	v15 =	vsel vm11, v14, v50  }
0x11f: {  	v32 =	vld [tilespmem:s21+$0x80B0];
	v52 =	vor.u32 s4, v0;
	v14 =	vsel vm3, v15, v14  }
0x120: {  	vm12 =	vlt.s32 v14, v52  }
0x121: {  	v57 =	vld [tilespmem:s21+$0x8070];
	s4 =	sor.u32 $0x50, s21;
	vm4 =	veq.f32 v51, v11;
	v15 =	vsel vm12, v14, v52  }
0x122: {  	v54 =	vor.u32 s4, v0;
	v14 =	vsel vm4, v15, v14  }
0x123: {  	vm14 =	veq.f32 v53, v11;
	s4 =	sor.u32 $0x60, s21;
	vm2 =	veq.f32 v55, v11;
	vm13 =	vlt.s32 v14, v54  }
0x124: {  	vm5 =	veq.f32 v32, v11;
	v56 =	vor.u32 s4, v0;
	v15 =	vsel vm13, v14, v54  }
0x125: {  	v12 =	vsel vm0, $0xFF800000, v43;
	v60 =	vsel vm9, $0x1, v9;
	v14 =	vsel vm14, v15, v14  }
0x126: {  	v61 =	vsel vm0, $0x1, v9;
	vm0 =	veq.f32 v57, v11;
	vm15 =	vlt.s32 v14, v56  }
0x127: {  	s4 =	sor.u32 $0x70, s21;
	v27 =	vsel vm1, $0x1, v9;
	v30 =	vsel vm3, $0x1, v9;
	v15 =	vsel vm15, v14, v56  }
0x128: {  	v59 =	vld [tilespmem:s21+$0x8080];
	v13 =	vmax.f32 v44, v12;
	v58 =	vor.u32 s4, v0;
	v14 =	vsel vm2, v15, v14  }
0x129: {  	v33 =	vsel vm4, $0x1, v9;
	v12 =	vsel vm9, v12, v13;
	vm9 =	vlt.s32 v14, v58  }
0x12a: {  	v36 =	vsel vm14, $0x1, v9;
	v42 =	vsel vm2, $0x1, v9;
	s4 =	sor.u32 $0x80, s21;
	v15 =	vsel vm9, v14, v58  }
0x12b: {  	v63 =	vld [tilespmem:s21+$0x8090];
	v62 =	vor.u32 s4, v0;
	v13 =	vadd.s32 v61, v60;
	v14 =	vsel vm0, v15, v14  }
0x12c: {  	v46 =	vsel vm0, $0x1, v9;
	v16 =	vmax.f32 v12, v47;
	vm10 =	vlt.s32 v14, v62  }
0x12d: {  	s4 =	sor.u32 $0x90, s21;
	v12 =	vsel vm1, v12, v16;
	vm1 =	veq.f32 v59, v11;
	v15 =	vsel vm10, v14, v62  }
0x12e: {  	v29 =	vld [tilespmem:s21+$0x80A0];
	v28 =	vor.u32 s4, v0;
	v13 =	vadd.s32 v27, v13;
	s4 =	sor.u32 $0xA0, s21;
	v14 =	vsel vm1, v15, v14  }
0x12f: {  	v31 =	vor.u32 s4, v0;
	v17 =	vmax.f32 v12, v49;
	vm11 =	vlt.s32 v14, v28  }
0x130: {  	s4 =	sor.u32 $0xB0, s21;
	v12 =	vsel vm3, v12, v17;
	vm3 =	veq.f32 v63, v11;
	v15 =	vsel vm11, v14, v28  }
0x131: {  	v13 =	vadd.s32 v30, v13;
	v34 =	vor.u32 s4, v0;
	v14 =	vsel vm3, v15, v14  }
0x132: {  	v13 =	vadd.s32 v33, v13;
	v17 =	vmax.f32 v12, v51;
	vm12 =	vlt.s32 v14, v31  }
0x133: {  	s4 =	sor.u32 $0xC0, s21;
	v12 =	vsel vm4, v12, v17;
	vm4 =	veq.f32 v29, v11;
	v15 =	vsel vm12, v14, v31  }
0x134: {  	v35 =	vld [tilespmem:s21+$0x80C0];
	v37 =	vor.u32 s4, v0;
	v13 =	vadd.s32 v36, v13;
	s4 =	sor.u32 $0xD0, s21;
	v14 =	vsel vm4, v15, v14  }
0x135: {  	v40 =	vor.u32 s4, v0;
	v17 =	vmax.f32 v12, v53;
	vm13 =	vlt.s32 v14, v34  }
0x136: {  	v13 =	vadd.s32 v42, v13;
	v12 =	vsel vm14, v12, v17;
	v15 =	vsel vm13, v14, v34  }
0x137: {  	v38 =	vld [tilespmem:s21+$0x80D0];
	s4 =	sor.u32 $0xE0, s21;
	v48 =	vsel vm1, $0x1, v9;
	v17 =	vmax.f32 v12, v55;
	v14 =	vsel vm5, v15, v14  }
0x138: {  	v44 =	vor.u32 s4, v0;
	v12 =	vsel vm2, v12, v17;
	vm14 =	vlt.s32 v14, v37  }
0x139: {  	v39 =	vmax.f32 v12, v57;
	vm15 =	veq.f32 v35, v11;
	v15 =	vsel vm14, v14, v37  }
0x13a: {  	v41 =	vld [tilespmem:s21+$0x80E0];
	s4 =	sor.u32 $0xF0, s21;
	v13 =	vadd.s32 v46, v13;
	v12 =	vsel vm0, v12, v39;
	v14 =	vsel vm15, v15, v14  }
0x13b: {  	v47 =	vor.u32 s4, v0;
	v43 =	vmax.f32 v12, v59;
	vm9 =	vlt.s32 v14, v40  }
0x13c: {  	v12 =	vsel vm1, v12, v43;
	vm10 =	veq.f32 v38, v11;
	v15 =	vsel vm9, v14, v40  }
0x13d: {  	v45 =	vld [tilespmem:s21+$0x80F0];
	v13 =	vadd.s32 v48, v13;
	v21 =	vmax.f32 v12, v63;
	v14 =	vsel vm10, v15, v14  }
0x13e: {  	v53 =	vsel vm5, $0x1, v9;
	v12 =	vsel vm3, v12, v21;
	vm11 =	vlt.s32 v14, v44  }
0x13f: {  	v21 =	vmax.f32 v12, v29;
	vm12 =	veq.f32 v41, v11;
	v15 =	vsel vm11, v14, v44  }
0x140: {  	v50 =	vsel vm3, $0x1, v9;
	v12 =	vsel vm4, v12, v21;
	v14 =	vsel vm12, v15, v14  }
0x141: {  	v13 =	vadd.s32 v50, v13;
	v49 =	vmax.f32 v12, v32;
	vm13 =	vlt.s32 v14, v47  }
0x142: {  	v12 =	vsel vm5, v12, v49;
	vm14 =	veq.f32 v45, v11;
	v15 =	vsel vm13, v14, v47  }
0x143: {  	v51 =	vsel vm4, $0x1, v9;
	v52 =	vmax.f32 v12, v35;
	v14 =	vsel vm14, v15, v14  }
0x144: {  	v13 =	vadd.s32 v51, v13;
	v12 =	vsel vm15, v12, v52;
	v14 =	vxor.u32 $0x80000000, v14  }
0x145: {  	v13 =	vadd.s32 v53, v13;
	v54 =	vsel vm15, $0x1, v9;
	v15 =	vmax.f32 v12, v38;
	(xrf0) =	vmin.scan.msk.u32 $0xffff, v14  }
0x146: {  	v13 =	vadd.s32 v54, v13;
	v55 =	vsel vm10, $0x1, v9;
	v12 =	vsel vm10, v12, v15  }
0x147: {  	v13 =	vadd.s32 v55, v13;
	v57 =	vsel vm12, $0x1, v9;
	v56 =	vmax.f32 v12, v41  }
0x148: {  	v13 =	vadd.s32 v57, v13;
	v58 =	vsel vm14, $0x1, v9;
	v12 =	vsel vm12, v12, v56  }
0x149: {  	v13 =	vadd.s32 v58, v13;
	v59 =	vmax.f32 v12, v45  }
0x14a: {  	(xrf0) =	vadd.scan.msk.s32 $0xffff, v13;
	v12 =	vsel vm14, v12, v59  }
0x14b: {  	v60, _, _ =	vpop (xrf0);
	(xrf0) =	vmax.scan.msk.f32 $0xffff, v12;
	_ =	sdelay $0x1  }
0x14c: {  	(v2sf) =	vpush v60, $0xF;
	_ =	sdelay $0x2  }
0x14d: {  	v61, _, _ =	vpop (xrf0)  }
0x14e: {  	(v2sf) =	vpush v61, $0xF;
	v62, _, _ =	vpop (xrf0)  }
0x14f: {  	(v2sf) =	vpush v62, $0xF;
	_ =	sdelay $0x9  }
0x150: {  	s3 =	spop (v2sf)  }
0x151: {  	s21 =	sxor.u32 $0x80000000, s3  }
0x152: {  	[tilespmem:v10+s26+$0x0] =	vst.idx.msk $0x1, v11;
	v11 =	vmov s21;
	s4 =	sand.u32 $0xFFFFFF80, s21;
	s21 =	sand.u32 $0x70, s3  }
0x153: {  	[tilespmem:v10+s28+$0x0] =	vst.idx.msk $0x1, v11;
	s4 =	sor.u32 s21, s4  }
0x154: {  	s3 =	sand.u32 $0xF, s3;
	s21 =	spop (v2sf);
	v10 =	vld [tilespmem:s4+$0x8000]  }
0x155: {  	s17 =	sxor.u32 $0x80000000, s17;
	v63 =	vmov s3;
	p0 =	sgt.s32 s21, $0x1;
	s3 =	spop (v2sf)  }
0x156: {  	v11 =	vmov s17;
	s3 =	smov.u32 @p0 s2;
	p0 =	sne.s32 s0, $0x3F  }
.Ltmp2:
0x157: {  	_ = 	snop;
	(pc) =	sbr.rel @p0 .LBB2_6-.Ltmp2, $4  }
0x158: {  	vm15 =	veq.s32 v63, v0  }
0x159: {  	v10 =	vsel vm15, $0xFF800000, v10  }
0x15a: {  	[tilespmem:s4+$0x8000] =	vst v10;
	v10 =	vmov s3  }
0x15b: {  	s0 =	sadd.s32 $0x1, s0;
	[tilespmem:v11+s23+$0x0] =	vst.idx.msk $0x1, v10  }
0x15c: {  	s0 =	simm.s32 $0x0  }
0x15d: {  	[hbm4b:s6+s0] =	stream.linear.scatter [tilespmem:s24], [sflag:$0x4], $0x80, $0x38;
	[tilespmem:$0x18300] =	vst v63  }
0x15e: {  	_ =	swait.ge [sflag:s29], $0x80  }
0x15f: {  	[sflag:s29] =	ssyncset.done $0x0  }
0x160: {  	[sflag:s29] =	ssyncadd.s32 $0xFFFFFF80  }
0x161: {  	[hbm4b:s7+s0] =	stream.linear.scatter [tilespmem:s25], [sflag:$0x4], $0x80, $0x38;
	[tilespmem:$0x18300] =	vst v63  }
0x162: {  	_ =	swait.ge [sflag:s29], $0x80  }
0x163: {  	[sflag:s29] =	ssyncset.done $0x0  }
0x164: {  	[sflag:s29] =	ssyncadd.s32 $0xFFFFFF80  }
0x165: {  	[hbm4b:s8+s0] =	stream.linear.scatter [tilespmem:s26], [sflag:$0x4], $0x80, $0x38;
	[tilespmem:$0x18300] =	vst v63  }
0x166: {  	_ =	swait.ge [sflag:s29], $0x80  }
0x167: {  	[sflag:s29] =	ssyncset.done $0x0  }
0x168: {  	[sflag:s29] =	ssyncadd.s32 $0xFFFFFF80  }
0x169: {  	[hbm4b:s9+s0] =	stream.linear.scatter [tilespmem:s28], [sflag:$0x4], $0x80, $0x38;
	[tilespmem:$0x18300] =	vst v63  }
0x16a: {  	_ =	swait.ge [sflag:s29], $0x80  }
0x16b: {  	[sflag:s29] =	ssyncset.done $0x0  }
0x16c: {  	[sflag:s29] =	ssyncadd.s32 $0xFFFFFF80  }
0x16d: {  	[tilespmem:s0], [sflag:$0x1] =	stream.strided.gather [hbm4b:s10+s20], $0x8000, s16, s20, $0x38;
	[tilespmem:$0x18300] =	vst v63  }
0x16e: {  	_ =	swait.ge [sflag:s30], $0x8000  }
0x16f: {  	[sflag:s30] =	ssyncset.done $0x0  }
0x170: {  	s2 =	simm.s32 $0x10080;
	[sflag:s30] =	ssyncadd.s32 $0xFFFF8000  }
0x171: {  	v10 =	vld [tilespmem:s2+$0xFFFFFF90]  }
0x172: {  	s17 =	simm.s32 $0x1;
	v11 =	vld [tilespmem:s2+$0xFFFFFF80]  }
.LBB2_8:
0x173: {  	p0 =	sne.s32 s17, $0x7F;
	v12 =	vld [tilespmem:s2+$0xFFFFFFA0]  }
0x174: {  	v13 =	vld [tilespmem:s2+$0xFFFFFFB0]  }
0x175: {  	v14 =	vld [tilespmem:s2+$0xFFFFFFC0]  }
0x176: {  	v15 =	vld [tilespmem:s2+$0xFFFFFFD0]  }
0x177: {  	v10 =	vmax.f32 v11, v10;
	v11 =	vld [tilespmem:s2+$0xFFFFFFE0]  }
0x178: {  	v10 =	vmax.f32 v10, v12;
	v12 =	vld [tilespmem:s2+$0xFFFFFFF0]  }
0x179: {  	v10 =	vmax.f32 v10, v13;
	v13 =	vld [tilespmem:s2+$0x0]  }
0x17a: {  	v10 =	vmax.f32 v10, v14;
	v14 =	vld [tilespmem:s2+$0x10]  }
0x17b: {  	v10 =	vmax.f32 v10, v15;
	v15 =	vld [tilespmem:s2+$0x20]  }
0x17c: {  	v10 =	vmax.f32 v10, v11;
	v11 =	vld [tilespmem:s2+$0x30]  }
0x17d: {  	v10 =	vmax.f32 v10, v12;
	v12 =	vld [tilespmem:s2+$0x40]  }
0x17e: {  	v10 =	vmax.f32 v10, v13;
	v13 =	vld [tilespmem:s2+$0x50]  }
0x17f: {  	v10 =	vmax.f32 v10, v14;
	v14 =	vld [tilespmem:s2+$0x60]  }
0x180: {  	v10 =	vmax.f32 v10, v15;
	v15 =	vld [tilespmem:s2+$0x70]  }
0x181: {  	v10 =	vmax.f32 v10, v11  }
0x182: {  	v10 =	vmax.f32 v10, v12  }
0x183: {  	v10 =	vmax.f32 v10, v13  }
0x184: {  	v10 =	vmax.f32 v10, v14  }
0x185: {  	v10 =	vmax.f32 v10, v15  }
0x186: {  	(xrf0) =	vmax.scan.msk.f32 $0xffff, v10;
	_ =	sdelay $0x3  }
0x187: {  	v10 =	vmov s0;
	s0 =	smov.u32 s17;
	_ =	sdelay $0x1  }
0x188: {  	v11, _, _ =	vpop (xrf0)  }
.Ltmp3:
0x189: {  	v11 =	vbroadcast v11, $0xF;
	(pc) =	sbr.rel @p0 .LBB2_8-.Ltmp3, $4  }
0x18a: {  	_ = 	snop  }
0x18b: {  	s2 =	sadd.s32 $0x100, s2;
	[tilespmem:v10+s19+$0x0] =	vst.idx.msk $0x1, v11  }
0x18c: {  	v10 =	vld [tilespmem:s2+$0xFFFFFF90]  }
0x18d: {  	s17 =	sadd.s32 $0x1, s17;
	v11 =	vld [tilespmem:s2+$0xFFFFFF80]  }
0x18e: {  	v12 =	vld [tilespmem:s2+$0xFFFFFFA0]  }
0x18f: {  	v13 =	vld [tilespmem:s2+$0xFFFFFFB0]  }
0x190: {  	v14 =	vld [tilespmem:s2+$0xFFFFFFC0]  }
0x191: {  	v15 =	vld [tilespmem:s2+$0xFFFFFFD0]  }
0x192: {  	v10 =	vmax.f32 v11, v10;
	v11 =	vld [tilespmem:s2+$0xFFFFFFE0]  }
0x193: {  	v56 =	vld [tilespmem:s2+$0xFFFFFFF0];
	v10 =	vmax.f32 v10, v12  }
0x194: {  	v57 =	vld [tilespmem:s2+$0x0];
	v10 =	vmax.f32 v10, v13  }
0x195: {  	v58 =	vld [tilespmem:s2+$0x10];
	v10 =	vmax.f32 v10, v14  }
0x196: {  	v59 =	vld [tilespmem:s2+$0x20];
	v10 =	vmax.f32 v10, v15  }
0x197: {  	v10 =	vmax.f32 v10, v11;
	v11 =	vld [tilespmem:s2+$0x30]  }
0x198: {  	v60 =	vld [tilespmem:s2+$0x40];
	v10 =	vmax.f32 v10, v56  }
0x199: {  	v61 =	vld [tilespmem:s2+$0x50];
	v10 =	vmax.f32 v10, v57  }
0x19a: {  	v62 =	vld [tilespmem:s2+$0x60];
	v10 =	vmax.f32 v10, v58  }
0x19b: {  	v63 =	vld [tilespmem:s2+$0x70];
	v10 =	vmax.f32 v10, v59  }
0x19c: {  	v10 =	vmax.f32 v10, v11  }
0x19d: {  	v10 =	vmax.f32 v10, v60  }
0x19e: {  	v10 =	vmax.f32 v10, v61  }
0x19f: {  	v10 =	vmax.f32 v10, v62  }
0x1a0: {  	v10 =	vmax.f32 v10, v63  }
0x1a1: {  	(xrf0) =	vmax.scan.msk.f32 $0xffff, v10;
	_ =	sdelay $0x3  }
0x1a2: {  	v10 =	vmov s0;
	_ =	sdelay $0x1  }
0x1a3: {  	v11, _, _ =	vpop (xrf0)  }
0x1a4: {  	v11 =	vbroadcast v11, $0xF;
	_ =	sdelay $0x1  }
0x1a5: {  	[tilespmem:v10+s19+$0x0] =	vst.idx.msk $0x1, v11  }
0x1a6: {  	_ =	swait.ge [sflag:s18], $0x8000  }
0x1a7: {  	[sflag:s18] =	ssyncset.done $0x0  }
0x1a8: {  	s17 =	simm.s32 $0x80;
	[sflag:s18] =	ssyncadd.s32 $0xFFFF8000  }
0x1a9: {  	v10 =	vld [tilespmem:s17+$0xFFFFFF90]  }
0x1aa: {  	s21 =	simm.s32 $0x1;
	s2 =	simm.s32 $0x0;
	s0 =	simm.s32 $0x0;
	v11 =	vld [tilespmem:s17+$0xFFFFFF80]  }
.LBB2_10:
0x1ab: {  	p0 =	sne.s32 s21, $0x7F;
	v12 =	vld [tilespmem:s17+$0xFFFFFFA0]  }
0x1ac: {  	v13 =	vld [tilespmem:s17+$0xFFFFFFB0]  }
0x1ad: {  	v14 =	vld [tilespmem:s17+$0xFFFFFFC0]  }
0x1ae: {  	v15 =	vld [tilespmem:s17+$0xFFFFFFD0]  }
0x1af: {  	v10 =	vmax.f32 v11, v10;
	v11 =	vld [tilespmem:s17+$0xFFFFFFE0]  }
0x1b0: {  	v10 =	vmax.f32 v10, v12;
	v12 =	vld [tilespmem:s17+$0xFFFFFFF0]  }
0x1b1: {  	v10 =	vmax.f32 v10, v13;
	v13 =	vld [tilespmem:s17+$0x0]  }
0x1b2: {  	v10 =	vmax.f32 v10, v14;
	v14 =	vld [tilespmem:s17+$0x10]  }
0x1b3: {  	v10 =	vmax.f32 v10, v15;
	v15 =	vld [tilespmem:s17+$0x20]  }
0x1b4: {  	v10 =	vmax.f32 v10, v11;
	v11 =	vld [tilespmem:s17+$0x30]  }
0x1b5: {  	v10 =	vmax.f32 v10, v12;
	v12 =	vld [tilespmem:s17+$0x40]  }
0x1b6: {  	v10 =	vmax.f32 v10, v13;
	v13 =	vld [tilespmem:s17+$0x50]  }
0x1b7: {  	v10 =	vmax.f32 v10, v14;
	v14 =	vld [tilespmem:s17+$0x60]  }
0x1b8: {  	v10 =	vmax.f32 v10, v15;
	v15 =	vld [tilespmem:s17+$0x70]  }
0x1b9: {  	v10 =	vmax.f32 v10, v11  }
0x1ba: {  	v10 =	vmax.f32 v10, v12  }
0x1bb: {  	v10 =	vmax.f32 v10, v13  }
0x1bc: {  	v10 =	vmax.f32 v10, v14  }
0x1bd: {  	v10 =	vmax.f32 v10, v15  }
0x1be: {  	(xrf0) =	vmax.scan.msk.f32 $0xffff, v10;
	_ =	sdelay $0x3  }
0x1bf: {  	v10 =	vmov s2;
	s2 =	smov.u32 s21;
	_ =	sdelay $0x1  }
0x1c0: {  	v11, _, _ =	vpop (xrf0)  }
.Ltmp4:
0x1c1: {  	v11 =	vbroadcast v11, $0xF;
	(pc) =	sbr.rel @p0 .LBB2_10-.Ltmp4, $4  }
0x1c2: {  	_ = 	snop  }
0x1c3: {  	s17 =	sadd.s32 $0x100, s17;
	[tilespmem:v10+s23+$0x0] =	vst.idx.msk $0x1, v11  }
0x1c4: {  	v10 =	vld [tilespmem:s17+$0xFFFFFF90]  }
0x1c5: {  	s21 =	sadd.s32 $0x1, s21;
	v11 =	vld [tilespmem:s17+$0xFFFFFF80]  }
0x1c6: {  	v12 =	vld [tilespmem:s17+$0xFFFFFFA0]  }
0x1c7: {  	v13 =	vld [tilespmem:s17+$0xFFFFFFB0]  }
0x1c8: {  	v14 =	vld [tilespmem:s17+$0xFFFFFFC0]  }
0x1c9: {  	v15 =	vld [tilespmem:s17+$0xFFFFFFD0]  }
0x1ca: {  	v10 =	vmax.f32 v11, v10;
	v11 =	vld [tilespmem:s17+$0xFFFFFFE0]  }
0x1cb: {  	v56 =	vld [tilespmem:s17+$0xFFFFFFF0];
	v10 =	vmax.f32 v10, v12  }
0x1cc: {  	v57 =	vld [tilespmem:s17+$0x0];
	v10 =	vmax.f32 v10, v13  }
0x1cd: {  	v58 =	vld [tilespmem:s17+$0x10];
	v10 =	vmax.f32 v10, v14  }
0x1ce: {  	v59 =	vld [tilespmem:s17+$0x20];
	v10 =	vmax.f32 v10, v15  }
0x1cf: {  	v10 =	vmax.f32 v10, v11;
	v11 =	vld [tilespmem:s17+$0x30]  }
0x1d0: {  	v60 =	vld [tilespmem:s17+$0x40];
	v10 =	vmax.f32 v10, v56  }
0x1d1: {  	v61 =	vld [tilespmem:s17+$0x50];
	v10 =	vmax.f32 v10, v57  }
0x1d2: {  	v62 =	vld [tilespmem:s17+$0x60];
	v10 =	vmax.f32 v10, v58  }
0x1d3: {  	v63 =	vld [tilespmem:s17+$0x70];
	v10 =	vmax.f32 v10, v59  }
0x1d4: {  	v10 =	vmax.f32 v10, v11  }
0x1d5: {  	v10 =	vmax.f32 v10, v60  }
0x1d6: {  	v10 =	vmax.f32 v10, v61  }
0x1d7: {  	v10 =	vmax.f32 v10, v62  }
0x1d8: {  	v10 =	vmax.f32 v10, v63  }
0x1d9: {  	(xrf0) =	vmax.scan.msk.f32 $0xffff, v10;
	_ =	sdelay $0x3  }
0x1da: {  	v10 =	vmov s2;
	_ =	sdelay $0x1  }
0x1db: {  	v11, _, _ =	vpop (xrf0)  }
0x1dc: {  	v11 =	vbroadcast v11, $0xF;
	_ =	sdelay $0x1  }
0x1dd: {  	[tilespmem:v10+s23+$0x0] =	vst.idx.msk $0x1, v11  }
.LBB2_12:
0x1de: {  	v10 =	vld [tilespmem:$0x18000]  }
0x1df: {  	v11 =	vld [tilespmem:$0x18010]  }
0x1e0: {  	v12 =	vld [tilespmem:$0x18020]  }
0x1e1: {  	v13 =	vld [tilespmem:$0x18030]  }
0x1e2: {  	v14 =	vld [tilespmem:$0x18040]  }
0x1e3: {  	v15 =	vld [tilespmem:$0x18050]  }
0x1e4: {  	v17 =	vld [tilespmem:$0x18060];
	v16 =	vmax.f32 v10, v11  }
0x1e5: {  	v19 =	vld [tilespmem:$0x18070];
	v18 =	vmax.f32 v16, v12  }
0x1e6: {  	v20 =	vmax.f32 v18, v13  }
0x1e7: {  	v21 =	vmax.f32 v20, v14  }
0x1e8: {  	v22 =	vmax.f32 v21, v15  }
0x1e9: {  	v23 =	vmax.f32 v22, v17  }
0x1ea: {  	v24 =	vmax.f32 v23, v19  }
0x1eb: {  	(xrf0) =	vmax.scan.msk.f32 $0xffff, v24;
	_ =	sdelay $0x1  }
0x1ec: {  	vm0 =	vgt.f32 v11, v10  }
0x1ed: {  	vm1 =	vgt.f32 v12, v16;
	v10 =	vsel vm0, v1, v5  }
0x1ee: {  	vm5 =	vgt.f32 v13, v18;
	v10 =	vsel vm1, v2, v10  }
0x1ef: {  	vm6 =	vgt.f32 v14, v20;
	v10 =	vsel vm5, v3, v10  }
0x1f0: {  	vm7 =	vgt.f32 v15, v21;
	v10 =	vsel vm6, v4, v10;
	v59, _, _ =	vpop (xrf0)  }
0x1f1: {  	vm8 =	vgt.f32 v17, v22;
	v10 =	vsel vm7, v6, v10;
	v11 =	vbroadcast v59, $0xF  }
0x1f2: {  	vm9 =	vgt.f32 v19, v23;
	v10 =	vsel vm8, v7, v10  }
0x1f3: {  	v10 =	vsel vm9, v8, v10;
	vm10 =	veq.f32 v24, v11  }
0x1f4: {  	v10 =	vnsel vm10, $0xFFFFFFFF, v10  }
0x1f5: {  	(xrf0) =	vmin.scan.msk.u32 $0xffff, v10;
	_ =	sdelay $0x5  }
0x1f6: {  	(v2sf) =	vpush v59, $0xF;
	v10, _, _ =	vpop (xrf0)  }
0x1f7: {  	(v2sf) =	vpush v10, $0xF;
	_ =	sdelay $0xd  }
0x1f8: {  	s2 =	spop (v2sf)  }
0x1f9: {  	s17 =	spop (v2sf)  }
0x1fa: {  	s21 =	sshll.u32 s17, $0x8  }
0x1fb: {  	v10 =	vld [tilespmem:s21+$0x10010];
	_ =	sdelay $0x2  }
0x1fc: {  	v60 =	vld [tilespmem:s21+$0x10000]  }
0x1fd: {  	s3 =	sor.u32 $0x10, s21  }
0x1fe: {  	v61 =	vor.u32 s3, v0;
	vm11 =	veq.f32 v10, v11  }
0x1ff: {  	v62 =	vor.u32 s21, v0;
	v63 =	vld [tilespmem:s21+$0x10020];
	v13 =	vnsel vm11, $0x7FFFFFFF, v61  }
0x200: {  	vm12 =	vlt.s32 v62, v13  }
0x201: {  	s4 =	sor.u32 $0x20, s21;
	vm3 =	veq.f32 v60, v11;
	v14 =	vsel vm12, v62, v13  }
0x202: {  	v24 =	vld [tilespmem:s21+$0x10030];
	v23 =	vor.u32 s4, v0;
	v13 =	vsel vm3, v14, v13  }
0x203: {  	vm13 =	vlt.s32 v13, v23  }
0x204: {  	s4 =	sor.u32 $0x30, s21;
	vm6 =	veq.f32 v63, v11;
	v14 =	vsel vm13, v13, v23  }
0x205: {  	v26 =	vld [tilespmem:s21+$0x10040];
	v25 =	vor.u32 s4, v0;
	v13 =	vsel vm6, v14, v13  }
0x206: {  	vm2 =	vlt.s32 v13, v25  }
0x207: {  	s4 =	sor.u32 $0x40, s21;
	vm14 =	veq.f32 v24, v11;
	v14 =	vsel vm2, v13, v25  }
0x208: {  	v28 =	vld [tilespmem:s21+$0x10050];
	v27 =	vor.u32 s4, v0;
	v13 =	vsel vm14, v14, v13  }
0x209: {  	vm15 =	vlt.s32 v13, v27  }
0x20a: {  	v30 =	vld [tilespmem:s21+$0x10060];
	s4 =	sor.u32 $0x50, s21;
	vm4 =	veq.f32 v26, v11;
	v14 =	vsel vm15, v13, v27  }
0x20b: {  	v34 =	vld [tilespmem:s21+$0x10080];
	v29 =	vor.u32 s4, v0;
	v13 =	vsel vm4, v14, v13  }
0x20c: {  	vm8 =	vlt.s32 v13, v29  }
0x20d: {  	s4 =	sor.u32 $0x60, s21;
	vm5 =	veq.f32 v28, v11;
	v14 =	vsel vm8, v13, v29  }
0x20e: {  	v32 =	vld [tilespmem:s21+$0x10070];
	v31 =	vor.u32 s4, v0;
	v13 =	vsel vm5, v14, v13  }
0x20f: {  	v38 =	vld [tilespmem:s21+$0x10090];
	vm7 =	vlt.s32 v13, v31  }
0x210: {  	vm9 =	veq.f32 v30, v11;
	s4 =	sor.u32 $0x70, s21;
	vm0 =	veq.f32 v34, v11;
	v14 =	vsel vm7, v13, v31  }
0x211: {  	v10 =	vsel vm11, $0xFF800000, v10;
	v33 =	vor.u32 s4, v0;
	v13 =	vsel vm9, v14, v13  }
0x212: {  	v35 =	vsel vm3, $0x1, v9;
	v12 =	vmax.f32 v60, v10;
	vm10 =	vlt.s32 v13, v33  }
0x213: {  	s4 =	sor.u32 $0x80, s21;
	v10 =	vsel vm3, v10, v12;
	vm3 =	veq.f32 v32, v11;
	v14 =	vsel vm10, v13, v33  }
0x214: {  	vm1 =	veq.f32 v38, v11;
	v37 =	vor.u32 s4, v0;
	v13 =	vsel vm3, v14, v13  }
0x215: {  	v36 =	vsel vm11, $0x1, v9;
	v39 =	vsel vm6, $0x1, v9;
	vm11 =	vlt.s32 v13, v37  }
0x216: {  	v42 =	vsel vm14, $0x1, v9;
	v45 =	vsel vm4, $0x1, v9;
	s4 =	sor.u32 $0x90, s21;
	v14 =	vsel vm11, v13, v37  }
0x217: {  	v41 =	vld [tilespmem:s21+$0x100A0];
	v40 =	vor.u32 s4, v0;
	v15 =	vmax.f32 v10, v63;
	v13 =	vsel vm0, v14, v13  }
0x218: {  	v48 =	vsel vm5, $0x1, v9;
	v10 =	vsel vm6, v10, v15;
	vm12 =	vlt.s32 v13, v40  }
0x219: {  	v51 =	vsel vm9, $0x1, v9;
	s4 =	sor.u32 $0xA0, s21;
	v16 =	vmax.f32 v10, v24;
	v14 =	vsel vm12, v13, v40  }
0x21a: {  	v44 =	vld [tilespmem:s21+$0x100B0];
	v43 =	vor.u32 s4, v0;
	v10 =	vsel vm14, v10, v16;
	v13 =	vsel vm1, v14, v13  }
0x21b: {  	v59 =	vsel vm0, $0x1, v9;
	v16 =	vmax.f32 v10, v26;
	vm13 =	vlt.s32 v13, v43  }
0x21c: {  	s4 =	sor.u32 $0xB0, s21;
	v10 =	vsel vm4, v10, v16;
	vm4 =	veq.f32 v41, v11;
	v14 =	vsel vm13, v13, v43  }
0x21d: {  	v47 =	vld [tilespmem:s21+$0x100C0];
	v12 =	vadd.s32 v36, v35;
	v46 =	vor.u32 s4, v0;
	v13 =	vsel vm4, v14, v13  }
0x21e: {  	v62 =	vsel vm1, $0x1, v9;
	v16 =	vmax.f32 v10, v28;
	vm14 =	vlt.s32 v13, v46  }
0x21f: {  	s4 =	sor.u32 $0xC0, s21;
	v10 =	vsel vm5, v10, v16;
	vm5 =	veq.f32 v44, v11;
	v14 =	vsel vm14, v13, v46  }
0x220: {  	v50 =	vld [tilespmem:s21+$0x100D0];
	v12 =	vadd.s32 v39, v12;
	v49 =	vor.u32 s4, v0;
	v13 =	vsel vm5, v14, v13  }
0x221: {  	v12 =	vadd.s32 v42, v12;
	v16 =	vmax.f32 v10, v30;
	vm15 =	vlt.s32 v13, v49  }
0x222: {  	s4 =	sor.u32 $0xD0, s21;
	v10 =	vsel vm9, v10, v16;
	vm9 =	veq.f32 v47, v11;
	v14 =	vsel vm15, v13, v49  }
0x223: {  	v53 =	vld [tilespmem:s21+$0x100E0];
	v54 =	vsel vm3, $0x1, v9;
	v52 =	vor.u32 s4, v0;
	v13 =	vsel vm9, v14, v13  }
0x224: {  	v12 =	vadd.s32 v45, v12;
	v16 =	vmax.f32 v10, v32;
	vm10 =	vlt.s32 v13, v52  }
0x225: {  	s4 =	sor.u32 $0xE0, s21;
	v10 =	vsel vm3, v10, v16;
	vm11 =	veq.f32 v50, v11;
	v14 =	vsel vm10, v13, v52  }
0x226: {  	v56 =	vld [tilespmem:s21+$0x100F0];
	v55 =	vor.u32 s4, v0;
	v16 =	vmax.f32 v10, v34;
	v13 =	vsel vm11, v14, v13  }
0x227: {  	v12 =	vadd.s32 v48, v12;
	v10 =	vsel vm0, v10, v16;
	vm12 =	vlt.s32 v13, v55  }
0x228: {  	s4 =	sor.u32 $0xF0, s21;
	v57 =	vmax.f32 v10, v38;
	vm13 =	veq.f32 v53, v11;
	v14 =	vsel vm12, v13, v55  }
0x229: {  	v58 =	vor.u32 s4, v0;
	v10 =	vsel vm1, v10, v57;
	v13 =	vsel vm13, v14, v13  }
0x22a: {  	v12 =	vadd.s32 v51, v12;
	v60 =	vmax.f32 v10, v41;
	vm14 =	vlt.s32 v13, v58  }
0x22b: {  	v10 =	vsel vm4, v10, v60;
	vm15 =	veq.f32 v56, v11;
	v14 =	vsel vm14, v13, v58  }
0x22c: {  	v12 =	vadd.s32 v54, v12;
	v61 =	vmax.f32 v10, v44;
	v13 =	vsel vm15, v14, v13  }
0x22d: {  	v12 =	vadd.s32 v59, v12;
	v10 =	vsel vm5, v10, v61;
	v13 =	vxor.u32 $0x80000000, v13  }
0x22e: {  	v12 =	vadd.s32 v62, v12;
	v63 =	vsel vm4, $0x1, v9;
	v15 =	vmax.f32 v10, v47;
	(xrf0) =	vmin.scan.msk.u32 $0xffff, v13  }
0x22f: {  	v12 =	vadd.s32 v63, v12;
	v16 =	vsel vm5, $0x1, v9;
	v10 =	vsel vm9, v10, v15  }
0x230: {  	v12 =	vadd.s32 v16, v12;
	v17 =	vsel vm9, $0x1, v9;
	v18 =	vmax.f32 v10, v50  }
0x231: {  	v12 =	vadd.s32 v17, v12;
	v19 =	vsel vm11, $0x1, v9;
	v10 =	vsel vm11, v10, v18  }
0x232: {  	v12 =	vadd.s32 v19, v12;
	v20 =	vmax.f32 v10, v53;
	v22 =	vsel vm13, $0x1, v9  }
0x233: {  	v10 =	vsel vm13, v10, v20;
	v12 =	vadd.s32 v22, v12;
	v23 =	vsel vm15, $0x1, v9  }
0x234: {  	v24 =	vmax.f32 v10, v56;
	v12 =	vadd.s32 v23, v12;
	v25, _, _ =	vpop (xrf0)  }
0x235: {  	v10 =	vsel vm15, v10, v24;
	(xrf0) =	vadd.scan.msk.s32 $0xffff, v12;
	(v2sf) =	vpush v25, $0xF  }
0x236: {  	(xrf0) =	vmax.scan.msk.f32 $0xffff, v10;
	_ =	sdelay $0x4  }
0x237: {  	v10, _, _ =	vpop (xrf0)  }
0x238: {  	(v2sf) =	vpush v10, $0xF;
	v10, _, _ =	vpop (xrf0)  }
0x239: {  	(v2sf) =	vpush v10, $0xF;
	_ =	sdelay $0x3  }
0x23a: {  	v10 =	vmov s0;
	_ =	sdelay $0x2  }
0x23b: {  	s3 =	spop (v2sf)  }
0x23c: {  	s4 =	sxor.u32 $0x80000000, s3  }
0x23d: {  	[tilespmem:v10+s24+$0x0] =	vst.idx.msk $0x1, v11;
	s21 =	sand.u32 $0x70, s3;
	v11 =	vmov s4;
	s4 =	sand.u32 $0xFFFFFF80, s4  }
0x23e: {  	[tilespmem:v10+s25+$0x0] =	vst.idx.msk $0x1, v11;
	s4 =	sor.u32 s21, s4  }
0x23f: {  	v11 =	vld [tilespmem:s4+$0x10000]  }
0x240: {  	s17 =	sxor.u32 $0x80000000, s17  }
0x241: {  	v26 =	vmov s17;
	s3 =	sand.u32 $0xF, s3  }
0x242: {  	v27 =	vmov s3;
	s21 =	spop (v2sf)  }
0x243: {  	vm6 =	veq.s32 v27, v0;
	p0 =	sgt.s32 s21, $0x1;
	s3 =	spop (v2sf)  }
0x244: {  	s3 =	smov.u32 @p0 s2;
	v11 =	vsel vm6, $0xFF800000, v11  }
0x245: {  	[tilespmem:s4+$0x10000] =	vst v11;
	v11 =	vmov s3  }
0x246: {  	[tilespmem:v26+s19+$0x0] =	vst.idx.msk $0x1, v11  }
0x247: {  	v11 =	vld [tilespmem:$0x18080]  }
0x248: {  	v12 =	vld [tilespmem:$0x18090]  }
0x249: {  	v28 =	vld [tilespmem:$0x180A0]  }
0x24a: {  	v29 =	vld [tilespmem:$0x180B0]  }
0x24b: {  	v30 =	vld [tilespmem:$0x180C0]  }
0x24c: {  	v31 =	vld [tilespmem:$0x180D0]  }
0x24d: {  	v33 =	vld [tilespmem:$0x180E0];
	v32 =	vmax.f32 v11, v12  }
0x24e: {  	v35 =	vld [tilespmem:$0x180F0];
	v34 =	vmax.f32 v32, v28  }
0x24f: {  	v36 =	vmax.f32 v34, v29  }
0x250: {  	v37 =	vmax.f32 v36, v30  }
0x251: {  	v38 =	vmax.f32 v37, v31  }
0x252: {  	v39 =	vmax.f32 v38, v33  }
0x253: {  	v25 =	vmax.f32 v39, v35  }
0x254: {  	(xrf0) =	vmax.scan.msk.f32 $0xffff, v25;
	_ =	sdelay $0x1  }
0x255: {  	vm7 =	vgt.f32 v12, v11  }
0x256: {  	vm8 =	vgt.f32 v28, v32;
	v11 =	vsel vm7, v1, v5  }
0x257: {  	vm9 =	vgt.f32 v29, v34;
	v11 =	vsel vm8, v2, v11  }
0x258: {  	vm10 =	vgt.f32 v30, v36;
	v11 =	vsel vm9, v3, v11  }
0x259: {  	vm11 =	vgt.f32 v31, v37;
	v41 =	vsel vm10, v4, v11;
	v40, _, _ =	vpop (xrf0)  }
0x25a: {  	vm12 =	vgt.f32 v33, v38;
	v13 =	vsel vm11, v6, v41;
	v11 =	vbroadcast v40, $0xF  }
0x25b: {  	vm13 =	vgt.f32 v35, v39;
	v13 =	vsel vm12, v7, v13  }
0x25c: {  	v13 =	vsel vm13, v8, v13;
	vm14 =	veq.f32 v25, v11  }
0x25d: {  	v13 =	vnsel vm14, $0xFFFFFFFF, v13  }
0x25e: {  	(xrf0) =	vmin.scan.msk.u32 $0xffff, v13;
	_ =	sdelay $0x5  }
0x25f: {  	(v2sf) =	vpush v40, $0xF;
	v42, _, _ =	vpop (xrf0)  }
0x260: {  	(v2sf) =	vpush v42, $0xF;
	_ =	sdelay $0xd  }
0x261: {  	s2 =	spop (v2sf)  }
0x262: {  	s17 =	spop (v2sf)  }
0x263: {  	s21 =	sshll.u32 s17, $0x8  }
0x264: {  	v43 =	vld [tilespmem:s21+$0x10];
	_ =	sdelay $0x2  }
0x265: {  	v44 =	vld [tilespmem:s21+$0x0]  }
0x266: {  	s4 =	sor.u32 $0x10, s21  }
0x267: {  	v45 =	vor.u32 s4, v0;
	vm0 =	veq.f32 v43, v11  }
0x268: {  	v46 =	vor.u32 s21, v0;
	v47 =	vld [tilespmem:s21+$0x20];
	v14 =	vnsel vm0, $0x7FFFFFFF, v45  }
0x269: {  	vm15 =	vlt.s32 v46, v14  }
0x26a: {  	s4 =	sor.u32 $0x20, s21;
	vm9 =	veq.f32 v44, v11;
	v15 =	vsel vm15, v46, v14  }
0x26b: {  	v49 =	vld [tilespmem:s21+$0x30];
	v48 =	vor.u32 s4, v0;
	v14 =	vsel vm9, v15, v14  }
0x26c: {  	vm10 =	vlt.s32 v14, v48  }
0x26d: {  	s4 =	sor.u32 $0x30, s21;
	vm1 =	veq.f32 v47, v11;
	v15 =	vsel vm10, v14, v48  }
0x26e: {  	v51 =	vld [tilespmem:s21+$0x40];
	v50 =	vor.u32 s4, v0;
	v14 =	vsel vm1, v15, v14  }
0x26f: {  	v53 =	vld [tilespmem:s21+$0x50];
	vm11 =	vlt.s32 v14, v50  }
0x270: {  	v55 =	vld [tilespmem:s21+$0x60];
	s4 =	sor.u32 $0x40, s21;
	vm3 =	veq.f32 v49, v11;
	v15 =	vsel vm11, v14, v50  }
0x271: {  	v32 =	vld [tilespmem:s21+$0xB0];
	v52 =	vor.u32 s4, v0;
	v14 =	vsel vm3, v15, v14  }
0x272: {  	vm12 =	vlt.s32 v14, v52  }
0x273: {  	v57 =	vld [tilespmem:s21+$0x70];
	s4 =	sor.u32 $0x50, s21;
	vm4 =	veq.f32 v51, v11;
	v15 =	vsel vm12, v14, v52  }
0x274: {  	v54 =	vor.u32 s4, v0;
	v14 =	vsel vm4, v15, v14  }
0x275: {  	vm14 =	veq.f32 v53, v11;
	s4 =	sor.u32 $0x60, s21;
	vm2 =	veq.f32 v55, v11;
	vm13 =	vlt.s32 v14, v54  }
0x276: {  	vm5 =	veq.f32 v32, v11;
	v56 =	vor.u32 s4, v0;
	v15 =	vsel vm13, v14, v54  }
0x277: {  	v12 =	vsel vm0, $0xFF800000, v43;
	v60 =	vsel vm9, $0x1, v9;
	v14 =	vsel vm14, v15, v14  }
0x278: {  	v61 =	vsel vm0, $0x1, v9;
	vm0 =	veq.f32 v57, v11;
	vm15 =	vlt.s32 v14, v56  }
0x279: {  	s4 =	sor.u32 $0x70, s21;
	v27 =	vsel vm1, $0x1, v9;
	v30 =	vsel vm3, $0x1, v9;
	v15 =	vsel vm15, v14, v56  }
0x27a: {  	v59 =	vld [tilespmem:s21+$0x80];
	v13 =	vmax.f32 v44, v12;
	v58 =	vor.u32 s4, v0;
	v14 =	vsel vm2, v15, v14  }
0x27b: {  	v33 =	vsel vm4, $0x1, v9;
	v12 =	vsel vm9, v12, v13;
	vm9 =	vlt.s32 v14, v58  }
0x27c: {  	v36 =	vsel vm14, $0x1, v9;
	v42 =	vsel vm2, $0x1, v9;
	s4 =	sor.u32 $0x80, s21;
	v15 =	vsel vm9, v14, v58  }
0x27d: {  	v63 =	vld [tilespmem:s21+$0x90];
	v62 =	vor.u32 s4, v0;
	v13 =	vadd.s32 v61, v60;
	v14 =	vsel vm0, v15, v14  }
0x27e: {  	v46 =	vsel vm0, $0x1, v9;
	v16 =	vmax.f32 v12, v47;
	vm10 =	vlt.s32 v14, v62  }
0x27f: {  	s4 =	sor.u32 $0x90, s21;
	v12 =	vsel vm1, v12, v16;
	vm1 =	veq.f32 v59, v11;
	v15 =	vsel vm10, v14, v62  }
0x280: {  	v29 =	vld [tilespmem:s21+$0xA0];
	v28 =	vor.u32 s4, v0;
	v13 =	vadd.s32 v27, v13;
	s4 =	sor.u32 $0xA0, s21;
	v14 =	vsel vm1, v15, v14  }
0x281: {  	v31 =	vor.u32 s4, v0;
	v17 =	vmax.f32 v12, v49;
	vm11 =	vlt.s32 v14, v28  }
0x282: {  	s4 =	sor.u32 $0xB0, s21;
	v12 =	vsel vm3, v12, v17;
	vm3 =	veq.f32 v63, v11;
	v15 =	vsel vm11, v14, v28  }
0x283: {  	v13 =	vadd.s32 v30, v13;
	v34 =	vor.u32 s4, v0;
	v14 =	vsel vm3, v15, v14  }
0x284: {  	v13 =	vadd.s32 v33, v13;
	v17 =	vmax.f32 v12, v51;
	vm12 =	vlt.s32 v14, v31  }
0x285: {  	s4 =	sor.u32 $0xC0, s21;
	v12 =	vsel vm4, v12, v17;
	vm4 =	veq.f32 v29, v11;
	v15 =	vsel vm12, v14, v31  }
0x286: {  	v35 =	vld [tilespmem:s21+$0xC0];
	v37 =	vor.u32 s4, v0;
	v13 =	vadd.s32 v36, v13;
	s4 =	sor.u32 $0xD0, s21;
	v14 =	vsel vm4, v15, v14  }
0x287: {  	v40 =	vor.u32 s4, v0;
	v17 =	vmax.f32 v12, v53;
	vm13 =	vlt.s32 v14, v34  }
0x288: {  	v13 =	vadd.s32 v42, v13;
	v12 =	vsel vm14, v12, v17;
	v15 =	vsel vm13, v14, v34  }
0x289: {  	v38 =	vld [tilespmem:s21+$0xD0];
	s4 =	sor.u32 $0xE0, s21;
	v48 =	vsel vm1, $0x1, v9;
	v17 =	vmax.f32 v12, v55;
	v14 =	vsel vm5, v15, v14  }
0x28a: {  	v44 =	vor.u32 s4, v0;
	v12 =	vsel vm2, v12, v17;
	vm14 =	vlt.s32 v14, v37  }
0x28b: {  	v39 =	vmax.f32 v12, v57;
	vm15 =	veq.f32 v35, v11;
	v15 =	vsel vm14, v14, v37  }
0x28c: {  	v41 =	vld [tilespmem:s21+$0xE0];
	s4 =	sor.u32 $0xF0, s21;
	v13 =	vadd.s32 v46, v13;
	v12 =	vsel vm0, v12, v39;
	v14 =	vsel vm15, v15, v14  }
0x28d: {  	v47 =	vor.u32 s4, v0;
	v43 =	vmax.f32 v12, v59;
	vm9 =	vlt.s32 v14, v40  }
0x28e: {  	v12 =	vsel vm1, v12, v43;
	vm10 =	veq.f32 v38, v11;
	v15 =	vsel vm9, v14, v40  }
0x28f: {  	v45 =	vld [tilespmem:s21+$0xF0];
	v13 =	vadd.s32 v48, v13;
	v21 =	vmax.f32 v12, v63;
	v14 =	vsel vm10, v15, v14  }
0x290: {  	v53 =	vsel vm5, $0x1, v9;
	v12 =	vsel vm3, v12, v21;
	vm11 =	vlt.s32 v14, v44  }
0x291: {  	v21 =	vmax.f32 v12, v29;
	vm12 =	veq.f32 v41, v11;
	v15 =	vsel vm11, v14, v44  }
0x292: {  	v50 =	vsel vm3, $0x1, v9;
	v12 =	vsel vm4, v12, v21;
	v14 =	vsel vm12, v15, v14  }
0x293: {  	v13 =	vadd.s32 v50, v13;
	v49 =	vmax.f32 v12, v32;
	vm13 =	vlt.s32 v14, v47  }
0x294: {  	v12 =	vsel vm5, v12, v49;
	vm14 =	veq.f32 v45, v11;
	v15 =	vsel vm13, v14, v47  }
0x295: {  	v51 =	vsel vm4, $0x1, v9;
	v52 =	vmax.f32 v12, v35;
	v14 =	vsel vm14, v15, v14  }
0x296: {  	v13 =	vadd.s32 v51, v13;
	v12 =	vsel vm15, v12, v52;
	v14 =	vxor.u32 $0x80000000, v14  }
0x297: {  	v13 =	vadd.s32 v53, v13;
	v54 =	vsel vm15, $0x1, v9;
	v15 =	vmax.f32 v12, v38;
	(xrf0) =	vmin.scan.msk.u32 $0xffff, v14  }
0x298: {  	v13 =	vadd.s32 v54, v13;
	v55 =	vsel vm10, $0x1, v9;
	v12 =	vsel vm10, v12, v15  }
0x299: {  	v13 =	vadd.s32 v55, v13;
	v57 =	vsel vm12, $0x1, v9;
	v56 =	vmax.f32 v12, v41  }
0x29a: {  	v13 =	vadd.s32 v57, v13;
	v58 =	vsel vm14, $0x1, v9;
	v12 =	vsel vm12, v12, v56  }
0x29b: {  	v13 =	vadd.s32 v58, v13;
	v59 =	vmax.f32 v12, v45  }
0x29c: {  	(xrf0) =	vadd.scan.msk.s32 $0xffff, v13;
	v12 =	vsel vm14, v12, v59  }
0x29d: {  	v60, _, _ =	vpop (xrf0);
	(xrf0) =	vmax.scan.msk.f32 $0xffff, v12;
	_ =	sdelay $0x1  }
0x29e: {  	(v2sf) =	vpush v60, $0xF;
	_ =	sdelay $0x2  }
0x29f: {  	v61, _, _ =	vpop (xrf0)  }
0x2a0: {  	(v2sf) =	vpush v61, $0xF;
	v62, _, _ =	vpop (xrf0)  }
0x2a1: {  	(v2sf) =	vpush v62, $0xF;
	_ =	sdelay $0x9  }
0x2a2: {  	s3 =	spop (v2sf)  }
0x2a3: {  	s21 =	sxor.u32 $0x80000000, s3  }
0x2a4: {  	[tilespmem:v10+s26+$0x0] =	vst.idx.msk $0x1, v11;
	v11 =	vmov s21;
	s4 =	sand.u32 $0xFFFFFF80, s21;
	s21 =	sand.u32 $0x70, s3  }
0x2a5: {  	[tilespmem:v10+s28+$0x0] =	vst.idx.msk $0x1, v11;
	s4 =	sor.u32 s21, s4  }
0x2a6: {  	s3 =	sand.u32 $0xF, s3;
	s21 =	spop (v2sf);
	v10 =	vld [tilespmem:s4+$0x0]  }
0x2a7: {  	s17 =	sxor.u32 $0x80000000, s17;
	v63 =	vmov s3;
	p0 =	sgt.s32 s21, $0x1;
	s3 =	spop (v2sf)  }
0x2a8: {  	v11 =	vmov s17;
	s3 =	smov.u32 @p0 s2;
	p0 =	sne.s32 s0, $0x3F  }
.Ltmp5:
0x2a9: {  	_ = 	snop;
	(pc) =	sbr.rel @p0 .LBB2_12-.Ltmp5, $4  }
0x2aa: {  	vm15 =	veq.s32 v63, v0  }
0x2ab: {  	v10 =	vsel vm15, $0xFF800000, v10  }
0x2ac: {  	[tilespmem:s4+$0x0] =	vst v10;
	v10 =	vmov s3  }
0x2ad: {  	s0 =	sadd.s32 $0x1, s0;
	[tilespmem:v11+s23+$0x0] =	vst.idx.msk $0x1, v10  }
0x2ae: {  	[hbm4b:s11+s1] =	stream.linear.scatter [tilespmem:s24], [sflag:$0x4], $0x80, $0x38;
	[tilespmem:$0x18300] =	vst v63  }
0x2af: {  	_ =	swait.ge [sflag:s29], $0x80  }
0x2b0: {  	[sflag:s29] =	ssyncset.done $0x0  }
0x2b1: {  	[sflag:s29] =	ssyncadd.s32 $0xFFFFFF80  }
0x2b2: {  	[hbm4b:s12+s1] =	stream.linear.scatter [tilespmem:s25], [sflag:$0x4], $0x80, $0x38;
	[tilespmem:$0x18300] =	vst v63  }
0x2b3: {  	_ =	swait.ge [sflag:s29], $0x80  }
0x2b4: {  	[sflag:s29] =	ssyncset.done $0x0  }
0x2b5: {  	[sflag:s29] =	ssyncadd.s32 $0xFFFFFF80  }
0x2b6: {  	[hbm4b:s13+s1] =	stream.linear.scatter [tilespmem:s26], [sflag:$0x4], $0x80, $0x38;
	[tilespmem:$0x18300] =	vst v63  }
0x2b7: {  	s31 =	sadd.s32 $0x1, s31;
	_ =	swait.ge [sflag:s29], $0x80  }
0x2b8: {  	p0 =	sne.s32 s31, s15;
	[sflag:s29] =	ssyncset.done $0x0  }
.Ltmp6:
0x2b9: {  	[sflag:s29] =	ssyncadd.s32 $0xFFFFFF80;
	(pc) =	sbr.rel @p0 .LBB2_1-.Ltmp6, $4  }
0x2ba: {  	[hbm4b:s14+s1] =	stream.linear.scatter [tilespmem:s28], [sflag:$0x4], $0x80, $0x38;
	[tilespmem:$0x18300] =	vst v63  }
0x2bb: {  	_ =	swait.ge [sflag:s29], $0x80  }
0x2bc: {  	[sflag:s29] =	ssyncset.done $0x0  }
0x2bd: {  	[sflag:s29] =	ssyncadd.s32 $0xFFFFFF80  }
0x2be: {  	_ =	sfence.sel $0x180000  }
0x2bf: {  	[bflag:$0x0] =	sbarrier.arrive $0xFFFF  }
0x2c0: {  	_ =	strace $0x90000047  }
0x2c1: {  	s0 =	stileid.u32;
	[bflag:$0x2] =	sbarrier.arrive $0xFFFF  }
0x2c2: {  	p0 =	sne.s32 s0, $0x0;
	s0 =	rddreg [dreg:$0x2]  }
0x2c3: {  	s0 =	sadd.s32 @!p0 $0x100000, s0  }
0x2c4: {  	[sflag:s0] =	ssyncadd.tile.s32 @!p0 $0x1;
	_ =	shalt  }
.Lfunc_end2:
_tile_overlayer_lowered:
.L_overlay_start_2:
0x2c5: {  	(tag) =	ssettag $0x2  }
0x2c6: {  	s0 =	rddreg [dreg:$0x0];
	s2 =	stileid.u32  }
0x2c7: {  	s1 =	rddreg [dreg:$0x1];
	p0 =	sne.s32 s2, $0x0  }
0x2c8: {  	s3 =	rddreg [dreg:$0x2];
	[bflag:$0x3] =	sbarrier.arrive $0xFFFF;
	s2 =	simm.s32 @!p0 $0x1C04  }
0x2c9: {  	[timem:s3], [sflag:s2] =	dma.local @!p0 [hbm:s0], s1  }
0x2ca: {  	s0 =	simm.s32 @!p0 $0x4  }
0x2cb: {  	_ =	swait.ge @!p0 [sflag:s0], s1  }
0x2cc: {  	s1 =	ssub.s32 @!p0 $0x0, s1;
	[sflag:s0] =	ssyncset.done @!p0 $0x0  }
0x2cd: {  	[sflag:s0] =	ssyncadd.s32 @!p0 s1  }
0x2ce: {  	[bflag:$0x3] =	sbarrier.arrive $0xFFFF  }
0x2cf: {  	_ =	shalt  }

</sc_bundles>
